<compile_context>
chip_gen: v7x
topology: tpu7x:2x2x1
jax: 0.10.2.dev20260603
libtpu: 0.0.44.dev20260713+nightly
codegen_flags: <defaults>
</compile_context>

<pallas_src>
import functools

import jax
import jax.numpy as jnp
from jax import lax
from jax.experimental import pallas as pl
from jax.experimental.pallas import tpu as pltpu
from jax.experimental.pallas import tpu_sc as plsc

_B, _G, _H, _NNZ, _NCOND, _Q = 4096, 1000, 1024, 131072, 2000, 256
_GP = 1024
_GH = _GP // 2
_NC, _NS, _L = 2, 16, 16
_RPC = _B // _NC
_XW = _RPC * _GH
_TW = _XW // _NS
_EPT = _NNZ // _NS
_CH = 128
_NCHUNK = _EPT // _CH
_PGT = _B // (_NC * _NS)
_ZW = 4096
_NZCOPY = _TW // _ZW


def _log1p_poly(v):
    z = v / (v + 2.0)
    u = z * z
    p = 1.0 / 11.0
    for c in (9.0, 7.0, 5.0, 3.0, 1.0):
        p = 1.0 / c + u * p
    return 2.0 * z * p


_SCH = 512
_NST = _EPT // _SCH


def _sc_body(vals_h, rows_h, cols_h, flag_h, pgid_h, ftab_h, ptab_h,
             x0_out, x1_out, pf_out, pg_out,
             val_st, row_st, col_st, sidx_big, sval_big, zeros_v, gidx_v,
             grow_v, xsh, sem_g, sem_lk, sem_s, sem_z):
    cid = lax.axis_index("c")
    sid = lax.axis_index("s")
    wid = sid * _NC + cid

    for k in range(_NST):
        src = pl.ds(sid * _SCH + k * (_NS * _SCH), _SCH)
        dst = pl.ds(k * _SCH, _SCH)
        pltpu.async_copy(vals_h.at[src], val_st.at[dst], sem_g)
        pltpu.async_copy(rows_h.at[src], row_st.at[dst], sem_g)
        pltpu.async_copy(cols_h.at[src], col_st.at[dst], sem_g)

    def zstore(i, c):
        zeros_v[pl.ds(i * _L, _L)] = jnp.zeros((_L,), jnp.float32)
        return c
    lax.fori_loop(0, _ZW // _L, zstore, 0)
    for k in range(_NZCOPY):
        pltpu.async_copy(zeros_v, xsh.at[pl.ds(sid * _TW + k * _ZW, _ZW)],
                         sem_z)

    for _ in range(3 * _NST):
        pltpu.make_async_copy(vals_h.at[pl.ds(0, _SCH)],
                              val_st.at[pl.ds(0, _SCH)], sem_g).wait()

    row_lo = cid * _RPC

    for p, x_out in ((0, x0_out), (1, x1_out)):
        col_lo = p * _GH
        for k in range(_NZCOPY):
            pltpu.make_async_copy(
                zeros_v, xsh.at[pl.ds(sid * _TW + k * _ZW, _ZW)],
                sem_z).wait()
        plsc.subcore_barrier()

        def chunk_body(j, nfired):
            rf = row_st[pl.ds(j * _CH, _L)][0]
            rl = row_st[pl.ds(j * _CH + _CH - _L, _L)][_L - 1]
            cond = (rl >= row_lo) & (rf < row_lo + _RPC)

            @pl.when(cond)
            def _fire_chunk():
                def vec_body(k, c2):
                    s = j * _CH + k * _L
                    w = _log1p_poly(val_st[pl.ds(s, _L)])
                    r = row_st[pl.ds(s, _L)]
                    cc = col_st[pl.ds(s, _L)] - col_lo
                    rr = r - row_lo
                    valid = ((rr >= 0) & (rr < _RPC)
                             & (cc >= 0) & (cc < _GH))
                    fidx = jnp.where(valid, rr * _GH + cc, _XW)
                    sidx_big[pl.ds(s, _L)] = fidx
                    sval_big[pl.ds(s, _L)] = jnp.where(valid, w, 0.0)
                    return c2
                lax.fori_loop(0, _CH // _L, vec_body, 0)
                pltpu.async_copy(
                    sval_big.at[pl.ds(j * _CH, _CH)],
                    xsh.at[sidx_big.at[pl.ds(j * _CH, _CH)]],
                    sem_s, add=True)
            return nfired + jnp.where(cond, 1, 0)

        nfired = lax.fori_loop(0, _NCHUNK, chunk_body, 0)

        if p == 0:
            base = wid * _PGT
            pltpu.sync_copy(flag_h.at[pl.ds(base, _PGT)], gidx_v)
            for q in range(2):
                pltpu.async_copy(ftab_h.at[gidx_v.at[pl.ds(q * 64, 64)]],
                                 grow_v, sem_lk).wait()
                pltpu.sync_copy(grow_v,
                                pf_out.at[pl.ds(base + q * 64, 64)])
            pltpu.sync_copy(pgid_h.at[pl.ds(base, _PGT)], gidx_v)
            for q in range(2):
                pltpu.async_copy(ptab_h.at[gidx_v.at[pl.ds(q * 64, 64)]],
                                 grow_v, sem_lk).wait()
                pltpu.sync_copy(grow_v,
                                pg_out.at[pl.ds(base + q * 64, 64)])

        def drain(j, c):
            pltpu.make_async_copy(sval_big.at[pl.ds(0, _CH)],
                                  xsh.at[sidx_big.at[pl.ds(0, _CH)]],
                                  sem_s).wait()
            return c
        lax.fori_loop(0, nfired, drain, 0)
        plsc.subcore_barrier()

        pltpu.sync_copy(xsh.at[pl.ds(sid * _TW, _TW)],
                        x_out.at[pl.ds(cid * _XW + sid * _TW, _TW)])
        if p == 0:
            for k in range(_NZCOPY):
                pltpu.async_copy(zeros_v,
                                 xsh.at[pl.ds(sid * _TW + k * _ZW, _ZW)],
                                 sem_z)


_sc_mesh = functools.partial(
    plsc.VectorSubcoreMesh, core_axis_name="c", subcore_axis_name="s")


@functools.lru_cache(maxsize=1)
def _build_sc_call():
    return functools.partial(
        pl.kernel,
        mesh=_sc_mesh(),
        out_type=(
            jax.ShapeDtypeStruct((_B * _GH,), jnp.float32),
            jax.ShapeDtypeStruct((_B * _GH,), jnp.float32),
            jax.ShapeDtypeStruct((_B, _Q), jnp.float32),
            jax.ShapeDtypeStruct((_B, _Q), jnp.float32),
        ),
        scratch_types=[
            pltpu.VMEM((_EPT,), jnp.float32),
            pltpu.VMEM((_EPT,), jnp.int32),
            pltpu.VMEM((_EPT,), jnp.int32),
            pltpu.VMEM((_EPT,), jnp.int32),
            pltpu.VMEM((_EPT,), jnp.float32),
            pltpu.VMEM((_ZW,), jnp.float32),
            pltpu.VMEM((_PGT,), jnp.int32),
            pltpu.VMEM((64, _Q), jnp.float32),
            pltpu.VMEM_SHARED((_XW + 2 * _L,), jnp.float32),
            pltpu.SemaphoreType.DMA,
            pltpu.SemaphoreType.DMA,
            pltpu.SemaphoreType.DMA,
            pltpu.SemaphoreType.DMA,
        ],
    )(_sc_body)


def _mm_body(e_ref, w_ref, o_ref):
    o_ref[...] = jnp.dot(e_ref[...], w_ref[...],
                         preferred_element_type=jnp.float32)


def _fuse_body(x0_ref, x1_ref, m0_ref, m1_ref, b1_ref, lng_ref, lnb_ref,
               wtop_ref, wmid_ref, wbot_ref, pf_ref, pg_ref, bf_ref, o_ref):
    acc = jnp.dot(x0_ref[...], m0_ref[...], preferred_element_type=jnp.float32)
    acc = acc + jnp.dot(x1_ref[...], m1_ref[...],
                        preferred_element_type=jnp.float32)
    acc = acc + b1_ref[...]
    h = jnp.maximum(acc, 0.0)
    mu = jnp.mean(h, axis=-1, keepdims=True)
    var = jnp.mean((h - mu) * (h - mu), axis=-1, keepdims=True)
    hn = (h - mu) * lax.rsqrt(var + 1e-5) * lng_ref[...] + lnb_ref[...]
    out = jnp.dot(hn, wtop_ref[...], preferred_element_type=jnp.float32)
    out = out + jnp.dot(pf_ref[...], wmid_ref[...],
                        preferred_element_type=jnp.float32)
    out = out + jnp.dot(pg_ref[...], wbot_ref[...],
                        preferred_element_type=jnp.float32)
    o_ref[...] = out + bf_ref[...]


_BLK = 256


def kernel(x_values, x_row_idx, x_col_idx, perturb_flag, perturb_gene_id,
           bb_gene_emb, W1, b1, ln_g, ln_b, flag_table, pert_table, Wf, bf):
    rows = x_row_idx.astype(jnp.int32)
    cols = x_col_idx.astype(jnp.int32)
    flag = perturb_flag.astype(jnp.int32)
    pgid = perturb_gene_id.astype(jnp.int32)

    x0_flat, x1_flat, pf, pg = _build_sc_call()(
        x_values, rows, cols, flag, pgid, flag_table, pert_table)
    X0 = x0_flat.reshape(_B, _GH)
    X1 = x1_flat.reshape(_B, _GH)

    e_pad = jnp.zeros((_GP, _H), jnp.float32).at[:_G].set(bb_gene_emb)
    M = pl.pallas_call(
        _mm_body,
        grid=(_GP // _BLK,),
        in_specs=[
            pl.BlockSpec((_BLK, _H), lambda i: (i, 0)),
            pl.BlockSpec((_H, _H), lambda i: (0, 0)),
        ],
        out_specs=pl.BlockSpec((_BLK, _H), lambda i: (i, 0)),
        out_shape=jax.ShapeDtypeStruct((_GP, _H), jnp.float32),
    )(e_pad, W1)

    out = pl.pallas_call(
        _fuse_body,
        grid=(_B // _BLK,),
        in_specs=[
            pl.BlockSpec((_BLK, _GH), lambda i: (i, 0)),
            pl.BlockSpec((_BLK, _GH), lambda i: (i, 0)),
            pl.BlockSpec((_GH, _H), lambda i: (0, 0)),
            pl.BlockSpec((_GH, _H), lambda i: (0, 0)),
            pl.BlockSpec((1, _H), lambda i: (0, 0)),
            pl.BlockSpec((1, _H), lambda i: (0, 0)),
            pl.BlockSpec((1, _H), lambda i: (0, 0)),
            pl.BlockSpec((_H, _H), lambda i: (0, 0)),
            pl.BlockSpec((_Q, _H), lambda i: (0, 0)),
            pl.BlockSpec((_Q, _H), lambda i: (0, 0)),
            pl.BlockSpec((_BLK, _Q), lambda i: (i, 0)),
            pl.BlockSpec((_BLK, _Q), lambda i: (i, 0)),
            pl.BlockSpec((1, _H), lambda i: (0, 0)),
        ],
        out_specs=pl.BlockSpec((_BLK, _H), lambda i: (i, 0)),
        out_shape=jax.ShapeDtypeStruct((_B, _H), jnp.float32),
    )(X0, X1, M[:_GH], M[_GH:], b1.reshape(1, _H), ln_g.reshape(1, _H),
      ln_b.reshape(1, _H), Wf[:_H], Wf[_H:_H + _Q], Wf[_H + _Q:],
      pf, pg, bf.reshape(1, _H))

    return out

# --- scband reference (transcript-rebuilt; emitter-appended) ---
"""Pipeline reference for scband-omics-embedding-layer-perturb-53429393162454 (READ-ONLY COPY).

The authoritative reference and input builder live on the scoring server;
editing this copy changes nothing except your own understanding.
"""

import jax, jax.numpy as jnp
import numpy as np

B = 4096
G = 1000
H = 1024
NNZ = 131072
NCOND = 2000
Q = H // 4


def _layer_norm(x, g, b, eps=1e-5):
    mu = jnp.mean(x, axis=-1, keepdims=True)
    var = jnp.var(x, axis=-1, keepdims=True)
    return (x - mu) / jnp.sqrt(var + eps) * g + b


def setup_inputs(seed: int = 0) -> dict:
    key = jax.random.key(seed)
    ks = jax.random.split(key, 12)
    x_values = jax.random.uniform(ks[0], (NNZ,), dtype=jnp.float32)
    x_row_idx = jnp.sort(jax.random.randint(ks[1], (NNZ,), 0, B))
    x_col_idx = jax.random.randint(ks[2], (NNZ,), 0, 990)
    perturb_flag = jax.random.randint(ks[3], (B,), 0, 2)
    perturb_gene_id = jax.random.randint(ks[4], (B,), 0, NCOND)
    bb_gene_emb = jax.random.normal(ks[5], (G, H), dtype=jnp.float32) * 0.005
    W1 = jax.random.normal(ks[6], (H, H), dtype=jnp.float32) / np.sqrt(H)
    b1 = jnp.zeros((H,), dtype=jnp.float32)
    ln_g = jnp.ones((H,), dtype=jnp.float32)
    ln_b = jnp.zeros((H,), dtype=jnp.float32)
    flag_table = jax.random.normal(ks[7], (2, Q), dtype=jnp.float32) * 0.02
    pert_table = jax.random.normal(ks[8], (NCOND, Q), dtype=jnp.float32) * 0.02
    Wf = jax.random.normal(ks[9], (H + 2 * Q, H), dtype=jnp.float32) / np.sqrt(H + 2 * Q)
    bf = jnp.zeros((H,), dtype=jnp.float32)
    return {"x_values": x_values, "x_row_idx": x_row_idx, "x_col_idx": x_col_idx, "perturb_flag": perturb_flag, "perturb_gene_id": perturb_gene_id, "bb_gene_emb": bb_gene_emb, "W1": W1, "b1": b1, "ln_g": ln_g, "ln_b": ln_b, "flag_table": flag_table, "pert_table": pert_table, "Wf": Wf, "bf": bf}


def reference(x_values, x_row_idx, x_col_idx, perturb_flag, perturb_gene_id, bb_gene_emb, W1, b1, ln_g, ln_b, flag_table, pert_table, Wf, bf):
    # OmicsEmbedder: x = log1p(sparse x_seq); feat = F.embedding(arange(G), bb_gene_emb);
    # feat_out = torch.sparse.mm(x, feat) == gather gene rows by col idx, scale by value,
    # scatter-add (segment_sum) into cell rows.
    vals = jnp.log1p(x_values)
    feat = jnp.take(bb_gene_emb, x_col_idx, axis=0)
    agg = jax.ops.segment_sum(vals[:, None] * feat, x_row_idx, num_segments=B)
    # extra_linear: Linear -> ReLU -> Dropout(p=0, identity) -> LayerNorm
    h = jnp.maximum(agg @ W1 + b1, 0.0)
    h = _layer_norm(h, ln_g, ln_b)
    # perturbation path: flag embedding + condition embedding, concat, fusion Linear
    pf = jnp.take(flag_table, perturb_flag, axis=0)
    pg = jnp.take(pert_table, perturb_gene_id, axis=0)
    comb = jnp.concatenate([h, pf, pg], axis=-1)
    out = comb @ Wf + bf
    return out

if __name__ == "__main__":
    import jax
    _d = setup_inputs()
    print(jax.jit(kernel)(*tuple(_d.values())))

</pallas_src>

<mosaic_0001>
#map = affine_map<(d0, d1) -> (0)>
#map1 = affine_map<(d0, d1) -> (0, 0)>
module attributes {stable_mosaic.version = 14 : i64} {
  func.func @_sc_body(%arg0: i32, %arg1: i32, %arg2: memref<131072xf32, #tpu.memory_space<hbm>>, %arg3: memref<131072xi32, #tpu.memory_space<hbm>>, %arg4: memref<131072xi32, #tpu.memory_space<hbm>>, %arg5: memref<4096xi32, #tpu.memory_space<hbm>>, %arg6: memref<4096xi32, #tpu.memory_space<hbm>>, %arg7: memref<2x256xf32, #tpu.memory_space<hbm>>, %arg8: memref<2000x256xf32, #tpu.memory_space<hbm>>, %arg9: memref<2097152xf32, #tpu.memory_space<hbm>>, %arg10: memref<2097152xf32, #tpu.memory_space<hbm>>, %arg11: memref<4096x256xf32, #tpu.memory_space<hbm>>, %arg12: memref<4096x256xf32, #tpu.memory_space<hbm>>, %arg13: memref<8192xf32, #tpu.memory_space<vmem>>, %arg14: memref<8192xi32, #tpu.memory_space<vmem>>, %arg15: memref<8192xi32, #tpu.memory_space<vmem>>, %arg16: memref<8192xi32, #tpu.memory_space<vmem>>, %arg17: memref<8192xf32, #tpu.memory_space<vmem>>, %arg18: memref<4096xf32, #tpu.memory_space<vmem>>, %arg19: memref<128xi32, #tpu.memory_space<vmem>>, %arg20: memref<64x256xf32, #tpu.memory_space<vmem>>, %arg21: memref<1048608xf32, #tpu.memory_space<vmem_shared>>, %arg22: memref<!tpu.dma_semaphore, #tpu.memory_space<semaphore_mem>>, %arg23: memref<!tpu.dma_semaphore, #tpu.memory_space<semaphore_mem>>, %arg24: memref<!tpu.dma_semaphore, #tpu.memory_space<semaphore_mem>>, %arg25: memref<!tpu.dma_semaphore, #tpu.memory_space<semaphore_mem>>) attributes {dimension_semantics = [#tpu.dimension_semantics<core_parallel>, #tpu.dimension_semantics<subcore_parallel>], iteration_bounds = array<i64: 2, 16>, scalar_prefetch = 0 : i64, scratch_operands = 13 : i64, tpu.core_type = #tpu.core_type<sc_vector_subcore>, window_params = [{transform_indices = #map}, {transform_indices = #map}, {transform_indices = #map}, {transform_indices = #map}, {transform_indices = #map}, {transform_indices = #map1}, {transform_indices = #map1}, {transform_indices = #map}, {transform_indices = #map}, {transform_indices = #map1}, {transform_indices = #map1}]} {
    %mul3A = arith.constant 2 : i32
    %mul3A_0 = arith.muli %arg1, %mul3A : i32
    %add3A = arith.addi %mul3A_0, %arg0 : i32
    %mul3A_1 = arith.constant 512 : i32
    %mul3A_2 = arith.muli %arg1, %mul3A_1 : i32
    %add3A_3 = arith.constant 0 : i32
    %add3A_4 = arith.addi %mul3A_2, %add3A_3 : i32
    %dma_start3A = arith.constant 0 : i32
    %dma_start3A_5 = tpu.memref_slice %arg13[%dma_start3A] : memref<8192xf32, #tpu.memory_space<vmem>> -> memref<512xf32, #tpu.memory_space<vmem>>
    %dma_start3A_6 = tpu.memref_slice %arg2[%add3A_4] : memref<131072xf32, #tpu.memory_space<hbm>> -> memref<512xf32, #tpu.memory_space<hbm>>
    %dma_start3A_7 = arith.constant 0 : i32
    %dma_start3A_8 = tpu.memref_slice %arg13[%dma_start3A_7] : memref<8192xf32, #tpu.memory_space<vmem>> -> memref<512xf32, #tpu.memory_space<vmem>>
    %dma_start3A_9 = tpu.memref_slice %arg2[%add3A_4] : memref<131072xf32, #tpu.memory_space<hbm>> -> memref<512xf32, #tpu.memory_space<hbm>>
    tpu.enqueue_dma source(%dma_start3A_9 : memref<512xf32, #tpu.memory_space<hbm>>) target(%dma_start3A_8 : memref<512xf32, #tpu.memory_space<vmem>>) target_semaphore(%arg22 : memref<!tpu.dma_semaphore, #tpu.memory_space<semaphore_mem>>)
    %dma_start3A_10 = arith.constant 0 : i32
    %dma_start3A_11 = tpu.memref_slice %arg14[%dma_start3A_10] : memref<8192xi32, #tpu.memory_space<vmem>> -> memref<512xi32, #tpu.memory_space<vmem>>
    %dma_start3A_12 = tpu.memref_slice %arg3[%add3A_4] : memref<131072xi32, #tpu.memory_space<hbm>> -> memref<512xi32, #tpu.memory_space<hbm>>
    %dma_start3A_13 = arith.constant 0 : i32
    %dma_start3A_14 = tpu.memref_slice %arg14[%dma_start3A_13] : memref<8192xi32, #tpu.memory_space<vmem>> -> memref<512xi32, #tpu.memory_space<vmem>>
    %dma_start3A_15 = tpu.memref_slice %arg3[%add3A_4] : memref<131072xi32, #tpu.memory_space<hbm>> -> memref<512xi32, #tpu.memory_space<hbm>>
    tpu.enqueue_dma source(%dma_start3A_15 : memref<512xi32, #tpu.memory_space<hbm>>) target(%dma_start3A_14 : memref<512xi32, #tpu.memory_space<vmem>>) target_semaphore(%arg22 : memref<!tpu.dma_semaphore, #tpu.memory_space<semaphore_mem>>)
    %dma_start3A_16 = arith.constant 0 : i32
    %dma_start3A_17 = tpu.memref_slice %arg15[%dma_start3A_16] : memref<8192xi32, #tpu.memory_space<vmem>> -> memref<512xi32, #tpu.memory_space<vmem>>
    %dma_start3A_18 = tpu.memref_slice %arg4[%add3A_4] : memref<131072xi32, #tpu.memory_space<hbm>> -> memref<512xi32, #tpu.memory_space<hbm>>
    %dma_start3A_19 = arith.constant 0 : i32
    %dma_start3A_20 = tpu.memref_slice %arg15[%dma_start3A_19] : memref<8192xi32, #tpu.memory_space<vmem>> -> memref<512xi32, #tpu.memory_space<vmem>>
    %dma_start3A_21 = tpu.memref_slice %arg4[%add3A_4] : memref<131072xi32, #tpu.memory_space<hbm>> -> memref<512xi32, #tpu.memory_space<hbm>>
    tpu.enqueue_dma source(%dma_start3A_21 : memref<512xi32, #tpu.memory_space<hbm>>) target(%dma_start3A_20 : memref<512xi32, #tpu.memory_space<vmem>>) target_semaphore(%arg22 : memref<!tpu.dma_semaphore, #tpu.memory_space<semaphore_mem>>)
    %mul3A_22 = arith.constant 512 : i32
    %mul3A_23 = arith.muli %arg1, %mul3A_22 : i32
    %add3A_24 = arith.constant 8192 : i32
    %add3A_25 = arith.addi %mul3A_23, %add3A_24 : i32
    %dma_start3A_26 = arith.constant 512 : i32
    %dma_start3A_27 = tpu.memref_slice %arg13[%dma_start3A_26] : memref<8192xf32, #tpu.memory_space<vmem>> -> memref<512xf32, #tpu.memory_space<vmem>>
    %dma_start3A_28 = tpu.memref_slice %arg2[%add3A_25] : memref<131072xf32, #tpu.memory_space<hbm>> -> memref<512xf32, #tpu.memory_space<hbm>>
    %dma_start3A_29 = arith.constant 512 : i32
    %dma_start3A_30 = tpu.memref_slice %arg13[%dma_start3A_29] : memref<8192xf32, #tpu.memory_space<vmem>> -> memref<512xf32, #tpu.memory_space<vmem>>
    %dma_start3A_31 = tpu.memref_slice %arg2[%add3A_25] : memref<131072xf32, #tpu.memory_space<hbm>> -> memref<512xf32, #tpu.memory_space<hbm>>
    tpu.enqueue_dma source(%dma_start3A_31 : memref<512xf32, #tpu.memory_space<hbm>>) target(%dma_start3A_30 : memref<512xf32, #tpu.memory_space<vmem>>) target_semaphore(%arg22 : memref<!tpu.dma_semaphore, #tpu.memory_space<semaphore_mem>>)
    %dma_start3A_32 = arith.constant 512 : i32
    %dma_start3A_33 = tpu.memref_slice %arg14[%dma_start3A_32] : memref<8192xi32, #tpu.memory_space<vmem>> -> memref<512xi32, #tpu.memory_space<vmem>>
    %dma_start3A_34 = tpu.memref_slice %arg3[%add3A_25] : memref<131072xi32, #tpu.memory_space<hbm>> -> memref<512xi32, #tpu.memory_space<hbm>>
    %dma_start3A_35 = arith.constant 512 : i32
    %dma_start3A_36 = tpu.memref_slice %arg14[%dma_start3A_35] : memref<8192xi32, #tpu.memory_space<vmem>> -> memref<512xi32, #tpu.memory_space<vmem>>
    %dma_start3A_37 = tpu.memref_slice %arg3[%add3A_25] : memref<131072xi32, #tpu.memory_space<hbm>> -> memref<512xi32, #tpu.memory_space<hbm>>
    tpu.enqueue_dma source(%dma_start3A_37 : memref<512xi32, #tpu.memory_space<hbm>>) target(%dma_start3A_36 : memref<512xi32, #tpu.memory_space<vmem>>) target_semaphore(%arg22 : memref<!tpu.dma_semaphore, #tpu.memory_space<semaphore_mem>>)
    %dma_start3A_38 = arith.constant 512 : i32
    %dma_start3A_39 = tpu.memref_slice %arg15[%dma_start3A_38] : memref<8192xi32, #tpu.memory_space<vmem>> -> memref<512xi32, #tpu.memory_space<vmem>>
    %dma_start3A_40 = tpu.memref_slice %arg4[%add3A_25] : memref<131072xi32, #tpu.memory_space<hbm>> -> memref<512xi32, #tpu.memory_space<hbm>>
    %dma_start3A_41 = arith.constant 512 : i32
    %dma_start3A_42 = tpu.memref_slice %arg15[%dma_start3A_41] : memref<8192xi32, #tpu.memory_space<vmem>> -> memref<512xi32, #tpu.memory_space<vmem>>
    %dma_start3A_43 = tpu.memref_slice %arg4[%add3A_25] : memref<131072xi32, #tpu.memory_space<hbm>> -> memref<512xi32, #tpu.memory_space<hbm>>
    tpu.enqueue_dma source(%dma_start3A_43 : memref<512xi32, #tpu.memory_space<hbm>>) target(%dma_start3A_42 : memref<512xi32, #tpu.memory_space<vmem>>) target_semaphore(%arg22 : memref<!tpu.dma_semaphore, #tpu.memory_space<semaphore_mem>>)
    %mul3A_44 = arith.constant 512 : i32
    %mul3A_45 = arith.muli %arg1, %mul3A_44 : i32
    %add3A_46 = arith.constant 16384 : i32
    %add3A_47 = arith.addi %mul3A_45, %add3A_46 : i32
    %dma_start3A_48 = arith.constant 1024 : i32
    %dma_start3A_49 = tpu.memref_slice %arg13[%dma_start3A_48] : memref<8192xf32, #tpu.memory_space<vmem>> -> memref<512xf32, #tpu.memory_space<vmem>>
    %dma_start3A_50 = tpu.memref_slice %arg2[%add3A_47] : memref<131072xf32, #tpu.memory_space<hbm>> -> memref<512xf32, #tpu.memory_space<hbm>>
    %dma_start3A_51 = arith.constant 1024 : i32
    %dma_start3A_52 = tpu.memref_slice %arg13[%dma_start3A_51] : memref<8192xf32, #tpu.memory_space<vmem>> -> memref<512xf32, #tpu.memory_space<vmem>>
    %dma_start3A_53 = tpu.memref_slice %arg2[%add3A_47] : memref<131072xf32, #tpu.memory_space<hbm>> -> memref<512xf32, #tpu.memory_space<hbm>>
    tpu.enqueue_dma source(%dma_start3A_53 : memref<512xf32, #tpu.memory_space<hbm>>) target(%dma_start3A_52 : memref<512xf32, #tpu.memory_space<vmem>>) target_semaphore(%arg22 : memref<!tpu.dma_semaphore, #tpu.memory_space<semaphore_mem>>)
    %dma_start3A_54 = arith.constant 1024 : i32
    %dma_start3A_55 = tpu.memref_slice %arg14[%dma_start3A_54] : memref<8192xi32, #tpu.memory_space<vmem>> -> memref<512xi32, #tpu.memory_space<vmem>>
    %dma_start3A_56 = tpu.memref_slice %arg3[%add3A_47] : memref<131072xi32, #tpu.memory_space<hbm>> -> memref<512xi32, #tpu.memory_space<hbm>>
    %dma_start3A_57 = arith.constant 1024 : i32
    %dma_start3A_58 = tpu.memref_slice %arg14[%dma_start3A_57] : memref<8192xi32, #tpu.memory_space<vmem>> -> memref<512xi32, #tpu.memory_space<vmem>>
    %dma_start3A_59 = tpu.memref_slice %arg3[%add3A_47] : memref<131072xi32, #tpu.memory_space<hbm>> -> memref<512xi32, #tpu.memory_space<hbm>>
    tpu.enqueue_dma source(%dma_start3A_59 : memref<512xi32, #tpu.memory_space<hbm>>) target(%dma_start3A_58 : memref<512xi32, #tpu.memory_space<vmem>>) target_semaphore(%arg22 : memref<!tpu.dma_semaphore, #tpu.memory_space<semaphore_mem>>)
    %dma_start3A_60 = arith.constant 1024 : i32
    %dma_start3A_61 = tpu.memref_slice %arg15[%dma_start3A_60] : memref<8192xi32, #tpu.memory_space<vmem>> -> memref<512xi32, #tpu.memory_space<vmem>>
    %dma_start3A_62 = tpu.memref_slice %arg4[%add3A_47] : memref<131072xi32, #tpu.memory_space<hbm>> -> memref<512xi32, #tpu.memory_space<hbm>>
    %dma_start3A_63 = arith.constant 1024 : i32
    %dma_start3A_64 = tpu.memref_slice %arg15[%dma_start3A_63] : memref<8192xi32, #tpu.memory_space<vmem>> -> memref<512xi32, #tpu.memory_space<vmem>>
    %dma_start3A_65 = tpu.memref_slice %arg4[%add3A_47] : memref<131072xi32, #tpu.memory_space<hbm>> -> memref<512xi32, #tpu.memory_space<hbm>>
    tpu.enqueue_dma source(%dma_start3A_65 : memref<512xi32, #tpu.memory_space<hbm>>) target(%dma_start3A_64 : memref<512xi32, #tpu.memory_space<vmem>>) target_semaphore(%arg22 : memref<!tpu.dma_semaphore, #tpu.memory_space<semaphore_mem>>)
    %mul3A_66 = arith.constant 512 : i32
    %mul3A_67 = arith.muli %arg1, %mul3A_66 : i32
    %add3A_68 = arith.constant 24576 : i32
    %add3A_69 = arith.addi %mul3A_67, %add3A_68 : i32
    %dma_start3A_70 = arith.constant 1536 : i32
    %dma_start3A_71 = tpu.memref_slice %arg13[%dma_start3A_70] : memref<8192xf32, #tpu.memory_space<vmem>> -> memref<512xf32, #tpu.memory_space<vmem>>
    %dma_start3A_72 = tpu.memref_slice %arg2[%add3A_69] : memref<131072xf32, #tpu.memory_space<hbm>> -> memref<512xf32, #tpu.memory_space<hbm>>
    %dma_start3A_73 = arith.constant 1536 : i32
    %dma_start3A_74 = tpu.memref_slice %arg13[%dma_start3A_73] : memref<8192xf32, #tpu.memory_space<vmem>> -> memref<512xf32, #tpu.memory_space<vmem>>
    %dma_start3A_75 = tpu.memref_slice %arg2[%add3A_69] : memref<131072xf32, #tpu.memory_space<hbm>> -> memref<512xf32, #tpu.memory_space<hbm>>
    tpu.enqueue_dma source(%dma_start3A_75 : memref<512xf32, #tpu.memory_space<hbm>>) target(%dma_start3A_74 : memref<512xf32, #tpu.memory_space<vmem>>) target_semaphore(%arg22 : memref<!tpu.dma_semaphore, #tpu.memory_space<semaphore_mem>>)
    %dma_start3A_76 = arith.constant 1536 : i32
    %dma_start3A_77 = tpu.memref_slice %arg14[%dma_start3A_76] : memref<8192xi32, #tpu.memory_space<vmem>> -> memref<512xi32, #tpu.memory_space<vmem>>
    %dma_start3A_78 = tpu.memref_slice %arg3[%add3A_69] : memref<131072xi32, #tpu.memory_space<hbm>> -> memref<512xi32, #tpu.memory_space<hbm>>
    %dma_start3A_79 = arith.constant 1536 : i32
    %dma_start3A_80 = tpu.memref_slice %arg14[%dma_start3A_79] : memref<8192xi32, #tpu.memory_space<vmem>> -> memref<512xi32, #tpu.memory_space<vmem>>
    %dma_start3A_81 = tpu.memref_slice %arg3[%add3A_69] : memref<131072xi32, #tpu.memory_space<hbm>> -> memref<512xi32, #tpu.memory_space<hbm>>
    tpu.enqueue_dma source(%dma_start3A_81 : memref<512xi32, #tpu.memory_space<hbm>>) target(%dma_start3A_80 : memref<512xi32, #tpu.memory_space<vmem>>) target_semaphore(%arg22 : memref<!tpu.dma_semaphore, #tpu.memory_space<semaphore_mem>>)
    %dma_start3A_82 = arith.constant 1536 : i32
    %dma_start3A_83 = tpu.memref_slice %arg15[%dma_start3A_82] : memref<8192xi32, #tpu.memory_space<vmem>> -> memref<512xi32, #tpu.memory_space<vmem>>
    %dma_start3A_84 = tpu.memref_slice %arg4[%add3A_69] : memref<131072xi32, #tpu.memory_space<hbm>> -> memref<512xi32, #tpu.memory_space<hbm>>
    %dma_start3A_85 = arith.constant 1536 : i32
    %dma_start3A_86 = tpu.memref_slice %arg15[%dma_start3A_85] : memref<8192xi32, #tpu.memory_space<vmem>> -> memref<512xi32, #tpu.memory_space<vmem>>
    %dma_start3A_87 = tpu.memref_slice %arg4[%add3A_69] : memref<131072xi32, #tpu.memory_space<hbm>> -> memref<512xi32, #tpu.memory_space<hbm>>
    tpu.enqueue_dma source(%dma_start3A_87 : memref<512xi32, #tpu.memory_space<hbm>>) target(%dma_start3A_86 : memref<512xi32, #tpu.memory_space<vmem>>) target_semaphore(%arg22 : memref<!tpu.dma_semaphore, #tpu.memory_space<semaphore_mem>>)
    %mul3A_88 = arith.constant 512 : i32
    %mul3A_89 = arith.muli %arg1, %mul3A_88 : i32
    %add3A_90 = arith.constant 32768 : i32
    %add3A_91 = arith.addi %mul3A_89, %add3A_90 : i32
    %dma_start3A_92 = arith.constant 2048 : i32
    %dma_start3A_93 = tpu.memref_slice %arg13[%dma_start3A_92] : memref<8192xf32, #tpu.memory_space<vmem>> -> memref<512xf32, #tpu.memory_space<vmem>>
    %dma_start3A_94 = tpu.memref_slice %arg2[%add3A_91] : memref<131072xf32, #tpu.memory_space<hbm>> -> memref<512xf32, #tpu.memory_space<hbm>>
    %dma_start3A_95 = arith.constant 2048 : i32
    %dma_start3A_96 = tpu.memref_slice %arg13[%dma_start3A_95] : memref<8192xf32, #tpu.memory_space<vmem>> -> memref<512xf32, #tpu.memory_space<vmem>>
    %dma_start3A_97 = tpu.memref_slice %arg2[%add3A_91] : memref<131072xf32, #tpu.memory_space<hbm>> -> memref<512xf32, #tpu.memory_space<hbm>>
    tpu.enqueue_dma source(%dma_start3A_97 : memref<512xf32, #tpu.memory_space<hbm>>) target(%dma_start3A_96 : memref<512xf32, #tpu.memory_space<vmem>>) target_semaphore(%arg22 : memref<!tpu.dma_semaphore, #tpu.memory_space<semaphore_mem>>)
    %dma_start3A_98 = arith.constant 2048 : i32
    %dma_start3A_99 = tpu.memref_slice %arg14[%dma_start3A_98] : memref<8192xi32, #tpu.memory_space<vmem>> -> memref<512xi32, #tpu.memory_space<vmem>>
    %dma_start3A_100 = tpu.memref_slice %arg3[%add3A_91] : memref<131072xi32, #tpu.memory_space<hbm>> -> memref<512xi32, #tpu.memory_space<hbm>>
    %dma_start3A_101 = arith.constant 2048 : i32
    %dma_start3A_102 = tpu.memref_slice %arg14[%dma_start3A_101] : memref<8192xi32, #tpu.memory_space<vmem>> -> memref<512xi32, #tpu.memory_space<vmem>>
    %dma_start3A_103 = tpu.memref_slice %arg3[%add3A_91] : memref<131072xi32, #tpu.memory_space<hbm>> -> memref<512xi32, #tpu.memory_space<hbm>>
    tpu.enqueue_dma source(%dma_start3A_103 : memref<512xi32, #tpu.memory_space<hbm>>) target(%dma_start3A_102 : memref<512xi32, #tpu.memory_space<vmem>>) target_semaphore(%arg22 : memref<!tpu.dma_semaphore, #tpu.memory_space<semaphore_mem>>)
    %dma_start3A_104 = arith.constant 2048 : i32
    %dma_start3A_105 = tpu.memref_slice %arg15[%dma_start3A_104] : memref<8192xi32, #tpu.memory_space<vmem>> -> memref<512xi32, #tpu.memory_space<vmem>>
    %dma_start3A_106 = tpu.memref_slice %arg4[%add3A_91] : memref<131072xi32, #tpu.memory_space<hbm>> -> memref<512xi32, #tpu.memory_space<hbm>>
    %dma_start3A_107 = arith.constant 2048 : i32
    %dma_start3A_108 = tpu.memref_slice %arg15[%dma_start3A_107] : memref<8192xi32, #tpu.memory_space<vmem>> -> memref<512xi32, #tpu.memory_space<vmem>>
    %dma_start3A_109 = tpu.memref_slice %arg4[%add3A_91] : memref<131072xi32, #tpu.memory_space<hbm>> -> memref<512xi32, #tpu.memory_space<hbm>>
    tpu.enqueue_dma source(%dma_start3A_109 : memref<512xi32, #tpu.memory_space<hbm>>) target(%dma_start3A_108 : memref<512xi32, #tpu.memory_space<vmem>>) target_semaphore(%arg22 : memref<!tpu.dma_semaphore, #tpu.memory_space<semaphore_mem>>)
    %mul3A_110 = arith.constant 512 : i32
    %mul3A_111 = arith.muli %arg1, %mul3A_110 : i32
    %add3A_112 = arith.constant 40960 : i32
    %add3A_113 = arith.addi %mul3A_111, %add3A_112 : i32
    %dma_start3A_114 = arith.constant 2560 : i32
    %dma_start3A_115 = tpu.memref_slice %arg13[%dma_start3A_114] : memref<8192xf32, #tpu.memory_space<vmem>> -> memref<512xf32, #tpu.memory_space<vmem>>
    %dma_start3A_116 = tpu.memref_slice %arg2[%add3A_113] : memref<131072xf32, #tpu.memory_space<hbm>> -> memref<512xf32, #tpu.memory_space<hbm>>
    %dma_start3A_117 = arith.constant 2560 : i32
    %dma_start3A_118 = tpu.memref_slice %arg13[%dma_start3A_117] : memref<8192xf32, #tpu.memory_space<vmem>> -> memref<512xf32, #tpu.memory_space<vmem>>
    %dma_start3A_119 = tpu.memref_slice %arg2[%add3A_113] : memref<131072xf32, #tpu.memory_space<hbm>> -> memref<512xf32, #tpu.memory_space<hbm>>
    tpu.enqueue_dma source(%dma_start3A_119 : memref<512xf32, #tpu.memory_space<hbm>>) target(%dma_start3A_118 : memref<512xf32, #tpu.memory_space<vmem>>) target_semaphore(%arg22 : memref<!tpu.dma_semaphore, #tpu.memory_space<semaphore_mem>>)
    %dma_start3A_120 = arith.constant 2560 : i32
    %dma_start3A_121 = tpu.memref_slice %arg14[%dma_start3A_120] : memref<8192xi32, #tpu.memory_space<vmem>> -> memref<512xi32, #tpu.memory_space<vmem>>
    %dma_start3A_122 = tpu.memref_slice %arg3[%add3A_113] : memref<131072xi32, #tpu.memory_space<hbm>> -> memref<512xi32, #tpu.memory_space<hbm>>
    %dma_start3A_123 = arith.constant 2560 : i32
    %dma_start3A_124 = tpu.memref_slice %arg14[%dma_start3A_123] : memref<8192xi32, #tpu.memory_space<vmem>> -> memref<512xi32, #tpu.memory_space<vmem>>
    %dma_start3A_125 = tpu.memref_slice %arg3[%add3A_113] : memref<131072xi32, #tpu.memory_space<hbm>> -> memref<512xi32, #tpu.memory_space<hbm>>
    tpu.enqueue_dma source(%dma_start3A_125 : memref<512xi32, #tpu.memory_space<hbm>>) target(%dma_start3A_124 : memref<512xi32, #tpu.memory_space<vmem>>) target_semaphore(%arg22 : memref<!tpu.dma_semaphore, #tpu.memory_space<semaphore_mem>>)
    %dma_start3A_126 = arith.constant 2560 : i32
    %dma_start3A_127 = tpu.memref_slice %arg15[%dma_start3A_126] : memref<8192xi32, #tpu.memory_space<vmem>> -> memref<512xi32, #tpu.memory_space<vmem>>
    %dma_start3A_128 = tpu.memref_slice %arg4[%add3A_113] : memref<131072xi32, #tpu.memory_space<hbm>> -> memref<512xi32, #tpu.memory_space<hbm>>
    %dma_start3A_129 = arith.constant 2560 : i32
    %dma_start3A_130 = tpu.memref_slice %arg15[%dma_start3A_129] : memref<8192xi32, #tpu.memory_space<vmem>> -> memref<512xi32, #tpu.memory_space<vmem>>
    %dma_start3A_131 = tpu.memref_slice %arg4[%add3A_113] : memref<131072xi32, #tpu.memory_space<hbm>> -> memref<512xi32, #tpu.memory_space<hbm>>
    tpu.enqueue_dma source(%dma_start3A_131 : memref<512xi32, #tpu.memory_space<hbm>>) target(%dma_start3A_130 : memref<512xi32, #tpu.memory_space<vmem>>) target_semaphore(%arg22 : memref<!tpu.dma_semaphore, #tpu.memory_space<semaphore_mem>>)
    %mul3A_132 = arith.constant 512 : i32
    %mul3A_133 = arith.muli %arg1, %mul3A_132 : i32
    %add3A_134 = arith.constant 49152 : i32
    %add3A_135 = arith.addi %mul3A_133, %add3A_134 : i32
    %dma_start3A_136 = arith.constant 3072 : i32
    %dma_start3A_137 = tpu.memref_slice %arg13[%dma_start3A_136] : memref<8192xf32, #tpu.memory_space<vmem>> -> memref<512xf32, #tpu.memory_space<vmem>>
    %dma_start3A_138 = tpu.memref_slice %arg2[%add3A_135] : memref<131072xf32, #tpu.memory_space<hbm>> -> memref<512xf32, #tpu.memory_space<hbm>>
    %dma_start3A_139 = arith.constant 3072 : i32
    %dma_start3A_140 = tpu.memref_slice %arg13[%dma_start3A_139] : memref<8192xf32, #tpu.memory_space<vmem>> -> memref<512xf32, #tpu.memory_space<vmem>>
    %dma_start3A_141 = tpu.memref_slice %arg2[%add3A_135] : memref<131072xf32, #tpu.memory_space<hbm>> -> memref<512xf32, #tpu.memory_space<hbm>>
    tpu.enqueue_dma source(%dma_start3A_141 : memref<512xf32, #tpu.memory_space<hbm>>) target(%dma_start3A_140 : memref<512xf32, #tpu.memory_space<vmem>>) target_semaphore(%arg22 : memref<!tpu.dma_semaphore, #tpu.memory_space<semaphore_mem>>)
    %dma_start3A_142 = arith.constant 3072 : i32
    %dma_start3A_143 = tpu.memref_slice %arg14[%dma_start3A_142] : memref<8192xi32, #tpu.memory_space<vmem>> -> memref<512xi32, #tpu.memory_space<vmem>>
    %dma_start3A_144 = tpu.memref_slice %arg3[%add3A_135] : memref<131072xi32, #tpu.memory_space<hbm>> -> memref<512xi32, #tpu.memory_space<hbm>>
    %dma_start3A_145 = arith.constant 3072 : i32
    %dma_start3A_146 = tpu.memref_slice %arg14[%dma_start3A_145] : memref<8192xi32, #tpu.memory_space<vmem>> -> memref<512xi32, #tpu.memory_space<vmem>>
    %dma_start3A_147 = tpu.memref_slice %arg3[%add3A_135] : memref<131072xi32, #tpu.memory_space<hbm>> -> memref<512xi32, #tpu.memory_space<hbm>>
    tpu.enqueue_dma source(%dma_start3A_147 : memref<512xi32, #tpu.memory_space<hbm>>) target(%dma_start3A_146 : memref<512xi32, #tpu.memory_space<vmem>>) target_semaphore(%arg22 : memref<!tpu.dma_semaphore, #tpu.memory_space<semaphore_mem>>)
    %dma_start3A_148 = arith.constant 3072 : i32
    %dma_start3A_149 = tpu.memref_slice %arg15[%dma_start3A_148] : memref<8192xi32, #tpu.memory_space<vmem>> -> memref<512xi32, #tpu.memory_space<vmem>>
    %dma_start3A_150 = tpu.memref_slice %arg4[%add3A_135] : memref<131072xi32, #tpu.memory_space<hbm>> -> memref<512xi32, #tpu.memory_space<hbm>>
    %dma_start3A_151 = arith.constant 3072 : i32
    %dma_start3A_152 = tpu.memref_slice %arg15[%dma_start3A_151] : memref<8192xi32, #tpu.memory_space<vmem>> -> memref<512xi32, #tpu.memory_space<vmem>>
    %dma_start3A_153 = tpu.memref_slice %arg4[%add3A_135] : memref<131072xi32, #tpu.memory_space<hbm>> -> memref<512xi32, #tpu.memory_space<hbm>>
    tpu.enqueue_dma source(%dma_start3A_153 : memref<512xi32, #tpu.memory_space<hbm>>) target(%dma_start3A_152 : memref<512xi32, #tpu.memory_space<vmem>>) target_semaphore(%arg22 : memref<!tpu.dma_semaphore, #tpu.memory_space<semaphore_mem>>)
    %mul3A_154 = arith.constant 512 : i32
    %mul3A_155 = arith.muli %arg1, %mul3A_154 : i32
    %add3A_156 = arith.constant 57344 : i32
    %add3A_157 = arith.addi %mul3A_155, %add3A_156 : i32
    %dma_start3A_158 = arith.constant 3584 : i32
    %dma_start3A_159 = tpu.memref_slice %arg13[%dma_start3A_158] : memref<8192xf32, #tpu.memory_space<vmem>> -> memref<512xf32, #tpu.memory_space<vmem>>
    %dma_start3A_160 = tpu.memref_slice %arg2[%add3A_157] : memref<131072xf32, #tpu.memory_space<hbm>> -> memref<512xf32, #tpu.memory_space<hbm>>
    %dma_start3A_161 = arith.constant 3584 : i32
    %dma_start3A_162 = tpu.memref_slice %arg13[%dma_start3A_161] : memref<8192xf32, #tpu.memory_space<vmem>> -> memref<512xf32, #tpu.memory_space<vmem>>
    %dma_start3A_163 = tpu.memref_slice %arg2[%add3A_157] : memref<131072xf32, #tpu.memory_space<hbm>> -> memref<512xf32, #tpu.memory_space<hbm>>
    tpu.enqueue_dma source(%dma_start3A_163 : memref<512xf32, #tpu.memory_space<hbm>>) target(%dma_start3A_162 : memref<512xf32, #tpu.memory_space<vmem>>) target_semaphore(%arg22 : memref<!tpu.dma_semaphore, #tpu.memory_space<semaphore_mem>>)
    %dma_start3A_164 = arith.constant 3584 : i32
    %dma_start3A_165 = tpu.memref_slice %arg14[%dma_start3A_164] : memref<8192xi32, #tpu.memory_space<vmem>> -> memref<512xi32, #tpu.memory_space<vmem>>
    %dma_start3A_166 = tpu.memref_slice %arg3[%add3A_157] : memref<131072xi32, #tpu.memory_space<hbm>> -> memref<512xi32, #tpu.memory_space<hbm>>
    %dma_start3A_167 = arith.constant 3584 : i32
    %dma_start3A_168 = tpu.memref_slice %arg14[%dma_start3A_167] : memref<8192xi32, #tpu.memory_space<vmem>> -> memref<512xi32, #tpu.memory_space<vmem>>
    %dma_start3A_169 = tpu.memref_slice %arg3[%add3A_157] : memref<131072xi32, #tpu.memory_space<hbm>> -> memref<512xi32, #tpu.memory_space<hbm>>
    tpu.enqueue_dma source(%dma_start3A_169 : memref<512xi32, #tpu.memory_space<hbm>>) target(%dma_start3A_168 : memref<512xi32, #tpu.memory_space<vmem>>) target_semaphore(%arg22 : memref<!tpu.dma_semaphore, #tpu.memory_space<semaphore_mem>>)
    %dma_start3A_170 = arith.constant 3584 : i32
    %dma_start3A_171 = tpu.memref_slice %arg15[%dma_start3A_170] : memref<8192xi32, #tpu.memory_space<vmem>> -> memref<512xi32, #tpu.memory_space<vmem>>
    %dma_start3A_172 = tpu.memref_slice %arg4[%add3A_157] : memref<131072xi32, #tpu.memory_space<hbm>> -> memref<512xi32, #tpu.memory_space<hbm>>
    %dma_start3A_173 = arith.constant 3584 : i32
    %dma_start3A_174 = tpu.memref_slice %arg15[%dma_start3A_173] : memref<8192xi32, #tpu.memory_space<vmem>> -> memref<512xi32, #tpu.memory_space<vmem>>
    %dma_start3A_175 = tpu.memref_slice %arg4[%add3A_157] : memref<131072xi32, #tpu.memory_space<hbm>> -> memref<512xi32, #tpu.memory_space<hbm>>
    tpu.enqueue_dma source(%dma_start3A_175 : memref<512xi32, #tpu.memory_space<hbm>>) target(%dma_start3A_174 : memref<512xi32, #tpu.memory_space<vmem>>) target_semaphore(%arg22 : memref<!tpu.dma_semaphore, #tpu.memory_space<semaphore_mem>>)
    %mul3A_176 = arith.constant 512 : i32
    %mul3A_177 = arith.muli %arg1, %mul3A_176 : i32
    %add3A_178 = arith.constant 65536 : i32
    %add3A_179 = arith.addi %mul3A_177, %add3A_178 : i32
    %dma_start3A_180 = arith.constant 4096 : i32
    %dma_start3A_181 = tpu.memref_slice %arg13[%dma_start3A_180] : memref<8192xf32, #tpu.memory_space<vmem>> -> memref<512xf32, #tpu.memory_space<vmem>>
    %dma_start3A_182 = tpu.memref_slice %arg2[%add3A_179] : memref<131072xf32, #tpu.memory_space<hbm>> -> memref<512xf32, #tpu.memory_space<hbm>>
    %dma_start3A_183 = arith.constant 4096 : i32
    %dma_start3A_184 = tpu.memref_slice %arg13[%dma_start3A_183] : memref<8192xf32, #tpu.memory_space<vmem>> -> memref<512xf32, #tpu.memory_space<vmem>>
    %dma_start3A_185 = tpu.memref_slice %arg2[%add3A_179] : memref<131072xf32, #tpu.memory_space<hbm>> -> memref<512xf32, #tpu.memory_space<hbm>>
    tpu.enqueue_dma source(%dma_start3A_185 : memref<512xf32, #tpu.memory_space<hbm>>) target(%dma_start3A_184 : memref<512xf32, #tpu.memory_space<vmem>>) target_semaphore(%arg22 : memref<!tpu.dma_semaphore, #tpu.memory_space<semaphore_mem>>)
    %dma_start3A_186 = arith.constant 4096 : i32
    %dma_start3A_187 = tpu.memref_slice %arg14[%dma_start3A_186] : memref<8192xi32, #tpu.memory_space<vmem>> -> memref<512xi32, #tpu.memory_space<vmem>>
    %dma_start3A_188 = tpu.memref_slice %arg3[%add3A_179] : memref<131072xi32, #tpu.memory_space<hbm>> -> memref<512xi32, #tpu.memory_space<hbm>>
    %dma_start3A_189 = arith.constant 4096 : i32
    %dma_start3A_190 = tpu.memref_slice %arg14[%dma_start3A_189] : memref<8192xi32, #tpu.memory_space<vmem>> -> memref<512xi32, #tpu.memory_space<vmem>>
    %dma_start3A_191 = tpu.memref_slice %arg3[%add3A_179] : memref<131072xi32, #tpu.memory_space<hbm>> -> memref<512xi32, #tpu.memory_space<hbm>>
    tpu.enqueue_dma source(%dma_start3A_191 : memref<512xi32, #tpu.memory_space<hbm>>) target(%dma_start3A_190 : memref<512xi32, #tpu.memory_space<vmem>>) target_semaphore(%arg22 : memref<!tpu.dma_semaphore, #tpu.memory_space<semaphore_mem>>)
    %dma_start3A_192 = arith.constant 4096 : i32
    %dma_start3A_193 = tpu.memref_slice %arg15[%dma_start3A_192] : memref<8192xi32, #tpu.memory_space<vmem>> -> memref<512xi32, #tpu.memory_space<vmem>>
    %dma_start3A_194 = tpu.memref_slice %arg4[%add3A_179] : memref<131072xi32, #tpu.memory_space<hbm>> -> memref<512xi32, #tpu.memory_space<hbm>>
    %dma_start3A_195 = arith.constant 4096 : i32
    %dma_start3A_196 = tpu.memref_slice %arg15[%dma_start3A_195] : memref<8192xi32, #tpu.memory_space<vmem>> -> memref<512xi32, #tpu.memory_space<vmem>>
    %dma_start3A_197 = tpu.memref_slice %arg4[%add3A_179] : memref<131072xi32, #tpu.memory_space<hbm>> -> memref<512xi32, #tpu.memory_space<hbm>>
    tpu.enqueue_dma source(%dma_start3A_197 : memref<512xi32, #tpu.memory_space<hbm>>) target(%dma_start3A_196 : memref<512xi32, #tpu.memory_space<vmem>>) target_semaphore(%arg22 : memref<!tpu.dma_semaphore, #tpu.memory_space<semaphore_mem>>)
    %mul3A_198 = arith.constant 512 : i32
    %mul3A_199 = arith.muli %arg1, %mul3A_198 : i32
    %add3A_200 = arith.constant 73728 : i32
    %add3A_201 = arith.addi %mul3A_199, %add3A_200 : i32
    %dma_start3A_202 = arith.constant 4608 : i32
    %dma_start3A_203 = tpu.memref_slice %arg13[%dma_start3A_202] : memref<8192xf32, #tpu.memory_space<vmem>> -> memref<512xf32, #tpu.memory_space<vmem>>
    %dma_start3A_204 = tpu.memref_slice %arg2[%add3A_201] : memref<131072xf32, #tpu.memory_space<hbm>> -> memref<512xf32, #tpu.memory_space<hbm>>
    %dma_start3A_205 = arith.constant 4608 : i32
    %dma_start3A_206 = tpu.memref_slice %arg13[%dma_start3A_205] : memref<8192xf32, #tpu.memory_space<vmem>> -> memref<512xf32, #tpu.memory_space<vmem>>
    %dma_start3A_207 = tpu.memref_slice %arg2[%add3A_201] : memref<131072xf32, #tpu.memory_space<hbm>> -> memref<512xf32, #tpu.memory_space<hbm>>
    tpu.enqueue_dma source(%dma_start3A_207 : memref<512xf32, #tpu.memory_space<hbm>>) target(%dma_start3A_206 : memref<512xf32, #tpu.memory_space<vmem>>) target_semaphore(%arg22 : memref<!tpu.dma_semaphore, #tpu.memory_space<semaphore_mem>>)
    %dma_start3A_208 = arith.constant 4608 : i32
    %dma_start3A_209 = tpu.memref_slice %arg14[%dma_start3A_208] : memref<8192xi32, #tpu.memory_space<vmem>> -> memref<512xi32, #tpu.memory_space<vmem>>
    %dma_start3A_210 = tpu.memref_slice %arg3[%add3A_201] : memref<131072xi32, #tpu.memory_space<hbm>> -> memref<512xi32, #tpu.memory_space<hbm>>
    %dma_start3A_211 = arith.constant 4608 : i32
    %dma_start3A_212 = tpu.memref_slice %arg14[%dma_start3A_211] : memref<8192xi32, #tpu.memory_space<vmem>> -> memref<512xi32, #tpu.memory_space<vmem>>
    %dma_start3A_213 = tpu.memref_slice %arg3[%add3A_201] : memref<131072xi32, #tpu.memory_space<hbm>> -> memref<512xi32, #tpu.memory_space<hbm>>
    tpu.enqueue_dma source(%dma_start3A_213 : memref<512xi32, #tpu.memory_space<hbm>>) target(%dma_start3A_212 : memref<512xi32, #tpu.memory_space<vmem>>) target_semaphore(%arg22 : memref<!tpu.dma_semaphore, #tpu.memory_space<semaphore_mem>>)
    %dma_start3A_214 = arith.constant 4608 : i32
    %dma_start3A_215 = tpu.memref_slice %arg15[%dma_start3A_214] : memref<8192xi32, #tpu.memory_space<vmem>> -> memref<512xi32, #tpu.memory_space<vmem>>
    %dma_start3A_216 = tpu.memref_slice %arg4[%add3A_201] : memref<131072xi32, #tpu.memory_space<hbm>> -> memref<512xi32, #tpu.memory_space<hbm>>
    %dma_start3A_217 = arith.constant 4608 : i32
    %dma_start3A_218 = tpu.memref_slice %arg15[%dma_start3A_217] : memref<8192xi32, #tpu.memory_space<vmem>> -> memref<512xi32, #tpu.memory_space<vmem>>
    %dma_start3A_219 = tpu.memref_slice %arg4[%add3A_201] : memref<131072xi32, #tpu.memory_space<hbm>> -> memref<512xi32, #tpu.memory_space<hbm>>
    tpu.enqueue_dma source(%dma_start3A_219 : memref<512xi32, #tpu.memory_space<hbm>>) target(%dma_start3A_218 : memref<512xi32, #tpu.memory_space<vmem>>) target_semaphore(%arg22 : memref<!tpu.dma_semaphore, #tpu.memory_space<semaphore_mem>>)
    %mul3A_220 = arith.constant 512 : i32
    %mul3A_221 = arith.muli %arg1, %mul3A_220 : i32
    %add3A_222 = arith.constant 81920 : i32
    %add3A_223 = arith.addi %mul3A_221, %add3A_222 : i32
    %dma_start3A_224 = arith.constant 5120 : i32
    %dma_start3A_225 = tpu.memref_slice %arg13[%dma_start3A_224] : memref<8192xf32, #tpu.memory_space<vmem>> -> memref<512xf32, #tpu.memory_space<vmem>>
    %dma_start3A_226 = tpu.memref_slice %arg2[%add3A_223] : memref<131072xf32, #tpu.memory_space<hbm>> -> memref<512xf32, #tpu.memory_space<hbm>>
    %dma_start3A_227 = arith.constant 5120 : i32
    %dma_start3A_228 = tpu.memref_slice %arg13[%dma_start3A_227] : memref<8192xf32, #tpu.memory_space<vmem>> -> memref<512xf32, #tpu.memory_space<vmem>>
    %dma_start3A_229 = tpu.memref_slice %arg2[%add3A_223] : memref<131072xf32, #tpu.memory_space<hbm>> -> memref<512xf32, #tpu.memory_space<hbm>>
    tpu.enqueue_dma source(%dma_start3A_229 : memref<512xf32, #tpu.memory_space<hbm>>) target(%dma_start3A_228 : memref<512xf32, #tpu.memory_space<vmem>>) target_semaphore(%arg22 : memref<!tpu.dma_semaphore, #tpu.memory_space<semaphore_mem>>)
    %dma_start3A_230 = arith.constant 5120 : i32
    %dma_start3A_231 = tpu.memref_slice %arg14[%dma_start3A_230] : memref<8192xi32, #tpu.memory_space<vmem>> -> memref<512xi32, #tpu.memory_space<vmem>>
    %dma_start3A_232 = tpu.memref_slice %arg3[%add3A_223] : memref<131072xi32, #tpu.memory_space<hbm>> -> memref<512xi32, #tpu.memory_space<hbm>>
    %dma_start3A_233 = arith.constant 5120 : i32
    %dma_start3A_234 = tpu.memref_slice %arg14[%dma_start3A_233] : memref<8192xi32, #tpu.memory_space<vmem>> -> memref<512xi32, #tpu.memory_space<vmem>>
    %dma_start3A_235 = tpu.memref_slice %arg3[%add3A_223] : memref<131072xi32, #tpu.memory_space<hbm>> -> memref<512xi32, #tpu.memory_space<hbm>>
    tpu.enqueue_dma source(%dma_start3A_235 : memref<512xi32, #tpu.memory_space<hbm>>) target(%dma_start3A_234 : memref<512xi32, #tpu.memory_space<vmem>>) target_semaphore(%arg22 : memref<!tpu.dma_semaphore, #tpu.memory_space<semaphore_mem>>)
    %dma_start3A_236 = arith.constant 5120 : i32
    %dma_start3A_237 = tpu.memref_slice %arg15[%dma_start3A_236] : memref<8192xi32, #tpu.memory_space<vmem>> -> memref<512xi32, #tpu.memory_space<vmem>>
    %dma_start3A_238 = tpu.memref_slice %arg4[%add3A_223] : memref<131072xi32, #tpu.memory_space<hbm>> -> memref<512xi32, #tpu.memory_space<hbm>>
    %dma_start3A_239 = arith.constant 5120 : i32
    %dma_start3A_240 = tpu.memref_slice %arg15[%dma_start3A_239] : memref<8192xi32, #tpu.memory_space<vmem>> -> memref<512xi32, #tpu.memory_space<vmem>>
    %dma_start3A_241 = tpu.memref_slice %arg4[%add3A_223] : memref<131072xi32, #tpu.memory_space<hbm>> -> memref<512xi32, #tpu.memory_space<hbm>>
    tpu.enqueue_dma source(%dma_start3A_241 : memref<512xi32, #tpu.memory_space<hbm>>) target(%dma_start3A_240 : memref<512xi32, #tpu.memory_space<vmem>>) target_semaphore(%arg22 : memref<!tpu.dma_semaphore, #tpu.memory_space<semaphore_mem>>)
    %mul3A_242 = arith.constant 512 : i32
    %mul3A_243 = arith.muli %arg1, %mul3A_242 : i32
    %add3A_244 = arith.constant 90112 : i32
    %add3A_245 = arith.addi %mul3A_243, %add3A_244 : i32
    %dma_start3A_246 = arith.constant 5632 : i32
    %dma_start3A_247 = tpu.memref_slice %arg13[%dma_start3A_246] : memref<8192xf32, #tpu.memory_space<vmem>> -> memref<512xf32, #tpu.memory_space<vmem>>
    %dma_start3A_248 = tpu.memref_slice %arg2[%add3A_245] : memref<131072xf32, #tpu.memory_space<hbm>> -> memref<512xf32, #tpu.memory_space<hbm>>
    %dma_start3A_249 = arith.constant 5632 : i32
    %dma_start3A_250 = tpu.memref_slice %arg13[%dma_start3A_249] : memref<8192xf32, #tpu.memory_space<vmem>> -> memref<512xf32, #tpu.memory_space<vmem>>
    %dma_start3A_251 = tpu.memref_slice %arg2[%add3A_245] : memref<131072xf32, #tpu.memory_space<hbm>> -> memref<512xf32, #tpu.memory_space<hbm>>
    tpu.enqueue_dma source(%dma_start3A_251 : memref<512xf32, #tpu.memory_space<hbm>>) target(%dma_start3A_250 : memref<512xf32, #tpu.memory_space<vmem>>) target_semaphore(%arg22 : memref<!tpu.dma_semaphore, #tpu.memory_space<semaphore_mem>>)
    %dma_start3A_252 = arith.constant 5632 : i32
    %dma_start3A_253 = tpu.memref_slice %arg14[%dma_start3A_252] : memref<8192xi32, #tpu.memory_space<vmem>> -> memref<512xi32, #tpu.memory_space<vmem>>
    %dma_start3A_254 = tpu.memref_slice %arg3[%add3A_245] : memref<131072xi32, #tpu.memory_space<hbm>> -> memref<512xi32, #tpu.memory_space<hbm>>
    %dma_start3A_255 = arith.constant 5632 : i32
    %dma_start3A_256 = tpu.memref_slice %arg14[%dma_start3A_255] : memref<8192xi32, #tpu.memory_space<vmem>> -> memref<512xi32, #tpu.memory_space<vmem>>
    %dma_start3A_257 = tpu.memref_slice %arg3[%add3A_245] : memref<131072xi32, #tpu.memory_space<hbm>> -> memref<512xi32, #tpu.memory_space<hbm>>
    tpu.enqueue_dma source(%dma_start3A_257 : memref<512xi32, #tpu.memory_space<hbm>>) target(%dma_start3A_256 : memref<512xi32, #tpu.memory_space<vmem>>) target_semaphore(%arg22 : memref<!tpu.dma_semaphore, #tpu.memory_space<semaphore_mem>>)
    %dma_start3A_258 = arith.constant 5632 : i32
    %dma_start3A_259 = tpu.memref_slice %arg15[%dma_start3A_258] : memref<8192xi32, #tpu.memory_space<vmem>> -> memref<512xi32, #tpu.memory_space<vmem>>
    %dma_start3A_260 = tpu.memref_slice %arg4[%add3A_245] : memref<131072xi32, #tpu.memory_space<hbm>> -> memref<512xi32, #tpu.memory_space<hbm>>
    %dma_start3A_261 = arith.constant 5632 : i32
    %dma_start3A_262 = tpu.memref_slice %arg15[%dma_start3A_261] : memref<8192xi32, #tpu.memory_space<vmem>> -> memref<512xi32, #tpu.memory_space<vmem>>
    %dma_start3A_263 = tpu.memref_slice %arg4[%add3A_245] : memref<131072xi32, #tpu.memory_space<hbm>> -> memref<512xi32, #tpu.memory_space<hbm>>
    tpu.enqueue_dma source(%dma_start3A_263 : memref<512xi32, #tpu.memory_space<hbm>>) target(%dma_start3A_262 : memref<512xi32, #tpu.memory_space<vmem>>) target_semaphore(%arg22 : memref<!tpu.dma_semaphore, #tpu.memory_space<semaphore_mem>>)
    %mul3A_264 = arith.constant 512 : i32
    %mul3A_265 = arith.muli %arg1, %mul3A_264 : i32
    %add3A_266 = arith.constant 98304 : i32
    %add3A_267 = arith.addi %mul3A_265, %add3A_266 : i32
    %dma_start3A_268 = arith.constant 6144 : i32
    %dma_start3A_269 = tpu.memref_slice %arg13[%dma_start3A_268] : memref<8192xf32, #tpu.memory_space<vmem>> -> memref<512xf32, #tpu.memory_space<vmem>>
    %dma_start3A_270 = tpu.memref_slice %arg2[%add3A_267] : memref<131072xf32, #tpu.memory_space<hbm>> -> memref<512xf32, #tpu.memory_space<hbm>>
    %dma_start3A_271 = arith.constant 6144 : i32
    %dma_start3A_272 = tpu.memref_slice %arg13[%dma_start3A_271] : memref<8192xf32, #tpu.memory_space<vmem>> -> memref<512xf32, #tpu.memory_space<vmem>>
    %dma_start3A_273 = tpu.memref_slice %arg2[%add3A_267] : memref<131072xf32, #tpu.memory_space<hbm>> -> memref<512xf32, #tpu.memory_space<hbm>>
    tpu.enqueue_dma source(%dma_start3A_273 : memref<512xf32, #tpu.memory_space<hbm>>) target(%dma_start3A_272 : memref<512xf32, #tpu.memory_space<vmem>>) target_semaphore(%arg22 : memref<!tpu.dma_semaphore, #tpu.memory_space<semaphore_mem>>)
    %dma_start3A_274 = arith.constant 6144 : i32
    %dma_start3A_275 = tpu.memref_slice %arg14[%dma_start3A_274] : memref<8192xi32, #tpu.memory_space<vmem>> -> memref<512xi32, #tpu.memory_space<vmem>>
    %dma_start3A_276 = tpu.memref_slice %arg3[%add3A_267] : memref<131072xi32, #tpu.memory_space<hbm>> -> memref<512xi32, #tpu.memory_space<hbm>>
    %dma_start3A_277 = arith.constant 6144 : i32
    %dma_start3A_278 = tpu.memref_slice %arg14[%dma_start3A_277] : memref<8192xi32, #tpu.memory_space<vmem>> -> memref<512xi32, #tpu.memory_space<vmem>>
    %dma_start3A_279 = tpu.memref_slice %arg3[%add3A_267] : memref<131072xi32, #tpu.memory_space<hbm>> -> memref<512xi32, #tpu.memory_space<hbm>>
    tpu.enqueue_dma source(%dma_start3A_279 : memref<512xi32, #tpu.memory_space<hbm>>) target(%dma_start3A_278 : memref<512xi32, #tpu.memory_space<vmem>>) target_semaphore(%arg22 : memref<!tpu.dma_semaphore, #tpu.memory_space<semaphore_mem>>)
    %dma_start3A_280 = arith.constant 6144 : i32
    %dma_start3A_281 = tpu.memref_slice %arg15[%dma_start3A_280] : memref<8192xi32, #tpu.memory_space<vmem>> -> memref<512xi32, #tpu.memory_space<vmem>>
    %dma_start3A_282 = tpu.memref_slice %arg4[%add3A_267] : memref<131072xi32, #tpu.memory_space<hbm>> -> memref<512xi32, #tpu.memory_space<hbm>>
    %dma_start3A_283 = arith.constant 6144 : i32
    %dma_start3A_284 = tpu.memref_slice %arg15[%dma_start3A_283] : memref<8192xi32, #tpu.memory_space<vmem>> -> memref<512xi32, #tpu.memory_space<vmem>>
    %dma_start3A_285 = tpu.memref_slice %arg4[%add3A_267] : memref<131072xi32, #tpu.memory_space<hbm>> -> memref<512xi32, #tpu.memory_space<hbm>>
    tpu.enqueue_dma source(%dma_start3A_285 : memref<512xi32, #tpu.memory_space<hbm>>) target(%dma_start3A_284 : memref<512xi32, #tpu.memory_space<vmem>>) target_semaphore(%arg22 : memref<!tpu.dma_semaphore, #tpu.memory_space<semaphore_mem>>)
    %mul3A_286 = arith.constant 512 : i32
    %mul3A_287 = arith.muli %arg1, %mul3A_286 : i32
    %add3A_288 = arith.constant 106496 : i32
    %add3A_289 = arith.addi %mul3A_287, %add3A_288 : i32
    %dma_start3A_290 = arith.constant 6656 : i32
    %dma_start3A_291 = tpu.memref_slice %arg13[%dma_start3A_290] : memref<8192xf32, #tpu.memory_space<vmem>> -> memref<512xf32, #tpu.memory_space<vmem>>
    %dma_start3A_292 = tpu.memref_slice %arg2[%add3A_289] : memref<131072xf32, #tpu.memory_space<hbm>> -> memref<512xf32, #tpu.memory_space<hbm>>
    %dma_start3A_293 = arith.constant 6656 : i32
    %dma_start3A_294 = tpu.memref_slice %arg13[%dma_start3A_293] : memref<8192xf32, #tpu.memory_space<vmem>> -> memref<512xf32, #tpu.memory_space<vmem>>
    %dma_start3A_295 = tpu.memref_slice %arg2[%add3A_289] : memref<131072xf32, #tpu.memory_space<hbm>> -> memref<512xf32, #tpu.memory_space<hbm>>
    tpu.enqueue_dma source(%dma_start3A_295 : memref<512xf32, #tpu.memory_space<hbm>>) target(%dma_start3A_294 : memref<512xf32, #tpu.memory_space<vmem>>) target_semaphore(%arg22 : memref<!tpu.dma_semaphore, #tpu.memory_space<semaphore_mem>>)
    %dma_start3A_296 = arith.constant 6656 : i32
    %dma_start3A_297 = tpu.memref_slice %arg14[%dma_start3A_296] : memref<8192xi32, #tpu.memory_space<vmem>> -> memref<512xi32, #tpu.memory_space<vmem>>
    %dma_start3A_298 = tpu.memref_slice %arg3[%add3A_289] : memref<131072xi32, #tpu.memory_space<hbm>> -> memref<512xi32, #tpu.memory_space<hbm>>
    %dma_start3A_299 = arith.constant 6656 : i32
    %dma_start3A_300 = tpu.memref_slice %arg14[%dma_start3A_299] : memref<8192xi32, #tpu.memory_space<vmem>> -> memref<512xi32, #tpu.memory_space<vmem>>
    %dma_start3A_301 = tpu.memref_slice %arg3[%add3A_289] : memref<131072xi32, #tpu.memory_space<hbm>> -> memref<512xi32, #tpu.memory_space<hbm>>
    tpu.enqueue_dma source(%dma_start3A_301 : memref<512xi32, #tpu.memory_space<hbm>>) target(%dma_start3A_300 : memref<512xi32, #tpu.memory_space<vmem>>) target_semaphore(%arg22 : memref<!tpu.dma_semaphore, #tpu.memory_space<semaphore_mem>>)
    %dma_start3A_302 = arith.constant 6656 : i32
    %dma_start3A_303 = tpu.memref_slice %arg15[%dma_start3A_302] : memref<8192xi32, #tpu.memory_space<vmem>> -> memref<512xi32, #tpu.memory_space<vmem>>
    %dma_start3A_304 = tpu.memref_slice %arg4[%add3A_289] : memref<131072xi32, #tpu.memory_space<hbm>> -> memref<512xi32, #tpu.memory_space<hbm>>
    %dma_start3A_305 = arith.constant 6656 : i32
    %dma_start3A_306 = tpu.memref_slice %arg15[%dma_start3A_305] : memref<8192xi32, #tpu.memory_space<vmem>> -> memref<512xi32, #tpu.memory_space<vmem>>
    %dma_start3A_307 = tpu.memref_slice %arg4[%add3A_289] : memref<131072xi32, #tpu.memory_space<hbm>> -> memref<512xi32, #tpu.memory_space<hbm>>
    tpu.enqueue_dma source(%dma_start3A_307 : memref<512xi32, #tpu.memory_space<hbm>>) target(%dma_start3A_306 : memref<512xi32, #tpu.memory_space<vmem>>) target_semaphore(%arg22 : memref<!tpu.dma_semaphore, #tpu.memory_space<semaphore_mem>>)
    %mul3A_308 = arith.constant 512 : i32
    %mul3A_309 = arith.muli %arg1, %mul3A_308 : i32
    %add3A_310 = arith.constant 114688 : i32
    %add3A_311 = arith.addi %mul3A_309, %add3A_310 : i32
    %dma_start3A_312 = arith.constant 7168 : i32
    %dma_start3A_313 = tpu.memref_slice %arg13[%dma_start3A_312] : memref<8192xf32, #tpu.memory_space<vmem>> -> memref<512xf32, #tpu.memory_space<vmem>>
    %dma_start3A_314 = tpu.memref_slice %arg2[%add3A_311] : memref<131072xf32, #tpu.memory_space<hbm>> -> memref<512xf32, #tpu.memory_space<hbm>>
    %dma_start3A_315 = arith.constant 7168 : i32
    %dma_start3A_316 = tpu.memref_slice %arg13[%dma_start3A_315] : memref<8192xf32, #tpu.memory_space<vmem>> -> memref<512xf32, #tpu.memory_space<vmem>>
    %dma_start3A_317 = tpu.memref_slice %arg2[%add3A_311] : memref<131072xf32, #tpu.memory_space<hbm>> -> memref<512xf32, #tpu.memory_space<hbm>>
    tpu.enqueue_dma source(%dma_start3A_317 : memref<512xf32, #tpu.memory_space<hbm>>) target(%dma_start3A_316 : memref<512xf32, #tpu.memory_space<vmem>>) target_semaphore(%arg22 : memref<!tpu.dma_semaphore, #tpu.memory_space<semaphore_mem>>)
    %dma_start3A_318 = arith.constant 7168 : i32
    %dma_start3A_319 = tpu.memref_slice %arg14[%dma_start3A_318] : memref<8192xi32, #tpu.memory_space<vmem>> -> memref<512xi32, #tpu.memory_space<vmem>>
    %dma_start3A_320 = tpu.memref_slice %arg3[%add3A_311] : memref<131072xi32, #tpu.memory_space<hbm>> -> memref<512xi32, #tpu.memory_space<hbm>>
    %dma_start3A_321 = arith.constant 7168 : i32
    %dma_start3A_322 = tpu.memref_slice %arg14[%dma_start3A_321] : memref<8192xi32, #tpu.memory_space<vmem>> -> memref<512xi32, #tpu.memory_space<vmem>>
    %dma_start3A_323 = tpu.memref_slice %arg3[%add3A_311] : memref<131072xi32, #tpu.memory_space<hbm>> -> memref<512xi32, #tpu.memory_space<hbm>>
    tpu.enqueue_dma source(%dma_start3A_323 : memref<512xi32, #tpu.memory_space<hbm>>) target(%dma_start3A_322 : memref<512xi32, #tpu.memory_space<vmem>>) target_semaphore(%arg22 : memref<!tpu.dma_semaphore, #tpu.memory_space<semaphore_mem>>)
    %dma_start3A_324 = arith.constant 7168 : i32
    %dma_start3A_325 = tpu.memref_slice %arg15[%dma_start3A_324] : memref<8192xi32, #tpu.memory_space<vmem>> -> memref<512xi32, #tpu.memory_space<vmem>>
    %dma_start3A_326 = tpu.memref_slice %arg4[%add3A_311] : memref<131072xi32, #tpu.memory_space<hbm>> -> memref<512xi32, #tpu.memory_space<hbm>>
    %dma_start3A_327 = arith.constant 7168 : i32
    %dma_start3A_328 = tpu.memref_slice %arg15[%dma_start3A_327] : memref<8192xi32, #tpu.memory_space<vmem>> -> memref<512xi32, #tpu.memory_space<vmem>>
    %dma_start3A_329 = tpu.memref_slice %arg4[%add3A_311] : memref<131072xi32, #tpu.memory_space<hbm>> -> memref<512xi32, #tpu.memory_space<hbm>>
    tpu.enqueue_dma source(%dma_start3A_329 : memref<512xi32, #tpu.memory_space<hbm>>) target(%dma_start3A_328 : memref<512xi32, #tpu.memory_space<vmem>>) target_semaphore(%arg22 : memref<!tpu.dma_semaphore, #tpu.memory_space<semaphore_mem>>)
    %mul3A_330 = arith.constant 512 : i32
    %mul3A_331 = arith.muli %arg1, %mul3A_330 : i32
    %add3A_332 = arith.constant 122880 : i32
    %add3A_333 = arith.addi %mul3A_331, %add3A_332 : i32
    %dma_start3A_334 = arith.constant 7680 : i32
    %dma_start3A_335 = tpu.memref_slice %arg13[%dma_start3A_334] : memref<8192xf32, #tpu.memory_space<vmem>> -> memref<512xf32, #tpu.memory_space<vmem>>
    %dma_start3A_336 = tpu.memref_slice %arg2[%add3A_333] : memref<131072xf32, #tpu.memory_space<hbm>> -> memref<512xf32, #tpu.memory_space<hbm>>
    %dma_start3A_337 = arith.constant 7680 : i32
    %dma_start3A_338 = tpu.memref_slice %arg13[%dma_start3A_337] : memref<8192xf32, #tpu.memory_space<vmem>> -> memref<512xf32, #tpu.memory_space<vmem>>
    %dma_start3A_339 = tpu.memref_slice %arg2[%add3A_333] : memref<131072xf32, #tpu.memory_space<hbm>> -> memref<512xf32, #tpu.memory_space<hbm>>
    tpu.enqueue_dma source(%dma_start3A_339 : memref<512xf32, #tpu.memory_space<hbm>>) target(%dma_start3A_338 : memref<512xf32, #tpu.memory_space<vmem>>) target_semaphore(%arg22 : memref<!tpu.dma_semaphore, #tpu.memory_space<semaphore_mem>>)
    %dma_start3A_340 = arith.constant 7680 : i32
    %dma_start3A_341 = tpu.memref_slice %arg14[%dma_start3A_340] : memref<8192xi32, #tpu.memory_space<vmem>> -> memref<512xi32, #tpu.memory_space<vmem>>
    %dma_start3A_342 = tpu.memref_slice %arg3[%add3A_333] : memref<131072xi32, #tpu.memory_space<hbm>> -> memref<512xi32, #tpu.memory_space<hbm>>
    %dma_start3A_343 = arith.constant 7680 : i32
    %dma_start3A_344 = tpu.memref_slice %arg14[%dma_start3A_343] : memref<8192xi32, #tpu.memory_space<vmem>> -> memref<512xi32, #tpu.memory_space<vmem>>
    %dma_start3A_345 = tpu.memref_slice %arg3[%add3A_333] : memref<131072xi32, #tpu.memory_space<hbm>> -> memref<512xi32, #tpu.memory_space<hbm>>
    tpu.enqueue_dma source(%dma_start3A_345 : memref<512xi32, #tpu.memory_space<hbm>>) target(%dma_start3A_344 : memref<512xi32, #tpu.memory_space<vmem>>) target_semaphore(%arg22 : memref<!tpu.dma_semaphore, #tpu.memory_space<semaphore_mem>>)
    %dma_start3A_346 = arith.constant 7680 : i32
    %dma_start3A_347 = tpu.memref_slice %arg15[%dma_start3A_346] : memref<8192xi32, #tpu.memory_space<vmem>> -> memref<512xi32, #tpu.memory_space<vmem>>
    %dma_start3A_348 = tpu.memref_slice %arg4[%add3A_333] : memref<131072xi32, #tpu.memory_space<hbm>> -> memref<512xi32, #tpu.memory_space<hbm>>
    %dma_start3A_349 = arith.constant 7680 : i32
    %dma_start3A_350 = tpu.memref_slice %arg15[%dma_start3A_349] : memref<8192xi32, #tpu.memory_space<vmem>> -> memref<512xi32, #tpu.memory_space<vmem>>
    %dma_start3A_351 = tpu.memref_slice %arg4[%add3A_333] : memref<131072xi32, #tpu.memory_space<hbm>> -> memref<512xi32, #tpu.memory_space<hbm>>
    tpu.enqueue_dma source(%dma_start3A_351 : memref<512xi32, #tpu.memory_space<hbm>>) target(%dma_start3A_350 : memref<512xi32, #tpu.memory_space<vmem>>) target_semaphore(%arg22 : memref<!tpu.dma_semaphore, #tpu.memory_space<semaphore_mem>>)
    %scan3A = arith.constant 0 : i32
    %scan3A_352 = arith.constant 0 : i32
    %scan3A_353 = arith.constant 256 : i32
    %scan3A_354 = arith.addi %scan3A_352, %scan3A_353 : i32
    %scan3A_355 = arith.constant 1 : i32
    scf.for %scan3A_1226 = %scan3A_352 to %scan3A_354 step %scan3A_355  : i32 {
      %broadcast_in_dim3A = arith.constant 0.000000e+00 : f32
      %broadcast_in_dim3A_1227 = vector.broadcast %broadcast_in_dim3A : f32 to vector<16xf32>
      %mul3A_1228 = arith.constant 16 : i32
      %mul3A_1229 = arith.muli %scan3A_1226, %mul3A_1228 : i32
      %swap3A = arith.index_cast %mul3A_1229 : i32 to index
      %swap3A_1230 = tpu.vector_load %arg18[%swap3A] {strides = array<i32>} : memref<4096xf32, #tpu.memory_space<vmem>>, vector<16xf32>,
      %swap3A_1231 = vector.shape_cast %swap3A_1230 : vector<16xf32> to vector<16xf32>
      %swap3A_1232 = vector.shape_cast %broadcast_in_dim3A_1227 : vector<16xf32> to vector<16xf32>
      tpu.vector_store %arg18[%swap3A], %swap3A_1232 {strides = array<i32>} : memref<4096xf32, #tpu.memory_space<vmem>>, vector<16xf32>,
    }
    %scan3A_356 = arith.constant 256 : i32
    %mul3A_357 = arith.constant 65536 : i32
    %mul3A_358 = arith.muli %arg1, %mul3A_357 : i32
    %add3A_359 = arith.constant 0 : i32
    %add3A_360 = arith.addi %mul3A_358, %add3A_359 : i32
    %dma_start3A_361 = tpu.memref_slice %arg21[%add3A_360] : memref<1048608xf32, #tpu.memory_space<vmem_shared>> -> memref<4096xf32, #tpu.memory_space<vmem_shared>>
    %dma_start3A_362 = tpu.memref_slice %arg21[%add3A_360] : memref<1048608xf32, #tpu.memory_space<vmem_shared>> -> memref<4096xf32, #tpu.memory_space<vmem_shared>>
    tpu.enqueue_dma source(%arg18 : memref<4096xf32, #tpu.memory_space<vmem>>) target(%dma_start3A_362 : memref<4096xf32, #tpu.memory_space<vmem_shared>>) target_semaphore(%arg25 : memref<!tpu.dma_semaphore, #tpu.memory_space<semaphore_mem>>)
    %mul3A_363 = arith.constant 65536 : i32
    %mul3A_364 = arith.muli %arg1, %mul3A_363 : i32
    %add3A_365 = arith.constant 4096 : i32
    %add3A_366 = arith.addi %mul3A_364, %add3A_365 : i32
    %dma_start3A_367 = tpu.memref_slice %arg21[%add3A_366] : memref<1048608xf32, #tpu.memory_space<vmem_shared>> -> memref<4096xf32, #tpu.memory_space<vmem_shared>>
    %dma_start3A_368 = tpu.memref_slice %arg21[%add3A_366] : memref<1048608xf32, #tpu.memory_space<vmem_shared>> -> memref<4096xf32, #tpu.memory_space<vmem_shared>>
    tpu.enqueue_dma source(%arg18 : memref<4096xf32, #tpu.memory_space<vmem>>) target(%dma_start3A_368 : memref<4096xf32, #tpu.memory_space<vmem_shared>>) target_semaphore(%arg25 : memref<!tpu.dma_semaphore, #tpu.memory_space<semaphore_mem>>)
    %mul3A_369 = arith.constant 65536 : i32
    %mul3A_370 = arith.muli %arg1, %mul3A_369 : i32
    %add3A_371 = arith.constant 8192 : i32
    %add3A_372 = arith.addi %mul3A_370, %add3A_371 : i32
    %dma_start3A_373 = tpu.memref_slice %arg21[%add3A_372] : memref<1048608xf32, #tpu.memory_space<vmem_shared>> -> memref<4096xf32, #tpu.memory_space<vmem_shared>>
    %dma_start3A_374 = tpu.memref_slice %arg21[%add3A_372] : memref<1048608xf32, #tpu.memory_space<vmem_shared>> -> memref<4096xf32, #tpu.memory_space<vmem_shared>>
    tpu.enqueue_dma source(%arg18 : memref<4096xf32, #tpu.memory_space<vmem>>) target(%dma_start3A_374 : memref<4096xf32, #tpu.memory_space<vmem_shared>>) target_semaphore(%arg25 : memref<!tpu.dma_semaphore, #tpu.memory_space<semaphore_mem>>)
    %mul3A_375 = arith.constant 65536 : i32
    %mul3A_376 = arith.muli %arg1, %mul3A_375 : i32
    %add3A_377 = arith.constant 12288 : i32
    %add3A_378 = arith.addi %mul3A_376, %add3A_377 : i32
    %dma_start3A_379 = tpu.memref_slice %arg21[%add3A_378] : memref<1048608xf32, #tpu.memory_space<vmem_shared>> -> memref<4096xf32, #tpu.memory_space<vmem_shared>>
    %dma_start3A_380 = tpu.memref_slice %arg21[%add3A_378] : memref<1048608xf32, #tpu.memory_space<vmem_shared>> -> memref<4096xf32, #tpu.memory_space<vmem_shared>>
    tpu.enqueue_dma source(%arg18 : memref<4096xf32, #tpu.memory_space<vmem>>) target(%dma_start3A_380 : memref<4096xf32, #tpu.memory_space<vmem_shared>>) target_semaphore(%arg25 : memref<!tpu.dma_semaphore, #tpu.memory_space<semaphore_mem>>)
    %mul3A_381 = arith.constant 65536 : i32
    %mul3A_382 = arith.muli %arg1, %mul3A_381 : i32
    %add3A_383 = arith.constant 16384 : i32
    %add3A_384 = arith.addi %mul3A_382, %add3A_383 : i32
    %dma_start3A_385 = tpu.memref_slice %arg21[%add3A_384] : memref<1048608xf32, #tpu.memory_space<vmem_shared>> -> memref<4096xf32, #tpu.memory_space<vmem_shared>>
    %dma_start3A_386 = tpu.memref_slice %arg21[%add3A_384] : memref<1048608xf32, #tpu.memory_space<vmem_shared>> -> memref<4096xf32, #tpu.memory_space<vmem_shared>>
    tpu.enqueue_dma source(%arg18 : memref<4096xf32, #tpu.memory_space<vmem>>) target(%dma_start3A_386 : memref<4096xf32, #tpu.memory_space<vmem_shared>>) target_semaphore(%arg25 : memref<!tpu.dma_semaphore, #tpu.memory_space<semaphore_mem>>)
    %mul3A_387 = arith.constant 65536 : i32
    %mul3A_388 = arith.muli %arg1, %mul3A_387 : i32
    %add3A_389 = arith.constant 20480 : i32
    %add3A_390 = arith.addi %mul3A_388, %add3A_389 : i32
    %dma_start3A_391 = tpu.memref_slice %arg21[%add3A_390] : memref<1048608xf32, #tpu.memory_space<vmem_shared>> -> memref<4096xf32, #tpu.memory_space<vmem_shared>>
    %dma_start3A_392 = tpu.memref_slice %arg21[%add3A_390] : memref<1048608xf32, #tpu.memory_space<vmem_shared>> -> memref<4096xf32, #tpu.memory_space<vmem_shared>>
    tpu.enqueue_dma source(%arg18 : memref<4096xf32, #tpu.memory_space<vmem>>) target(%dma_start3A_392 : memref<4096xf32, #tpu.memory_space<vmem_shared>>) target_semaphore(%arg25 : memref<!tpu.dma_semaphore, #tpu.memory_space<semaphore_mem>>)
    %mul3A_393 = arith.constant 65536 : i32
    %mul3A_394 = arith.muli %arg1, %mul3A_393 : i32
    %add3A_395 = arith.constant 24576 : i32
    %add3A_396 = arith.addi %mul3A_394, %add3A_395 : i32
    %dma_start3A_397 = tpu.memref_slice %arg21[%add3A_396] : memref<1048608xf32, #tpu.memory_space<vmem_shared>> -> memref<4096xf32, #tpu.memory_space<vmem_shared>>
    %dma_start3A_398 = tpu.memref_slice %arg21[%add3A_396] : memref<1048608xf32, #tpu.memory_space<vmem_shared>> -> memref<4096xf32, #tpu.memory_space<vmem_shared>>
    tpu.enqueue_dma source(%arg18 : memref<4096xf32, #tpu.memory_space<vmem>>) target(%dma_start3A_398 : memref<4096xf32, #tpu.memory_space<vmem_shared>>) target_semaphore(%arg25 : memref<!tpu.dma_semaphore, #tpu.memory_space<semaphore_mem>>)
    %mul3A_399 = arith.constant 65536 : i32
    %mul3A_400 = arith.muli %arg1, %mul3A_399 : i32
    %add3A_401 = arith.constant 28672 : i32
    %add3A_402 = arith.addi %mul3A_400, %add3A_401 : i32
    %dma_start3A_403 = tpu.memref_slice %arg21[%add3A_402] : memref<1048608xf32, #tpu.memory_space<vmem_shared>> -> memref<4096xf32, #tpu.memory_space<vmem_shared>>
    %dma_start3A_404 = tpu.memref_slice %arg21[%add3A_402] : memref<1048608xf32, #tpu.memory_space<vmem_shared>> -> memref<4096xf32, #tpu.memory_space<vmem_shared>>
    tpu.enqueue_dma source(%arg18 : memref<4096xf32, #tpu.memory_space<vmem>>) target(%dma_start3A_404 : memref<4096xf32, #tpu.memory_space<vmem_shared>>) target_semaphore(%arg25 : memref<!tpu.dma_semaphore, #tpu.memory_space<semaphore_mem>>)
    %mul3A_405 = arith.constant 65536 : i32
    %mul3A_406 = arith.muli %arg1, %mul3A_405 : i32
    %add3A_407 = arith.constant 32768 : i32
    %add3A_408 = arith.addi %mul3A_406, %add3A_407 : i32
    %dma_start3A_409 = tpu.memref_slice %arg21[%add3A_408] : memref<1048608xf32, #tpu.memory_space<vmem_shared>> -> memref<4096xf32, #tpu.memory_space<vmem_shared>>
    %dma_start3A_410 = tpu.memref_slice %arg21[%add3A_408] : memref<1048608xf32, #tpu.memory_space<vmem_shared>> -> memref<4096xf32, #tpu.memory_space<vmem_shared>>
    tpu.enqueue_dma source(%arg18 : memref<4096xf32, #tpu.memory_space<vmem>>) target(%dma_start3A_410 : memref<4096xf32, #tpu.memory_space<vmem_shared>>) target_semaphore(%arg25 : memref<!tpu.dma_semaphore, #tpu.memory_space<semaphore_mem>>)
    %mul3A_411 = arith.constant 65536 : i32
    %mul3A_412 = arith.muli %arg1, %mul3A_411 : i32
    %add3A_413 = arith.constant 36864 : i32
    %add3A_414 = arith.addi %mul3A_412, %add3A_413 : i32
    %dma_start3A_415 = tpu.memref_slice %arg21[%add3A_414] : memref<1048608xf32, #tpu.memory_space<vmem_shared>> -> memref<4096xf32, #tpu.memory_space<vmem_shared>>
    %dma_start3A_416 = tpu.memref_slice %arg21[%add3A_414] : memref<1048608xf32, #tpu.memory_space<vmem_shared>> -> memref<4096xf32, #tpu.memory_space<vmem_shared>>
    tpu.enqueue_dma source(%arg18 : memref<4096xf32, #tpu.memory_space<vmem>>) target(%dma_start3A_416 : memref<4096xf32, #tpu.memory_space<vmem_shared>>) target_semaphore(%arg25 : memref<!tpu.dma_semaphore, #tpu.memory_space<semaphore_mem>>)
    %mul3A_417 = arith.constant 65536 : i32
    %mul3A_418 = arith.muli %arg1, %mul3A_417 : i32
    %add3A_419 = arith.constant 40960 : i32
    %add3A_420 = arith.addi %mul3A_418, %add3A_419 : i32
    %dma_start3A_421 = tpu.memref_slice %arg21[%add3A_420] : memref<1048608xf32, #tpu.memory_space<vmem_shared>> -> memref<4096xf32, #tpu.memory_space<vmem_shared>>
    %dma_start3A_422 = tpu.memref_slice %arg21[%add3A_420] : memref<1048608xf32, #tpu.memory_space<vmem_shared>> -> memref<4096xf32, #tpu.memory_space<vmem_shared>>
    tpu.enqueue_dma source(%arg18 : memref<4096xf32, #tpu.memory_space<vmem>>) target(%dma_start3A_422 : memref<4096xf32, #tpu.memory_space<vmem_shared>>) target_semaphore(%arg25 : memref<!tpu.dma_semaphore, #tpu.memory_space<semaphore_mem>>)
    %mul3A_423 = arith.constant 65536 : i32
    %mul3A_424 = arith.muli %arg1, %mul3A_423 : i32
    %add3A_425 = arith.constant 45056 : i32
    %add3A_426 = arith.addi %mul3A_424, %add3A_425 : i32
    %dma_start3A_427 = tpu.memref_slice %arg21[%add3A_426] : memref<1048608xf32, #tpu.memory_space<vmem_shared>> -> memref<4096xf32, #tpu.memory_space<vmem_shared>>
    %dma_start3A_428 = tpu.memref_slice %arg21[%add3A_426] : memref<1048608xf32, #tpu.memory_space<vmem_shared>> -> memref<4096xf32, #tpu.memory_space<vmem_shared>>
    tpu.enqueue_dma source(%arg18 : memref<4096xf32, #tpu.memory_space<vmem>>) target(%dma_start3A_428 : memref<4096xf32, #tpu.memory_space<vmem_shared>>) target_semaphore(%arg25 : memref<!tpu.dma_semaphore, #tpu.memory_space<semaphore_mem>>)
    %mul3A_429 = arith.constant 65536 : i32
    %mul3A_430 = arith.muli %arg1, %mul3A_429 : i32
    %add3A_431 = arith.constant 49152 : i32
    %add3A_432 = arith.addi %mul3A_430, %add3A_431 : i32
    %dma_start3A_433 = tpu.memref_slice %arg21[%add3A_432] : memref<1048608xf32, #tpu.memory_space<vmem_shared>> -> memref<4096xf32, #tpu.memory_space<vmem_shared>>
    %dma_start3A_434 = tpu.memref_slice %arg21[%add3A_432] : memref<1048608xf32, #tpu.memory_space<vmem_shared>> -> memref<4096xf32, #tpu.memory_space<vmem_shared>>
    tpu.enqueue_dma source(%arg18 : memref<4096xf32, #tpu.memory_space<vmem>>) target(%dma_start3A_434 : memref<4096xf32, #tpu.memory_space<vmem_shared>>) target_semaphore(%arg25 : memref<!tpu.dma_semaphore, #tpu.memory_space<semaphore_mem>>)
    %mul3A_435 = arith.constant 65536 : i32
    %mul3A_436 = arith.muli %arg1, %mul3A_435 : i32
    %add3A_437 = arith.constant 53248 : i32
    %add3A_438 = arith.addi %mul3A_436, %add3A_437 : i32
    %dma_start3A_439 = tpu.memref_slice %arg21[%add3A_438] : memref<1048608xf32, #tpu.memory_space<vmem_shared>> -> memref<4096xf32, #tpu.memory_space<vmem_shared>>
    %dma_start3A_440 = tpu.memref_slice %arg21[%add3A_438] : memref<1048608xf32, #tpu.memory_space<vmem_shared>> -> memref<4096xf32, #tpu.memory_space<vmem_shared>>
    tpu.enqueue_dma source(%arg18 : memref<4096xf32, #tpu.memory_space<vmem>>) target(%dma_start3A_440 : memref<4096xf32, #tpu.memory_space<vmem_shared>>) target_semaphore(%arg25 : memref<!tpu.dma_semaphore, #tpu.memory_space<semaphore_mem>>)
    %mul3A_441 = arith.constant 65536 : i32
    %mul3A_442 = arith.muli %arg1, %mul3A_441 : i32
    %add3A_443 = arith.constant 57344 : i32
    %add3A_444 = arith.addi %mul3A_442, %add3A_443 : i32
    %dma_start3A_445 = tpu.memref_slice %arg21[%add3A_444] : memref<1048608xf32, #tpu.memory_space<vmem_shared>> -> memref<4096xf32, #tpu.memory_space<vmem_shared>>
    %dma_start3A_446 = tpu.memref_slice %arg21[%add3A_444] : memref<1048608xf32, #tpu.memory_space<vmem_shared>> -> memref<4096xf32, #tpu.memory_space<vmem_shared>>
    tpu.enqueue_dma source(%arg18 : memref<4096xf32, #tpu.memory_space<vmem>>) target(%dma_start3A_446 : memref<4096xf32, #tpu.memory_space<vmem_shared>>) target_semaphore(%arg25 : memref<!tpu.dma_semaphore, #tpu.memory_space<semaphore_mem>>)
    %mul3A_447 = arith.constant 65536 : i32
    %mul3A_448 = arith.muli %arg1, %mul3A_447 : i32
    %add3A_449 = arith.constant 61440 : i32
    %add3A_450 = arith.addi %mul3A_448, %add3A_449 : i32
    %dma_start3A_451 = tpu.memref_slice %arg21[%add3A_450] : memref<1048608xf32, #tpu.memory_space<vmem_shared>> -> memref<4096xf32, #tpu.memory_space<vmem_shared>>
    %dma_start3A_452 = tpu.memref_slice %arg21[%add3A_450] : memref<1048608xf32, #tpu.memory_space<vmem_shared>> -> memref<4096xf32, #tpu.memory_space<vmem_shared>>
    tpu.enqueue_dma source(%arg18 : memref<4096xf32, #tpu.memory_space<vmem>>) target(%dma_start3A_452 : memref<4096xf32, #tpu.memory_space<vmem_shared>>) target_semaphore(%arg25 : memref<!tpu.dma_semaphore, #tpu.memory_space<semaphore_mem>>)
    %dma_wait3A = arith.constant 0 : i32
    %dma_wait3A_453 = tpu.memref_slice %arg13[%dma_wait3A] : memref<8192xf32, #tpu.memory_space<vmem>> -> memref<512xf32, #tpu.memory_space<vmem>>
    %dma_wait3A_454 = arith.constant 0 : i32
    %dma_wait3A_455 = tpu.memref_slice %arg2[%dma_wait3A_454] : memref<131072xf32, #tpu.memory_space<hbm>> -> memref<512xf32, #tpu.memory_space<hbm>>
    %dma_wait3A_456 = arith.constant 0 : i32
    %dma_wait3A_457 = tpu.memref_slice %arg13[%dma_wait3A_456] : memref<8192xf32, #tpu.memory_space<vmem>> -> memref<512xf32, #tpu.memory_space<vmem>>
    %dma_wait3A_458 = arith.constant 0 : i32
    %dma_wait3A_459 = tpu.memref_slice %arg2[%dma_wait3A_458] : memref<131072xf32, #tpu.memory_space<hbm>> -> memref<512xf32, #tpu.memory_space<hbm>>
    tpu.wait_dma2 semaphore(%arg22 : memref<!tpu.dma_semaphore, #tpu.memory_space<semaphore_mem>>) src(%dma_wait3A_459 : memref<512xf32, #tpu.memory_space<hbm>>) dst(%dma_wait3A_457 : memref<512xf32, #tpu.memory_space<vmem>>)
    %dma_wait3A_460 = arith.constant 0 : i32
    %dma_wait3A_461 = tpu.memref_slice %arg13[%dma_wait3A_460] : memref<8192xf32, #tpu.memory_space<vmem>> -> memref<512xf32, #tpu.memory_space<vmem>>
    %dma_wait3A_462 = arith.constant 0 : i32
    %dma_wait3A_463 = tpu.memref_slice %arg2[%dma_wait3A_462] : memref<131072xf32, #tpu.memory_space<hbm>> -> memref<512xf32, #tpu.memory_space<hbm>>
    %dma_wait3A_464 = arith.constant 0 : i32
    %dma_wait3A_465 = tpu.memref_slice %arg13[%dma_wait3A_464] : memref<8192xf32, #tpu.memory_space<vmem>> -> memref<512xf32, #tpu.memory_space<vmem>>
    %dma_wait3A_466 = arith.constant 0 : i32
    %dma_wait3A_467 = tpu.memref_slice %arg2[%dma_wait3A_466] : memref<131072xf32, #tpu.memory_space<hbm>> -> memref<512xf32, #tpu.memory_space<hbm>>
    tpu.wait_dma2 semaphore(%arg22 : memref<!tpu.dma_semaphore, #tpu.memory_space<semaphore_mem>>) src(%dma_wait3A_467 : memref<512xf32, #tpu.memory_space<hbm>>) dst(%dma_wait3A_465 : memref<512xf32, #tpu.memory_space<vmem>>)
    %dma_wait3A_468 = arith.constant 0 : i32
    %dma_wait3A_469 = tpu.memref_slice %arg13[%dma_wait3A_468] : memref<8192xf32, #tpu.memory_space<vmem>> -> memref<512xf32, #tpu.memory_space<vmem>>
    %dma_wait3A_470 = arith.constant 0 : i32
    %dma_wait3A_471 = tpu.memref_slice %arg2[%dma_wait3A_470] : memref<131072xf32, #tpu.memory_space<hbm>> -> memref<512xf32, #tpu.memory_space<hbm>>
    %dma_wait3A_472 = arith.constant 0 : i32
    %dma_wait3A_473 = tpu.memref_slice %arg13[%dma_wait3A_472] : memref<8192xf32, #tpu.memory_space<vmem>> -> memref<512xf32, #tpu.memory_space<vmem>>
    %dma_wait3A_474 = arith.constant 0 : i32
    %dma_wait3A_475 = tpu.memref_slice %arg2[%dma_wait3A_474] : memref<131072xf32, #tpu.memory_space<hbm>> -> memref<512xf32, #tpu.memory_space<hbm>>
    tpu.wait_dma2 semaphore(%arg22 : memref<!tpu.dma_semaphore, #tpu.memory_space<semaphore_mem>>) src(%dma_wait3A_475 : memref<512xf32, #tpu.memory_space<hbm>>) dst(%dma_wait3A_473 : memref<512xf32, #tpu.memory_space<vmem>>)
    %dma_wait3A_476 = arith.constant 0 : i32
    %dma_wait3A_477 = tpu.memref_slice %arg13[%dma_wait3A_476] : memref<8192xf32, #tpu.memory_space<vmem>> -> memref<512xf32, #tpu.memory_space<vmem>>
    %dma_wait3A_478 = arith.constant 0 : i32
    %dma_wait3A_479 = tpu.memref_slice %arg2[%dma_wait3A_478] : memref<131072xf32, #tpu.memory_space<hbm>> -> memref<512xf32, #tpu.memory_space<hbm>>
    %dma_wait3A_480 = arith.constant 0 : i32
    %dma_wait3A_481 = tpu.memref_slice %arg13[%dma_wait3A_480] : memref<8192xf32, #tpu.memory_space<vmem>> -> memref<512xf32, #tpu.memory_space<vmem>>
    %dma_wait3A_482 = arith.constant 0 : i32
    %dma_wait3A_483 = tpu.memref_slice %arg2[%dma_wait3A_482] : memref<131072xf32, #tpu.memory_space<hbm>> -> memref<512xf32, #tpu.memory_space<hbm>>
    tpu.wait_dma2 semaphore(%arg22 : memref<!tpu.dma_semaphore, #tpu.memory_space<semaphore_mem>>) src(%dma_wait3A_483 : memref<512xf32, #tpu.memory_space<hbm>>) dst(%dma_wait3A_481 : memref<512xf32, #tpu.memory_space<vmem>>)
    %dma_wait3A_484 = arith.constant 0 : i32
    %dma_wait3A_485 = tpu.memref_slice %arg13[%dma_wait3A_484] : memref<8192xf32, #tpu.memory_space<vmem>> -> memref<512xf32, #tpu.memory_space<vmem>>
    %dma_wait3A_486 = arith.constant 0 : i32
    %dma_wait3A_487 = tpu.memref_slice %arg2[%dma_wait3A_486] : memref<131072xf32, #tpu.memory_space<hbm>> -> memref<512xf32, #tpu.memory_space<hbm>>
    %dma_wait3A_488 = arith.constant 0 : i32
    %dma_wait3A_489 = tpu.memref_slice %arg13[%dma_wait3A_488] : memref<8192xf32, #tpu.memory_space<vmem>> -> memref<512xf32, #tpu.memory_space<vmem>>
    %dma_wait3A_490 = arith.constant 0 : i32
    %dma_wait3A_491 = tpu.memref_slice %arg2[%dma_wait3A_490] : memref<131072xf32, #tpu.memory_space<hbm>> -> memref<512xf32, #tpu.memory_space<hbm>>
    tpu.wait_dma2 semaphore(%arg22 : memref<!tpu.dma_semaphore, #tpu.memory_space<semaphore_mem>>) src(%dma_wait3A_491 : memref<512xf32, #tpu.memory_space<hbm>>) dst(%dma_wait3A_489 : memref<512xf32, #tpu.memory_space<vmem>>)
    %dma_wait3A_492 = arith.constant 0 : i32
    %dma_wait3A_493 = tpu.memref_slice %arg13[%dma_wait3A_492] : memref<8192xf32, #tpu.memory_space<vmem>> -> memref<512xf32, #tpu.memory_space<vmem>>
    %dma_wait3A_494 = arith.constant 0 : i32
    %dma_wait3A_495 = tpu.memref_slice %arg2[%dma_wait3A_494] : memref<131072xf32, #tpu.memory_space<hbm>> -> memref<512xf32, #tpu.memory_space<hbm>>
    %dma_wait3A_496 = arith.constant 0 : i32
    %dma_wait3A_497 = tpu.memref_slice %arg13[%dma_wait3A_496] : memref<8192xf32, #tpu.memory_space<vmem>> -> memref<512xf32, #tpu.memory_space<vmem>>
    %dma_wait3A_498 = arith.constant 0 : i32
    %dma_wait3A_499 = tpu.memref_slice %arg2[%dma_wait3A_498] : memref<131072xf32, #tpu.memory_space<hbm>> -> memref<512xf32, #tpu.memory_space<hbm>>
    tpu.wait_dma2 semaphore(%arg22 : memref<!tpu.dma_semaphore, #tpu.memory_space<semaphore_mem>>) src(%dma_wait3A_499 : memref<512xf32, #tpu.memory_space<hbm>>) dst(%dma_wait3A_497 : memref<512xf32, #tpu.memory_space<vmem>>)
    %dma_wait3A_500 = arith.constant 0 : i32
    %dma_wait3A_501 = tpu.memref_slice %arg13[%dma_wait3A_500] : memref<8192xf32, #tpu.memory_space<vmem>> -> memref<512xf32, #tpu.memory_space<vmem>>
    %dma_wait3A_502 = arith.constant 0 : i32
    %dma_wait3A_503 = tpu.memref_slice %arg2[%dma_wait3A_502] : memref<131072xf32, #tpu.memory_space<hbm>> -> memref<512xf32, #tpu.memory_space<hbm>>
    %dma_wait3A_504 = arith.constant 0 : i32
    %dma_wait3A_505 = tpu.memref_slice %arg13[%dma_wait3A_504] : memref<8192xf32, #tpu.memory_space<vmem>> -> memref<512xf32, #tpu.memory_space<vmem>>
    %dma_wait3A_506 = arith.constant 0 : i32
    %dma_wait3A_507 = tpu.memref_slice %arg2[%dma_wait3A_506] : memref<131072xf32, #tpu.memory_space<hbm>> -> memref<512xf32, #tpu.memory_space<hbm>>
    tpu.wait_dma2 semaphore(%arg22 : memref<!tpu.dma_semaphore, #tpu.memory_space<semaphore_mem>>) src(%dma_wait3A_507 : memref<512xf32, #tpu.memory_space<hbm>>) dst(%dma_wait3A_505 : memref<512xf32, #tpu.memory_space<vmem>>)
    %dma_wait3A_508 = arith.constant 0 : i32
    %dma_wait3A_509 = tpu.memref_slice %arg13[%dma_wait3A_508] : memref<8192xf32, #tpu.memory_space<vmem>> -> memref<512xf32, #tpu.memory_space<vmem>>
    %dma_wait3A_510 = arith.constant 0 : i32
    %dma_wait3A_511 = tpu.memref_slice %arg2[%dma_wait3A_510] : memref<131072xf32, #tpu.memory_space<hbm>> -> memref<512xf32, #tpu.memory_space<hbm>>
    %dma_wait3A_512 = arith.constant 0 : i32
    %dma_wait3A_513 = tpu.memref_slice %arg13[%dma_wait3A_512] : memref<8192xf32, #tpu.memory_space<vmem>> -> memref<512xf32, #tpu.memory_space<vmem>>
    %dma_wait3A_514 = arith.constant 0 : i32
    %dma_wait3A_515 = tpu.memref_slice %arg2[%dma_wait3A_514] : memref<131072xf32, #tpu.memory_space<hbm>> -> memref<512xf32, #tpu.memory_space<hbm>>
    tpu.wait_dma2 semaphore(%arg22 : memref<!tpu.dma_semaphore, #tpu.memory_space<semaphore_mem>>) src(%dma_wait3A_515 : memref<512xf32, #tpu.memory_space<hbm>>) dst(%dma_wait3A_513 : memref<512xf32, #tpu.memory_space<vmem>>)
    %dma_wait3A_516 = arith.constant 0 : i32
    %dma_wait3A_517 = tpu.memref_slice %arg13[%dma_wait3A_516] : memref<8192xf32, #tpu.memory_space<vmem>> -> memref<512xf32, #tpu.memory_space<vmem>>
    %dma_wait3A_518 = arith.constant 0 : i32
    %dma_wait3A_519 = tpu.memref_slice %arg2[%dma_wait3A_518] : memref<131072xf32, #tpu.memory_space<hbm>> -> memref<512xf32, #tpu.memory_space<hbm>>
    %dma_wait3A_520 = arith.constant 0 : i32
    %dma_wait3A_521 = tpu.memref_slice %arg13[%dma_wait3A_520] : memref<8192xf32, #tpu.memory_space<vmem>> -> memref<512xf32, #tpu.memory_space<vmem>>
    %dma_wait3A_522 = arith.constant 0 : i32
    %dma_wait3A_523 = tpu.memref_slice %arg2[%dma_wait3A_522] : memref<131072xf32, #tpu.memory_space<hbm>> -> memref<512xf32, #tpu.memory_space<hbm>>
    tpu.wait_dma2 semaphore(%arg22 : memref<!tpu.dma_semaphore, #tpu.memory_space<semaphore_mem>>) src(%dma_wait3A_523 : memref<512xf32, #tpu.memory_space<hbm>>) dst(%dma_wait3A_521 : memref<512xf32, #tpu.memory_space<vmem>>)
    %dma_wait3A_524 = arith.constant 0 : i32
    %dma_wait3A_525 = tpu.memref_slice %arg13[%dma_wait3A_524] : memref<8192xf32, #tpu.memory_space<vmem>> -> memref<512xf32, #tpu.memory_space<vmem>>
    %dma_wait3A_526 = arith.constant 0 : i32
    %dma_wait3A_527 = tpu.memref_slice %arg2[%dma_wait3A_526] : memref<131072xf32, #tpu.memory_space<hbm>> -> memref<512xf32, #tpu.memory_space<hbm>>
    %dma_wait3A_528 = arith.constant 0 : i32
    %dma_wait3A_529 = tpu.memref_slice %arg13[%dma_wait3A_528] : memref<8192xf32, #tpu.memory_space<vmem>> -> memref<512xf32, #tpu.memory_space<vmem>>
    %dma_wait3A_530 = arith.constant 0 : i32
    %dma_wait3A_531 = tpu.memref_slice %arg2[%dma_wait3A_530] : memref<131072xf32, #tpu.memory_space<hbm>> -> memref<512xf32, #tpu.memory_space<hbm>>
    tpu.wait_dma2 semaphore(%arg22 : memref<!tpu.dma_semaphore, #tpu.memory_space<semaphore_mem>>) src(%dma_wait3A_531 : memref<512xf32, #tpu.memory_space<hbm>>) dst(%dma_wait3A_529 : memref<512xf32, #tpu.memory_space<vmem>>)
    %dma_wait3A_532 = arith.constant 0 : i32
    %dma_wait3A_533 = tpu.memref_slice %arg13[%dma_wait3A_532] : memref<8192xf32, #tpu.memory_space<vmem>> -> memref<512xf32, #tpu.memory_space<vmem>>
    %dma_wait3A_534 = arith.constant 0 : i32
    %dma_wait3A_535 = tpu.memref_slice %arg2[%dma_wait3A_534] : memref<131072xf32, #tpu.memory_space<hbm>> -> memref<512xf32, #tpu.memory_space<hbm>>
    %dma_wait3A_536 = arith.constant 0 : i32
    %dma_wait3A_537 = tpu.memref_slice %arg13[%dma_wait3A_536] : memref<8192xf32, #tpu.memory_space<vmem>> -> memref<512xf32, #tpu.memory_space<vmem>>
    %dma_wait3A_538 = arith.constant 0 : i32
    %dma_wait3A_539 = tpu.memref_slice %arg2[%dma_wait3A_538] : memref<131072xf32, #tpu.memory_space<hbm>> -> memref<512xf32, #tpu.memory_space<hbm>>
    tpu.wait_dma2 semaphore(%arg22 : memref<!tpu.dma_semaphore, #tpu.memory_space<semaphore_mem>>) src(%dma_wait3A_539 : memref<512xf32, #tpu.memory_space<hbm>>) dst(%dma_wait3A_537 : memref<512xf32, #tpu.memory_space<vmem>>)
    %dma_wait3A_540 = arith.constant 0 : i32
    %dma_wait3A_541 = tpu.memref_slice %arg13[%dma_wait3A_540] : memref<8192xf32, #tpu.memory_space<vmem>> -> memref<512xf32, #tpu.memory_space<vmem>>
    %dma_wait3A_542 = arith.constant 0 : i32
    %dma_wait3A_543 = tpu.memref_slice %arg2[%dma_wait3A_542] : memref<131072xf32, #tpu.memory_space<hbm>> -> memref<512xf32, #tpu.memory_space<hbm>>
    %dma_wait3A_544 = arith.constant 0 : i32
    %dma_wait3A_545 = tpu.memref_slice %arg13[%dma_wait3A_544] : memref<8192xf32, #tpu.memory_space<vmem>> -> memref<512xf32, #tpu.memory_space<vmem>>
    %dma_wait3A_546 = arith.constant 0 : i32
    %dma_wait3A_547 = tpu.memref_slice %arg2[%dma_wait3A_546] : memref<131072xf32, #tpu.memory_space<hbm>> -> memref<512xf32, #tpu.memory_space<hbm>>
    tpu.wait_dma2 semaphore(%arg22 : memref<!tpu.dma_semaphore, #tpu.memory_space<semaphore_mem>>) src(%dma_wait3A_547 : memref<512xf32, #tpu.memory_space<hbm>>) dst(%dma_wait3A_545 : memref<512xf32, #tpu.memory_space<vmem>>)
    %dma_wait3A_548 = arith.constant 0 : i32
    %dma_wait3A_549 = tpu.memref_slice %arg13[%dma_wait3A_548] : memref<8192xf32, #tpu.memory_space<vmem>> -> memref<512xf32, #tpu.memory_space<vmem>>
    %dma_wait3A_550 = arith.constant 0 : i32
    %dma_wait3A_551 = tpu.memref_slice %arg2[%dma_wait3A_550] : memref<131072xf32, #tpu.memory_space<hbm>> -> memref<512xf32, #tpu.memory_space<hbm>>
    %dma_wait3A_552 = arith.constant 0 : i32
    %dma_wait3A_553 = tpu.memref_slice %arg13[%dma_wait3A_552] : memref<8192xf32, #tpu.memory_space<vmem>> -> memref<512xf32, #tpu.memory_space<vmem>>
    %dma_wait3A_554 = arith.constant 0 : i32
    %dma_wait3A_555 = tpu.memref_slice %arg2[%dma_wait3A_554] : memref<131072xf32, #tpu.memory_space<hbm>> -> memref<512xf32, #tpu.memory_space<hbm>>
    tpu.wait_dma2 semaphore(%arg22 : memref<!tpu.dma_semaphore, #tpu.memory_space<semaphore_mem>>) src(%dma_wait3A_555 : memref<512xf32, #tpu.memory_space<hbm>>) dst(%dma_wait3A_553 : memref<512xf32, #tpu.memory_space<vmem>>)
    %dma_wait3A_556 = arith.constant 0 : i32
    %dma_wait3A_557 = tpu.memref_slice %arg13[%dma_wait3A_556] : memref<8192xf32, #tpu.memory_space<vmem>> -> memref<512xf32, #tpu.memory_space<vmem>>
    %dma_wait3A_558 = arith.constant 0 : i32
    %dma_wait3A_559 = tpu.memref_slice %arg2[%dma_wait3A_558] : memref<131072xf32, #tpu.memory_space<hbm>> -> memref<512xf32, #tpu.memory_space<hbm>>
    %dma_wait3A_560 = arith.constant 0 : i32
    %dma_wait3A_561 = tpu.memref_slice %arg13[%dma_wait3A_560] : memref<8192xf32, #tpu.memory_space<vmem>> -> memref<512xf32, #tpu.memory_space<vmem>>
    %dma_wait3A_562 = arith.constant 0 : i32
    %dma_wait3A_563 = tpu.memref_slice %arg2[%dma_wait3A_562] : memref<131072xf32, #tpu.memory_space<hbm>> -> memref<512xf32, #tpu.memory_space<hbm>>
    tpu.wait_dma2 semaphore(%arg22 : memref<!tpu.dma_semaphore, #tpu.memory_space<semaphore_mem>>) src(%dma_wait3A_563 : memref<512xf32, #tpu.memory_space<hbm>>) dst(%dma_wait3A_561 : memref<512xf32, #tpu.memory_space<vmem>>)
    %dma_wait3A_564 = arith.constant 0 : i32
    %dma_wait3A_565 = tpu.memref_slice %arg13[%dma_wait3A_564] : memref<8192xf32, #tpu.memory_space<vmem>> -> memref<512xf32, #tpu.memory_space<vmem>>
    %dma_wait3A_566 = arith.constant 0 : i32
    %dma_wait3A_567 = tpu.memref_slice %arg2[%dma_wait3A_566] : memref<131072xf32, #tpu.memory_space<hbm>> -> memref<512xf32, #tpu.memory_space<hbm>>
    %dma_wait3A_568 = arith.constant 0 : i32
    %dma_wait3A_569 = tpu.memref_slice %arg13[%dma_wait3A_568] : memref<8192xf32, #tpu.memory_space<vmem>> -> memref<512xf32, #tpu.memory_space<vmem>>
    %dma_wait3A_570 = arith.constant 0 : i32
    %dma_wait3A_571 = tpu.memref_slice %arg2[%dma_wait3A_570] : memref<131072xf32, #tpu.memory_space<hbm>> -> memref<512xf32, #tpu.memory_space<hbm>>
    tpu.wait_dma2 semaphore(%arg22 : memref<!tpu.dma_semaphore, #tpu.memory_space<semaphore_mem>>) src(%dma_wait3A_571 : memref<512xf32, #tpu.memory_space<hbm>>) dst(%dma_wait3A_569 : memref<512xf32, #tpu.memory_space<vmem>>)
    %dma_wait3A_572 = arith.constant 0 : i32
    %dma_wait3A_573 = tpu.memref_slice %arg13[%dma_wait3A_572] : memref<8192xf32, #tpu.memory_space<vmem>> -> memref<512xf32, #tpu.memory_space<vmem>>
    %dma_wait3A_574 = arith.constant 0 : i32
    %dma_wait3A_575 = tpu.memref_slice %arg2[%dma_wait3A_574] : memref<131072xf32, #tpu.memory_space<hbm>> -> memref<512xf32, #tpu.memory_space<hbm>>
    %dma_wait3A_576 = arith.constant 0 : i32
    %dma_wait3A_577 = tpu.memref_slice %arg13[%dma_wait3A_576] : memref<8192xf32, #tpu.memory_space<vmem>> -> memref<512xf32, #tpu.memory_space<vmem>>
    %dma_wait3A_578 = arith.constant 0 : i32
    %dma_wait3A_579 = tpu.memref_slice %arg2[%dma_wait3A_578] : memref<131072xf32, #tpu.memory_space<hbm>> -> memref<512xf32, #tpu.memory_space<hbm>>
    tpu.wait_dma2 semaphore(%arg22 : memref<!tpu.dma_semaphore, #tpu.memory_space<semaphore_mem>>) src(%dma_wait3A_579 : memref<512xf32, #tpu.memory_space<hbm>>) dst(%dma_wait3A_577 : memref<512xf32, #tpu.memory_space<vmem>>)
    %dma_wait3A_580 = arith.constant 0 : i32
    %dma_wait3A_581 = tpu.memref_slice %arg13[%dma_wait3A_580] : memref<8192xf32, #tpu.memory_space<vmem>> -> memref<512xf32, #tpu.memory_space<vmem>>
    %dma_wait3A_582 = arith.constant 0 : i32
    %dma_wait3A_583 = tpu.memref_slice %arg2[%dma_wait3A_582] : memref<131072xf32, #tpu.memory_space<hbm>> -> memref<512xf32, #tpu.memory_space<hbm>>
    %dma_wait3A_584 = arith.constant 0 : i32
    %dma_wait3A_585 = tpu.memref_slice %arg13[%dma_wait3A_584] : memref<8192xf32, #tpu.memory_space<vmem>> -> memref<512xf32, #tpu.memory_space<vmem>>
    %dma_wait3A_586 = arith.constant 0 : i32
    %dma_wait3A_587 = tpu.memref_slice %arg2[%dma_wait3A_586] : memref<131072xf32, #tpu.memory_space<hbm>> -> memref<512xf32, #tpu.memory_space<hbm>>
    tpu.wait_dma2 semaphore(%arg22 : memref<!tpu.dma_semaphore, #tpu.memory_space<semaphore_mem>>) src(%dma_wait3A_587 : memref<512xf32, #tpu.memory_space<hbm>>) dst(%dma_wait3A_585 : memref<512xf32, #tpu.memory_space<vmem>>)
    %dma_wait3A_588 = arith.constant 0 : i32
    %dma_wait3A_589 = tpu.memref_slice %arg13[%dma_wait3A_588] : memref<8192xf32, #tpu.memory_space<vmem>> -> memref<512xf32, #tpu.memory_space<vmem>>
    %dma_wait3A_590 = arith.constant 0 : i32
    %dma_wait3A_591 = tpu.memref_slice %arg2[%dma_wait3A_590] : memref<131072xf32, #tpu.memory_space<hbm>> -> memref<512xf32, #tpu.memory_space<hbm>>
    %dma_wait3A_592 = arith.constant 0 : i32
    %dma_wait3A_593 = tpu.memref_slice %arg13[%dma_wait3A_592] : memref<8192xf32, #tpu.memory_space<vmem>> -> memref<512xf32, #tpu.memory_space<vmem>>
    %dma_wait3A_594 = arith.constant 0 : i32
    %dma_wait3A_595 = tpu.memref_slice %arg2[%dma_wait3A_594] : memref<131072xf32, #tpu.memory_space<hbm>> -> memref<512xf32, #tpu.memory_space<hbm>>
    tpu.wait_dma2 semaphore(%arg22 : memref<!tpu.dma_semaphore, #tpu.memory_space<semaphore_mem>>) src(%dma_wait3A_595 : memref<512xf32, #tpu.memory_space<hbm>>) dst(%dma_wait3A_593 : memref<512xf32, #tpu.memory_space<vmem>>)
    %dma_wait3A_596 = arith.constant 0 : i32
    %dma_wait3A_597 = tpu.memref_slice %arg13[%dma_wait3A_596] : memref<8192xf32, #tpu.memory_space<vmem>> -> memref<512xf32, #tpu.memory_space<vmem>>
    %dma_wait3A_598 = arith.constant 0 : i32
    %dma_wait3A_599 = tpu.memref_slice %arg2[%dma_wait3A_598] : memref<131072xf32, #tpu.memory_space<hbm>> -> memref<512xf32, #tpu.memory_space<hbm>>
    %dma_wait3A_600 = arith.constant 0 : i32
    %dma_wait3A_601 = tpu.memref_slice %arg13[%dma_wait3A_600] : memref<8192xf32, #tpu.memory_space<vmem>> -> memref<512xf32, #tpu.memory_space<vmem>>
    %dma_wait3A_602 = arith.constant 0 : i32
    %dma_wait3A_603 = tpu.memref_slice %arg2[%dma_wait3A_602] : memref<131072xf32, #tpu.memory_space<hbm>> -> memref<512xf32, #tpu.memory_space<hbm>>
    tpu.wait_dma2 semaphore(%arg22 : memref<!tpu.dma_semaphore, #tpu.memory_space<semaphore_mem>>) src(%dma_wait3A_603 : memref<512xf32, #tpu.memory_space<hbm>>) dst(%dma_wait3A_601 : memref<512xf32, #tpu.memory_space<vmem>>)
    %dma_wait3A_604 = arith.constant 0 : i32
    %dma_wait3A_605 = tpu.memref_slice %arg13[%dma_wait3A_604] : memref<8192xf32, #tpu.memory_space<vmem>> -> memref<512xf32, #tpu.memory_space<vmem>>
    %dma_wait3A_606 = arith.constant 0 : i32
    %dma_wait3A_607 = tpu.memref_slice %arg2[%dma_wait3A_606] : memref<131072xf32, #tpu.memory_space<hbm>> -> memref<512xf32, #tpu.memory_space<hbm>>
    %dma_wait3A_608 = arith.constant 0 : i32
    %dma_wait3A_609 = tpu.memref_slice %arg13[%dma_wait3A_608] : memref<8192xf32, #tpu.memory_space<vmem>> -> memref<512xf32, #tpu.memory_space<vmem>>
    %dma_wait3A_610 = arith.constant 0 : i32
    %dma_wait3A_611 = tpu.memref_slice %arg2[%dma_wait3A_610] : memref<131072xf32, #tpu.memory_space<hbm>> -> memref<512xf32, #tpu.memory_space<hbm>>
    tpu.wait_dma2 semaphore(%arg22 : memref<!tpu.dma_semaphore, #tpu.memory_space<semaphore_mem>>) src(%dma_wait3A_611 : memref<512xf32, #tpu.memory_space<hbm>>) dst(%dma_wait3A_609 : memref<512xf32, #tpu.memory_space<vmem>>)
    %dma_wait3A_612 = arith.constant 0 : i32
    %dma_wait3A_613 = tpu.memref_slice %arg13[%dma_wait3A_612] : memref<8192xf32, #tpu.memory_space<vmem>> -> memref<512xf32, #tpu.memory_space<vmem>>
    %dma_wait3A_614 = arith.constant 0 : i32
    %dma_wait3A_615 = tpu.memref_slice %arg2[%dma_wait3A_614] : memref<131072xf32, #tpu.memory_space<hbm>> -> memref<512xf32, #tpu.memory_space<hbm>>
    %dma_wait3A_616 = arith.constant 0 : i32
    %dma_wait3A_617 = tpu.memref_slice %arg13[%dma_wait3A_616] : memref<8192xf32, #tpu.memory_space<vmem>> -> memref<512xf32, #tpu.memory_space<vmem>>
    %dma_wait3A_618 = arith.constant 0 : i32
    %dma_wait3A_619 = tpu.memref_slice %arg2[%dma_wait3A_618] : memref<131072xf32, #tpu.memory_space<hbm>> -> memref<512xf32, #tpu.memory_space<hbm>>
    tpu.wait_dma2 semaphore(%arg22 : memref<!tpu.dma_semaphore, #tpu.memory_space<semaphore_mem>>) src(%dma_wait3A_619 : memref<512xf32, #tpu.memory_space<hbm>>) dst(%dma_wait3A_617 : memref<512xf32, #tpu.memory_space<vmem>>)
    %dma_wait3A_620 = arith.constant 0 : i32
    %dma_wait3A_621 = tpu.memref_slice %arg13[%dma_wait3A_620] : memref<8192xf32, #tpu.memory_space<vmem>> -> memref<512xf32, #tpu.memory_space<vmem>>
    %dma_wait3A_622 = arith.constant 0 : i32
    %dma_wait3A_623 = tpu.memref_slice %arg2[%dma_wait3A_622] : memref<131072xf32, #tpu.memory_space<hbm>> -> memref<512xf32, #tpu.memory_space<hbm>>
    %dma_wait3A_624 = arith.constant 0 : i32
    %dma_wait3A_625 = tpu.memref_slice %arg13[%dma_wait3A_624] : memref<8192xf32, #tpu.memory_space<vmem>> -> memref<512xf32, #tpu.memory_space<vmem>>
    %dma_wait3A_626 = arith.constant 0 : i32
    %dma_wait3A_627 = tpu.memref_slice %arg2[%dma_wait3A_626] : memref<131072xf32, #tpu.memory_space<hbm>> -> memref<512xf32, #tpu.memory_space<hbm>>
    tpu.wait_dma2 semaphore(%arg22 : memref<!tpu.dma_semaphore, #tpu.memory_space<semaphore_mem>>) src(%dma_wait3A_627 : memref<512xf32, #tpu.memory_space<hbm>>) dst(%dma_wait3A_625 : memref<512xf32, #tpu.memory_space<vmem>>)
    %dma_wait3A_628 = arith.constant 0 : i32
    %dma_wait3A_629 = tpu.memref_slice %arg13[%dma_wait3A_628] : memref<8192xf32, #tpu.memory_space<vmem>> -> memref<512xf32, #tpu.memory_space<vmem>>
    %dma_wait3A_630 = arith.constant 0 : i32
    %dma_wait3A_631 = tpu.memref_slice %arg2[%dma_wait3A_630] : memref<131072xf32, #tpu.memory_space<hbm>> -> memref<512xf32, #tpu.memory_space<hbm>>
    %dma_wait3A_632 = arith.constant 0 : i32
    %dma_wait3A_633 = tpu.memref_slice %arg13[%dma_wait3A_632] : memref<8192xf32, #tpu.memory_space<vmem>> -> memref<512xf32, #tpu.memory_space<vmem>>
    %dma_wait3A_634 = arith.constant 0 : i32
    %dma_wait3A_635 = tpu.memref_slice %arg2[%dma_wait3A_634] : memref<131072xf32, #tpu.memory_space<hbm>> -> memref<512xf32, #tpu.memory_space<hbm>>
    tpu.wait_dma2 semaphore(%arg22 : memref<!tpu.dma_semaphore, #tpu.memory_space<semaphore_mem>>) src(%dma_wait3A_635 : memref<512xf32, #tpu.memory_space<hbm>>) dst(%dma_wait3A_633 : memref<512xf32, #tpu.memory_space<vmem>>)
    %dma_wait3A_636 = arith.constant 0 : i32
    %dma_wait3A_637 = tpu.memref_slice %arg13[%dma_wait3A_636] : memref<8192xf32, #tpu.memory_space<vmem>> -> memref<512xf32, #tpu.memory_space<vmem>>
    %dma_wait3A_638 = arith.constant 0 : i32
    %dma_wait3A_639 = tpu.memref_slice %arg2[%dma_wait3A_638] : memref<131072xf32, #tpu.memory_space<hbm>> -> memref<512xf32, #tpu.memory_space<hbm>>
    %dma_wait3A_640 = arith.constant 0 : i32
    %dma_wait3A_641 = tpu.memref_slice %arg13[%dma_wait3A_640] : memref<8192xf32, #tpu.memory_space<vmem>> -> memref<512xf32, #tpu.memory_space<vmem>>
    %dma_wait3A_642 = arith.constant 0 : i32
    %dma_wait3A_643 = tpu.memref_slice %arg2[%dma_wait3A_642] : memref<131072xf32, #tpu.memory_space<hbm>> -> memref<512xf32, #tpu.memory_space<hbm>>
    tpu.wait_dma2 semaphore(%arg22 : memref<!tpu.dma_semaphore, #tpu.memory_space<semaphore_mem>>) src(%dma_wait3A_643 : memref<512xf32, #tpu.memory_space<hbm>>) dst(%dma_wait3A_641 : memref<512xf32, #tpu.memory_space<vmem>>)
    %dma_wait3A_644 = arith.constant 0 : i32
    %dma_wait3A_645 = tpu.memref_slice %arg13[%dma_wait3A_644] : memref<8192xf32, #tpu.memory_space<vmem>> -> memref<512xf32, #tpu.memory_space<vmem>>
    %dma_wait3A_646 = arith.constant 0 : i32
    %dma_wait3A_647 = tpu.memref_slice %arg2[%dma_wait3A_646] : memref<131072xf32, #tpu.memory_space<hbm>> -> memref<512xf32, #tpu.memory_space<hbm>>
    %dma_wait3A_648 = arith.constant 0 : i32
    %dma_wait3A_649 = tpu.memref_slice %arg13[%dma_wait3A_648] : memref<8192xf32, #tpu.memory_space<vmem>> -> memref<512xf32, #tpu.memory_space<vmem>>
    %dma_wait3A_650 = arith.constant 0 : i32
    %dma_wait3A_651 = tpu.memref_slice %arg2[%dma_wait3A_650] : memref<131072xf32, #tpu.memory_space<hbm>> -> memref<512xf32, #tpu.memory_space<hbm>>
    tpu.wait_dma2 semaphore(%arg22 : memref<!tpu.dma_semaphore, #tpu.memory_space<semaphore_mem>>) src(%dma_wait3A_651 : memref<512xf32, #tpu.memory_space<hbm>>) dst(%dma_wait3A_649 : memref<512xf32, #tpu.memory_space<vmem>>)
    %dma_wait3A_652 = arith.constant 0 : i32
    %dma_wait3A_653 = tpu.memref_slice %arg13[%dma_wait3A_652] : memref<8192xf32, #tpu.memory_space<vmem>> -> memref<512xf32, #tpu.memory_space<vmem>>
    %dma_wait3A_654 = arith.constant 0 : i32
    %dma_wait3A_655 = tpu.memref_slice %arg2[%dma_wait3A_654] : memref<131072xf32, #tpu.memory_space<hbm>> -> memref<512xf32, #tpu.memory_space<hbm>>
    %dma_wait3A_656 = arith.constant 0 : i32
    %dma_wait3A_657 = tpu.memref_slice %arg13[%dma_wait3A_656] : memref<8192xf32, #tpu.memory_space<vmem>> -> memref<512xf32, #tpu.memory_space<vmem>>
    %dma_wait3A_658 = arith.constant 0 : i32
    %dma_wait3A_659 = tpu.memref_slice %arg2[%dma_wait3A_658] : memref<131072xf32, #tpu.memory_space<hbm>> -> memref<512xf32, #tpu.memory_space<hbm>>
    tpu.wait_dma2 semaphore(%arg22 : memref<!tpu.dma_semaphore, #tpu.memory_space<semaphore_mem>>) src(%dma_wait3A_659 : memref<512xf32, #tpu.memory_space<hbm>>) dst(%dma_wait3A_657 : memref<512xf32, #tpu.memory_space<vmem>>)
    %dma_wait3A_660 = arith.constant 0 : i32
    %dma_wait3A_661 = tpu.memref_slice %arg13[%dma_wait3A_660] : memref<8192xf32, #tpu.memory_space<vmem>> -> memref<512xf32, #tpu.memory_space<vmem>>
    %dma_wait3A_662 = arith.constant 0 : i32
    %dma_wait3A_663 = tpu.memref_slice %arg2[%dma_wait3A_662] : memref<131072xf32, #tpu.memory_space<hbm>> -> memref<512xf32, #tpu.memory_space<hbm>>
    %dma_wait3A_664 = arith.constant 0 : i32
    %dma_wait3A_665 = tpu.memref_slice %arg13[%dma_wait3A_664] : memref<8192xf32, #tpu.memory_space<vmem>> -> memref<512xf32, #tpu.memory_space<vmem>>
    %dma_wait3A_666 = arith.constant 0 : i32
    %dma_wait3A_667 = tpu.memref_slice %arg2[%dma_wait3A_666] : memref<131072xf32, #tpu.memory_space<hbm>> -> memref<512xf32, #tpu.memory_space<hbm>>
    tpu.wait_dma2 semaphore(%arg22 : memref<!tpu.dma_semaphore, #tpu.memory_space<semaphore_mem>>) src(%dma_wait3A_667 : memref<512xf32, #tpu.memory_space<hbm>>) dst(%dma_wait3A_665 : memref<512xf32, #tpu.memory_space<vmem>>)
    %dma_wait3A_668 = arith.constant 0 : i32
    %dma_wait3A_669 = tpu.memref_slice %arg13[%dma_wait3A_668] : memref<8192xf32, #tpu.memory_space<vmem>> -> memref<512xf32, #tpu.memory_space<vmem>>
    %dma_wait3A_670 = arith.constant 0 : i32
    %dma_wait3A_671 = tpu.memref_slice %arg2[%dma_wait3A_670] : memref<131072xf32, #tpu.memory_space<hbm>> -> memref<512xf32, #tpu.memory_space<hbm>>
    %dma_wait3A_672 = arith.constant 0 : i32
    %dma_wait3A_673 = tpu.memref_slice %arg13[%dma_wait3A_672] : memref<8192xf32, #tpu.memory_space<vmem>> -> memref<512xf32, #tpu.memory_space<vmem>>
    %dma_wait3A_674 = arith.constant 0 : i32
    %dma_wait3A_675 = tpu.memref_slice %arg2[%dma_wait3A_674] : memref<131072xf32, #tpu.memory_space<hbm>> -> memref<512xf32, #tpu.memory_space<hbm>>
    tpu.wait_dma2 semaphore(%arg22 : memref<!tpu.dma_semaphore, #tpu.memory_space<semaphore_mem>>) src(%dma_wait3A_675 : memref<512xf32, #tpu.memory_space<hbm>>) dst(%dma_wait3A_673 : memref<512xf32, #tpu.memory_space<vmem>>)
    %dma_wait3A_676 = arith.constant 0 : i32
    %dma_wait3A_677 = tpu.memref_slice %arg13[%dma_wait3A_676] : memref<8192xf32, #tpu.memory_space<vmem>> -> memref<512xf32, #tpu.memory_space<vmem>>
    %dma_wait3A_678 = arith.constant 0 : i32
    %dma_wait3A_679 = tpu.memref_slice %arg2[%dma_wait3A_678] : memref<131072xf32, #tpu.memory_space<hbm>> -> memref<512xf32, #tpu.memory_space<hbm>>
    %dma_wait3A_680 = arith.constant 0 : i32
    %dma_wait3A_681 = tpu.memref_slice %arg13[%dma_wait3A_680] : memref<8192xf32, #tpu.memory_space<vmem>> -> memref<512xf32, #tpu.memory_space<vmem>>
    %dma_wait3A_682 = arith.constant 0 : i32
    %dma_wait3A_683 = tpu.memref_slice %arg2[%dma_wait3A_682] : memref<131072xf32, #tpu.memory_space<hbm>> -> memref<512xf32, #tpu.memory_space<hbm>>
    tpu.wait_dma2 semaphore(%arg22 : memref<!tpu.dma_semaphore, #tpu.memory_space<semaphore_mem>>) src(%dma_wait3A_683 : memref<512xf32, #tpu.memory_space<hbm>>) dst(%dma_wait3A_681 : memref<512xf32, #tpu.memory_space<vmem>>)
    %dma_wait3A_684 = arith.constant 0 : i32
    %dma_wait3A_685 = tpu.memref_slice %arg13[%dma_wait3A_684] : memref<8192xf32, #tpu.memory_space<vmem>> -> memref<512xf32, #tpu.memory_space<vmem>>
    %dma_wait3A_686 = arith.constant 0 : i32
    %dma_wait3A_687 = tpu.memref_slice %arg2[%dma_wait3A_686] : memref<131072xf32, #tpu.memory_space<hbm>> -> memref<512xf32, #tpu.memory_space<hbm>>
    %dma_wait3A_688 = arith.constant 0 : i32
    %dma_wait3A_689 = tpu.memref_slice %arg13[%dma_wait3A_688] : memref<8192xf32, #tpu.memory_space<vmem>> -> memref<512xf32, #tpu.memory_space<vmem>>
    %dma_wait3A_690 = arith.constant 0 : i32
    %dma_wait3A_691 = tpu.memref_slice %arg2[%dma_wait3A_690] : memref<131072xf32, #tpu.memory_space<hbm>> -> memref<512xf32, #tpu.memory_space<hbm>>
    tpu.wait_dma2 semaphore(%arg22 : memref<!tpu.dma_semaphore, #tpu.memory_space<semaphore_mem>>) src(%dma_wait3A_691 : memref<512xf32, #tpu.memory_space<hbm>>) dst(%dma_wait3A_689 : memref<512xf32, #tpu.memory_space<vmem>>)
    %dma_wait3A_692 = arith.constant 0 : i32
    %dma_wait3A_693 = tpu.memref_slice %arg13[%dma_wait3A_692] : memref<8192xf32, #tpu.memory_space<vmem>> -> memref<512xf32, #tpu.memory_space<vmem>>
    %dma_wait3A_694 = arith.constant 0 : i32
    %dma_wait3A_695 = tpu.memref_slice %arg2[%dma_wait3A_694] : memref<131072xf32, #tpu.memory_space<hbm>> -> memref<512xf32, #tpu.memory_space<hbm>>
    %dma_wait3A_696 = arith.constant 0 : i32
    %dma_wait3A_697 = tpu.memref_slice %arg13[%dma_wait3A_696] : memref<8192xf32, #tpu.memory_space<vmem>> -> memref<512xf32, #tpu.memory_space<vmem>>
    %dma_wait3A_698 = arith.constant 0 : i32
    %dma_wait3A_699 = tpu.memref_slice %arg2[%dma_wait3A_698] : memref<131072xf32, #tpu.memory_space<hbm>> -> memref<512xf32, #tpu.memory_space<hbm>>
    tpu.wait_dma2 semaphore(%arg22 : memref<!tpu.dma_semaphore, #tpu.memory_space<semaphore_mem>>) src(%dma_wait3A_699 : memref<512xf32, #tpu.memory_space<hbm>>) dst(%dma_wait3A_697 : memref<512xf32, #tpu.memory_space<vmem>>)
    %dma_wait3A_700 = arith.constant 0 : i32
    %dma_wait3A_701 = tpu.memref_slice %arg13[%dma_wait3A_700] : memref<8192xf32, #tpu.memory_space<vmem>> -> memref<512xf32, #tpu.memory_space<vmem>>
    %dma_wait3A_702 = arith.constant 0 : i32
    %dma_wait3A_703 = tpu.memref_slice %arg2[%dma_wait3A_702] : memref<131072xf32, #tpu.memory_space<hbm>> -> memref<512xf32, #tpu.memory_space<hbm>>
    %dma_wait3A_704 = arith.constant 0 : i32
    %dma_wait3A_705 = tpu.memref_slice %arg13[%dma_wait3A_704] : memref<8192xf32, #tpu.memory_space<vmem>> -> memref<512xf32, #tpu.memory_space<vmem>>
    %dma_wait3A_706 = arith.constant 0 : i32
    %dma_wait3A_707 = tpu.memref_slice %arg2[%dma_wait3A_706] : memref<131072xf32, #tpu.memory_space<hbm>> -> memref<512xf32, #tpu.memory_space<hbm>>
    tpu.wait_dma2 semaphore(%arg22 : memref<!tpu.dma_semaphore, #tpu.memory_space<semaphore_mem>>) src(%dma_wait3A_707 : memref<512xf32, #tpu.memory_space<hbm>>) dst(%dma_wait3A_705 : memref<512xf32, #tpu.memory_space<vmem>>)
    %dma_wait3A_708 = arith.constant 0 : i32
    %dma_wait3A_709 = tpu.memref_slice %arg13[%dma_wait3A_708] : memref<8192xf32, #tpu.memory_space<vmem>> -> memref<512xf32, #tpu.memory_space<vmem>>
    %dma_wait3A_710 = arith.constant 0 : i32
    %dma_wait3A_711 = tpu.memref_slice %arg2[%dma_wait3A_710] : memref<131072xf32, #tpu.memory_space<hbm>> -> memref<512xf32, #tpu.memory_space<hbm>>
    %dma_wait3A_712 = arith.constant 0 : i32
    %dma_wait3A_713 = tpu.memref_slice %arg13[%dma_wait3A_712] : memref<8192xf32, #tpu.memory_space<vmem>> -> memref<512xf32, #tpu.memory_space<vmem>>
    %dma_wait3A_714 = arith.constant 0 : i32
    %dma_wait3A_715 = tpu.memref_slice %arg2[%dma_wait3A_714] : memref<131072xf32, #tpu.memory_space<hbm>> -> memref<512xf32, #tpu.memory_space<hbm>>
    tpu.wait_dma2 semaphore(%arg22 : memref<!tpu.dma_semaphore, #tpu.memory_space<semaphore_mem>>) src(%dma_wait3A_715 : memref<512xf32, #tpu.memory_space<hbm>>) dst(%dma_wait3A_713 : memref<512xf32, #tpu.memory_space<vmem>>)
    %dma_wait3A_716 = arith.constant 0 : i32
    %dma_wait3A_717 = tpu.memref_slice %arg13[%dma_wait3A_716] : memref<8192xf32, #tpu.memory_space<vmem>> -> memref<512xf32, #tpu.memory_space<vmem>>
    %dma_wait3A_718 = arith.constant 0 : i32
    %dma_wait3A_719 = tpu.memref_slice %arg2[%dma_wait3A_718] : memref<131072xf32, #tpu.memory_space<hbm>> -> memref<512xf32, #tpu.memory_space<hbm>>
    %dma_wait3A_720 = arith.constant 0 : i32
    %dma_wait3A_721 = tpu.memref_slice %arg13[%dma_wait3A_720] : memref<8192xf32, #tpu.memory_space<vmem>> -> memref<512xf32, #tpu.memory_space<vmem>>
    %dma_wait3A_722 = arith.constant 0 : i32
    %dma_wait3A_723 = tpu.memref_slice %arg2[%dma_wait3A_722] : memref<131072xf32, #tpu.memory_space<hbm>> -> memref<512xf32, #tpu.memory_space<hbm>>
    tpu.wait_dma2 semaphore(%arg22 : memref<!tpu.dma_semaphore, #tpu.memory_space<semaphore_mem>>) src(%dma_wait3A_723 : memref<512xf32, #tpu.memory_space<hbm>>) dst(%dma_wait3A_721 : memref<512xf32, #tpu.memory_space<vmem>>)
    %dma_wait3A_724 = arith.constant 0 : i32
    %dma_wait3A_725 = tpu.memref_slice %arg13[%dma_wait3A_724] : memref<8192xf32, #tpu.memory_space<vmem>> -> memref<512xf32, #tpu.memory_space<vmem>>
    %dma_wait3A_726 = arith.constant 0 : i32
    %dma_wait3A_727 = tpu.memref_slice %arg2[%dma_wait3A_726] : memref<131072xf32, #tpu.memory_space<hbm>> -> memref<512xf32, #tpu.memory_space<hbm>>
    %dma_wait3A_728 = arith.constant 0 : i32
    %dma_wait3A_729 = tpu.memref_slice %arg13[%dma_wait3A_728] : memref<8192xf32, #tpu.memory_space<vmem>> -> memref<512xf32, #tpu.memory_space<vmem>>
    %dma_wait3A_730 = arith.constant 0 : i32
    %dma_wait3A_731 = tpu.memref_slice %arg2[%dma_wait3A_730] : memref<131072xf32, #tpu.memory_space<hbm>> -> memref<512xf32, #tpu.memory_space<hbm>>
    tpu.wait_dma2 semaphore(%arg22 : memref<!tpu.dma_semaphore, #tpu.memory_space<semaphore_mem>>) src(%dma_wait3A_731 : memref<512xf32, #tpu.memory_space<hbm>>) dst(%dma_wait3A_729 : memref<512xf32, #tpu.memory_space<vmem>>)
    %dma_wait3A_732 = arith.constant 0 : i32
    %dma_wait3A_733 = tpu.memref_slice %arg13[%dma_wait3A_732] : memref<8192xf32, #tpu.memory_space<vmem>> -> memref<512xf32, #tpu.memory_space<vmem>>
    %dma_wait3A_734 = arith.constant 0 : i32
    %dma_wait3A_735 = tpu.memref_slice %arg2[%dma_wait3A_734] : memref<131072xf32, #tpu.memory_space<hbm>> -> memref<512xf32, #tpu.memory_space<hbm>>
    %dma_wait3A_736 = arith.constant 0 : i32
    %dma_wait3A_737 = tpu.memref_slice %arg13[%dma_wait3A_736] : memref<8192xf32, #tpu.memory_space<vmem>> -> memref<512xf32, #tpu.memory_space<vmem>>
    %dma_wait3A_738 = arith.constant 0 : i32
    %dma_wait3A_739 = tpu.memref_slice %arg2[%dma_wait3A_738] : memref<131072xf32, #tpu.memory_space<hbm>> -> memref<512xf32, #tpu.memory_space<hbm>>
    tpu.wait_dma2 semaphore(%arg22 : memref<!tpu.dma_semaphore, #tpu.memory_space<semaphore_mem>>) src(%dma_wait3A_739 : memref<512xf32, #tpu.memory_space<hbm>>) dst(%dma_wait3A_737 : memref<512xf32, #tpu.memory_space<vmem>>)
    %dma_wait3A_740 = arith.constant 0 : i32
    %dma_wait3A_741 = tpu.memref_slice %arg13[%dma_wait3A_740] : memref<8192xf32, #tpu.memory_space<vmem>> -> memref<512xf32, #tpu.memory_space<vmem>>
    %dma_wait3A_742 = arith.constant 0 : i32
    %dma_wait3A_743 = tpu.memref_slice %arg2[%dma_wait3A_742] : memref<131072xf32, #tpu.memory_space<hbm>> -> memref<512xf32, #tpu.memory_space<hbm>>
    %dma_wait3A_744 = arith.constant 0 : i32
    %dma_wait3A_745 = tpu.memref_slice %arg13[%dma_wait3A_744] : memref<8192xf32, #tpu.memory_space<vmem>> -> memref<512xf32, #tpu.memory_space<vmem>>
    %dma_wait3A_746 = arith.constant 0 : i32
    %dma_wait3A_747 = tpu.memref_slice %arg2[%dma_wait3A_746] : memref<131072xf32, #tpu.memory_space<hbm>> -> memref<512xf32, #tpu.memory_space<hbm>>
    tpu.wait_dma2 semaphore(%arg22 : memref<!tpu.dma_semaphore, #tpu.memory_space<semaphore_mem>>) src(%dma_wait3A_747 : memref<512xf32, #tpu.memory_space<hbm>>) dst(%dma_wait3A_745 : memref<512xf32, #tpu.memory_space<vmem>>)
    %dma_wait3A_748 = arith.constant 0 : i32
    %dma_wait3A_749 = tpu.memref_slice %arg13[%dma_wait3A_748] : memref<8192xf32, #tpu.memory_space<vmem>> -> memref<512xf32, #tpu.memory_space<vmem>>
    %dma_wait3A_750 = arith.constant 0 : i32
    %dma_wait3A_751 = tpu.memref_slice %arg2[%dma_wait3A_750] : memref<131072xf32, #tpu.memory_space<hbm>> -> memref<512xf32, #tpu.memory_space<hbm>>
    %dma_wait3A_752 = arith.constant 0 : i32
    %dma_wait3A_753 = tpu.memref_slice %arg13[%dma_wait3A_752] : memref<8192xf32, #tpu.memory_space<vmem>> -> memref<512xf32, #tpu.memory_space<vmem>>
    %dma_wait3A_754 = arith.constant 0 : i32
    %dma_wait3A_755 = tpu.memref_slice %arg2[%dma_wait3A_754] : memref<131072xf32, #tpu.memory_space<hbm>> -> memref<512xf32, #tpu.memory_space<hbm>>
    tpu.wait_dma2 semaphore(%arg22 : memref<!tpu.dma_semaphore, #tpu.memory_space<semaphore_mem>>) src(%dma_wait3A_755 : memref<512xf32, #tpu.memory_space<hbm>>) dst(%dma_wait3A_753 : memref<512xf32, #tpu.memory_space<vmem>>)
    %dma_wait3A_756 = arith.constant 0 : i32
    %dma_wait3A_757 = tpu.memref_slice %arg13[%dma_wait3A_756] : memref<8192xf32, #tpu.memory_space<vmem>> -> memref<512xf32, #tpu.memory_space<vmem>>
    %dma_wait3A_758 = arith.constant 0 : i32
    %dma_wait3A_759 = tpu.memref_slice %arg2[%dma_wait3A_758] : memref<131072xf32, #tpu.memory_space<hbm>> -> memref<512xf32, #tpu.memory_space<hbm>>
    %dma_wait3A_760 = arith.constant 0 : i32
    %dma_wait3A_761 = tpu.memref_slice %arg13[%dma_wait3A_760] : memref<8192xf32, #tpu.memory_space<vmem>> -> memref<512xf32, #tpu.memory_space<vmem>>
    %dma_wait3A_762 = arith.constant 0 : i32
    %dma_wait3A_763 = tpu.memref_slice %arg2[%dma_wait3A_762] : memref<131072xf32, #tpu.memory_space<hbm>> -> memref<512xf32, #tpu.memory_space<hbm>>
    tpu.wait_dma2 semaphore(%arg22 : memref<!tpu.dma_semaphore, #tpu.memory_space<semaphore_mem>>) src(%dma_wait3A_763 : memref<512xf32, #tpu.memory_space<hbm>>) dst(%dma_wait3A_761 : memref<512xf32, #tpu.memory_space<vmem>>)
    %dma_wait3A_764 = arith.constant 0 : i32
    %dma_wait3A_765 = tpu.memref_slice %arg13[%dma_wait3A_764] : memref<8192xf32, #tpu.memory_space<vmem>> -> memref<512xf32, #tpu.memory_space<vmem>>
    %dma_wait3A_766 = arith.constant 0 : i32
    %dma_wait3A_767 = tpu.memref_slice %arg2[%dma_wait3A_766] : memref<131072xf32, #tpu.memory_space<hbm>> -> memref<512xf32, #tpu.memory_space<hbm>>
    %dma_wait3A_768 = arith.constant 0 : i32
    %dma_wait3A_769 = tpu.memref_slice %arg13[%dma_wait3A_768] : memref<8192xf32, #tpu.memory_space<vmem>> -> memref<512xf32, #tpu.memory_space<vmem>>
    %dma_wait3A_770 = arith.constant 0 : i32
    %dma_wait3A_771 = tpu.memref_slice %arg2[%dma_wait3A_770] : memref<131072xf32, #tpu.memory_space<hbm>> -> memref<512xf32, #tpu.memory_space<hbm>>
    tpu.wait_dma2 semaphore(%arg22 : memref<!tpu.dma_semaphore, #tpu.memory_space<semaphore_mem>>) src(%dma_wait3A_771 : memref<512xf32, #tpu.memory_space<hbm>>) dst(%dma_wait3A_769 : memref<512xf32, #tpu.memory_space<vmem>>)
    %dma_wait3A_772 = arith.constant 0 : i32
    %dma_wait3A_773 = tpu.memref_slice %arg13[%dma_wait3A_772] : memref<8192xf32, #tpu.memory_space<vmem>> -> memref<512xf32, #tpu.memory_space<vmem>>
    %dma_wait3A_774 = arith.constant 0 : i32
    %dma_wait3A_775 = tpu.memref_slice %arg2[%dma_wait3A_774] : memref<131072xf32, #tpu.memory_space<hbm>> -> memref<512xf32, #tpu.memory_space<hbm>>
    %dma_wait3A_776 = arith.constant 0 : i32
    %dma_wait3A_777 = tpu.memref_slice %arg13[%dma_wait3A_776] : memref<8192xf32, #tpu.memory_space<vmem>> -> memref<512xf32, #tpu.memory_space<vmem>>
    %dma_wait3A_778 = arith.constant 0 : i32
    %dma_wait3A_779 = tpu.memref_slice %arg2[%dma_wait3A_778] : memref<131072xf32, #tpu.memory_space<hbm>> -> memref<512xf32, #tpu.memory_space<hbm>>
    tpu.wait_dma2 semaphore(%arg22 : memref<!tpu.dma_semaphore, #tpu.memory_space<semaphore_mem>>) src(%dma_wait3A_779 : memref<512xf32, #tpu.memory_space<hbm>>) dst(%dma_wait3A_777 : memref<512xf32, #tpu.memory_space<vmem>>)
    %dma_wait3A_780 = arith.constant 0 : i32
    %dma_wait3A_781 = tpu.memref_slice %arg13[%dma_wait3A_780] : memref<8192xf32, #tpu.memory_space<vmem>> -> memref<512xf32, #tpu.memory_space<vmem>>
    %dma_wait3A_782 = arith.constant 0 : i32
    %dma_wait3A_783 = tpu.memref_slice %arg2[%dma_wait3A_782] : memref<131072xf32, #tpu.memory_space<hbm>> -> memref<512xf32, #tpu.memory_space<hbm>>
    %dma_wait3A_784 = arith.constant 0 : i32
    %dma_wait3A_785 = tpu.memref_slice %arg13[%dma_wait3A_784] : memref<8192xf32, #tpu.memory_space<vmem>> -> memref<512xf32, #tpu.memory_space<vmem>>
    %dma_wait3A_786 = arith.constant 0 : i32
    %dma_wait3A_787 = tpu.memref_slice %arg2[%dma_wait3A_786] : memref<131072xf32, #tpu.memory_space<hbm>> -> memref<512xf32, #tpu.memory_space<hbm>>
    tpu.wait_dma2 semaphore(%arg22 : memref<!tpu.dma_semaphore, #tpu.memory_space<semaphore_mem>>) src(%dma_wait3A_787 : memref<512xf32, #tpu.memory_space<hbm>>) dst(%dma_wait3A_785 : memref<512xf32, #tpu.memory_space<vmem>>)
    %dma_wait3A_788 = arith.constant 0 : i32
    %dma_wait3A_789 = tpu.memref_slice %arg13[%dma_wait3A_788] : memref<8192xf32, #tpu.memory_space<vmem>> -> memref<512xf32, #tpu.memory_space<vmem>>
    %dma_wait3A_790 = arith.constant 0 : i32
    %dma_wait3A_791 = tpu.memref_slice %arg2[%dma_wait3A_790] : memref<131072xf32, #tpu.memory_space<hbm>> -> memref<512xf32, #tpu.memory_space<hbm>>
    %dma_wait3A_792 = arith.constant 0 : i32
    %dma_wait3A_793 = tpu.memref_slice %arg13[%dma_wait3A_792] : memref<8192xf32, #tpu.memory_space<vmem>> -> memref<512xf32, #tpu.memory_space<vmem>>
    %dma_wait3A_794 = arith.constant 0 : i32
    %dma_wait3A_795 = tpu.memref_slice %arg2[%dma_wait3A_794] : memref<131072xf32, #tpu.memory_space<hbm>> -> memref<512xf32, #tpu.memory_space<hbm>>
    tpu.wait_dma2 semaphore(%arg22 : memref<!tpu.dma_semaphore, #tpu.memory_space<semaphore_mem>>) src(%dma_wait3A_795 : memref<512xf32, #tpu.memory_space<hbm>>) dst(%dma_wait3A_793 : memref<512xf32, #tpu.memory_space<vmem>>)
    %dma_wait3A_796 = arith.constant 0 : i32
    %dma_wait3A_797 = tpu.memref_slice %arg13[%dma_wait3A_796] : memref<8192xf32, #tpu.memory_space<vmem>> -> memref<512xf32, #tpu.memory_space<vmem>>
    %dma_wait3A_798 = arith.constant 0 : i32
    %dma_wait3A_799 = tpu.memref_slice %arg2[%dma_wait3A_798] : memref<131072xf32, #tpu.memory_space<hbm>> -> memref<512xf32, #tpu.memory_space<hbm>>
    %dma_wait3A_800 = arith.constant 0 : i32
    %dma_wait3A_801 = tpu.memref_slice %arg13[%dma_wait3A_800] : memref<8192xf32, #tpu.memory_space<vmem>> -> memref<512xf32, #tpu.memory_space<vmem>>
    %dma_wait3A_802 = arith.constant 0 : i32
    %dma_wait3A_803 = tpu.memref_slice %arg2[%dma_wait3A_802] : memref<131072xf32, #tpu.memory_space<hbm>> -> memref<512xf32, #tpu.memory_space<hbm>>
    tpu.wait_dma2 semaphore(%arg22 : memref<!tpu.dma_semaphore, #tpu.memory_space<semaphore_mem>>) src(%dma_wait3A_803 : memref<512xf32, #tpu.memory_space<hbm>>) dst(%dma_wait3A_801 : memref<512xf32, #tpu.memory_space<vmem>>)
    %dma_wait3A_804 = arith.constant 0 : i32
    %dma_wait3A_805 = tpu.memref_slice %arg13[%dma_wait3A_804] : memref<8192xf32, #tpu.memory_space<vmem>> -> memref<512xf32, #tpu.memory_space<vmem>>
    %dma_wait3A_806 = arith.constant 0 : i32
    %dma_wait3A_807 = tpu.memref_slice %arg2[%dma_wait3A_806] : memref<131072xf32, #tpu.memory_space<hbm>> -> memref<512xf32, #tpu.memory_space<hbm>>
    %dma_wait3A_808 = arith.constant 0 : i32
    %dma_wait3A_809 = tpu.memref_slice %arg13[%dma_wait3A_808] : memref<8192xf32, #tpu.memory_space<vmem>> -> memref<512xf32, #tpu.memory_space<vmem>>
    %dma_wait3A_810 = arith.constant 0 : i32
    %dma_wait3A_811 = tpu.memref_slice %arg2[%dma_wait3A_810] : memref<131072xf32, #tpu.memory_space<hbm>> -> memref<512xf32, #tpu.memory_space<hbm>>
    tpu.wait_dma2 semaphore(%arg22 : memref<!tpu.dma_semaphore, #tpu.memory_space<semaphore_mem>>) src(%dma_wait3A_811 : memref<512xf32, #tpu.memory_space<hbm>>) dst(%dma_wait3A_809 : memref<512xf32, #tpu.memory_space<vmem>>)
    %dma_wait3A_812 = arith.constant 0 : i32
    %dma_wait3A_813 = tpu.memref_slice %arg13[%dma_wait3A_812] : memref<8192xf32, #tpu.memory_space<vmem>> -> memref<512xf32, #tpu.memory_space<vmem>>
    %dma_wait3A_814 = arith.constant 0 : i32
    %dma_wait3A_815 = tpu.memref_slice %arg2[%dma_wait3A_814] : memref<131072xf32, #tpu.memory_space<hbm>> -> memref<512xf32, #tpu.memory_space<hbm>>
    %dma_wait3A_816 = arith.constant 0 : i32
    %dma_wait3A_817 = tpu.memref_slice %arg13[%dma_wait3A_816] : memref<8192xf32, #tpu.memory_space<vmem>> -> memref<512xf32, #tpu.memory_space<vmem>>
    %dma_wait3A_818 = arith.constant 0 : i32
    %dma_wait3A_819 = tpu.memref_slice %arg2[%dma_wait3A_818] : memref<131072xf32, #tpu.memory_space<hbm>> -> memref<512xf32, #tpu.memory_space<hbm>>
    tpu.wait_dma2 semaphore(%arg22 : memref<!tpu.dma_semaphore, #tpu.memory_space<semaphore_mem>>) src(%dma_wait3A_819 : memref<512xf32, #tpu.memory_space<hbm>>) dst(%dma_wait3A_817 : memref<512xf32, #tpu.memory_space<vmem>>)
    %dma_wait3A_820 = arith.constant 0 : i32
    %dma_wait3A_821 = tpu.memref_slice %arg13[%dma_wait3A_820] : memref<8192xf32, #tpu.memory_space<vmem>> -> memref<512xf32, #tpu.memory_space<vmem>>
    %dma_wait3A_822 = arith.constant 0 : i32
    %dma_wait3A_823 = tpu.memref_slice %arg2[%dma_wait3A_822] : memref<131072xf32, #tpu.memory_space<hbm>> -> memref<512xf32, #tpu.memory_space<hbm>>
    %dma_wait3A_824 = arith.constant 0 : i32
    %dma_wait3A_825 = tpu.memref_slice %arg13[%dma_wait3A_824] : memref<8192xf32, #tpu.memory_space<vmem>> -> memref<512xf32, #tpu.memory_space<vmem>>
    %dma_wait3A_826 = arith.constant 0 : i32
    %dma_wait3A_827 = tpu.memref_slice %arg2[%dma_wait3A_826] : memref<131072xf32, #tpu.memory_space<hbm>> -> memref<512xf32, #tpu.memory_space<hbm>>
    tpu.wait_dma2 semaphore(%arg22 : memref<!tpu.dma_semaphore, #tpu.memory_space<semaphore_mem>>) src(%dma_wait3A_827 : memref<512xf32, #tpu.memory_space<hbm>>) dst(%dma_wait3A_825 : memref<512xf32, #tpu.memory_space<vmem>>)
    %dma_wait3A_828 = arith.constant 0 : i32
    %dma_wait3A_829 = tpu.memref_slice %arg13[%dma_wait3A_828] : memref<8192xf32, #tpu.memory_space<vmem>> -> memref<512xf32, #tpu.memory_space<vmem>>
    %dma_wait3A_830 = arith.constant 0 : i32
    %dma_wait3A_831 = tpu.memref_slice %arg2[%dma_wait3A_830] : memref<131072xf32, #tpu.memory_space<hbm>> -> memref<512xf32, #tpu.memory_space<hbm>>
    %dma_wait3A_832 = arith.constant 0 : i32
    %dma_wait3A_833 = tpu.memref_slice %arg13[%dma_wait3A_832] : memref<8192xf32, #tpu.memory_space<vmem>> -> memref<512xf32, #tpu.memory_space<vmem>>
    %dma_wait3A_834 = arith.constant 0 : i32
    %dma_wait3A_835 = tpu.memref_slice %arg2[%dma_wait3A_834] : memref<131072xf32, #tpu.memory_space<hbm>> -> memref<512xf32, #tpu.memory_space<hbm>>
    tpu.wait_dma2 semaphore(%arg22 : memref<!tpu.dma_semaphore, #tpu.memory_space<semaphore_mem>>) src(%dma_wait3A_835 : memref<512xf32, #tpu.memory_space<hbm>>) dst(%dma_wait3A_833 : memref<512xf32, #tpu.memory_space<vmem>>)
    %mul3A_836 = arith.constant 2048 : i32
    %mul3A_837 = arith.muli %arg0, %mul3A_836 : i32
    %mul3A_838 = arith.constant 65536 : i32
    %mul3A_839 = arith.muli %arg1, %mul3A_838 : i32
    %add3A_840 = arith.constant 0 : i32
    %add3A_841 = arith.addi %mul3A_839, %add3A_840 : i32
    %dma_wait3A_842 = tpu.memref_slice %arg21[%add3A_841] : memref<1048608xf32, #tpu.memory_space<vmem_shared>> -> memref<4096xf32, #tpu.memory_space<vmem_shared>>
    %dma_wait3A_843 = tpu.memref_slice %arg21[%add3A_841] : memref<1048608xf32, #tpu.memory_space<vmem_shared>> -> memref<4096xf32, #tpu.memory_space<vmem_shared>>
    tpu.wait_dma2 semaphore(%arg25 : memref<!tpu.dma_semaphore, #tpu.memory_space<semaphore_mem>>) src(%arg18 : memref<4096xf32, #tpu.memory_space<vmem>>) dst(%dma_wait3A_843 : memref<4096xf32, #tpu.memory_space<vmem_shared>>)
    %mul3A_844 = arith.constant 65536 : i32
    %mul3A_845 = arith.muli %arg1, %mul3A_844 : i32
    %add3A_846 = arith.constant 4096 : i32
    %add3A_847 = arith.addi %mul3A_845, %add3A_846 : i32
    %dma_wait3A_848 = tpu.memref_slice %arg21[%add3A_847] : memref<1048608xf32, #tpu.memory_space<vmem_shared>> -> memref<4096xf32, #tpu.memory_space<vmem_shared>>
    %dma_wait3A_849 = tpu.memref_slice %arg21[%add3A_847] : memref<1048608xf32, #tpu.memory_space<vmem_shared>> -> memref<4096xf32, #tpu.memory_space<vmem_shared>>
    tpu.wait_dma2 semaphore(%arg25 : memref<!tpu.dma_semaphore, #tpu.memory_space<semaphore_mem>>) src(%arg18 : memref<4096xf32, #tpu.memory_space<vmem>>) dst(%dma_wait3A_849 : memref<4096xf32, #tpu.memory_space<vmem_shared>>)
    %mul3A_850 = arith.constant 65536 : i32
    %mul3A_851 = arith.muli %arg1, %mul3A_850 : i32
    %add3A_852 = arith.constant 8192 : i32
    %add3A_853 = arith.addi %mul3A_851, %add3A_852 : i32
    %dma_wait3A_854 = tpu.memref_slice %arg21[%add3A_853] : memref<1048608xf32, #tpu.memory_space<vmem_shared>> -> memref<4096xf32, #tpu.memory_space<vmem_shared>>
    %dma_wait3A_855 = tpu.memref_slice %arg21[%add3A_853] : memref<1048608xf32, #tpu.memory_space<vmem_shared>> -> memref<4096xf32, #tpu.memory_space<vmem_shared>>
    tpu.wait_dma2 semaphore(%arg25 : memref<!tpu.dma_semaphore, #tpu.memory_space<semaphore_mem>>) src(%arg18 : memref<4096xf32, #tpu.memory_space<vmem>>) dst(%dma_wait3A_855 : memref<4096xf32, #tpu.memory_space<vmem_shared>>)
    %mul3A_856 = arith.constant 65536 : i32
    %mul3A_857 = arith.muli %arg1, %mul3A_856 : i32
    %add3A_858 = arith.constant 12288 : i32
    %add3A_859 = arith.addi %mul3A_857, %add3A_858 : i32
    %dma_wait3A_860 = tpu.memref_slice %arg21[%add3A_859] : memref<1048608xf32, #tpu.memory_space<vmem_shared>> -> memref<4096xf32, #tpu.memory_space<vmem_shared>>
    %dma_wait3A_861 = tpu.memref_slice %arg21[%add3A_859] : memref<1048608xf32, #tpu.memory_space<vmem_shared>> -> memref<4096xf32, #tpu.memory_space<vmem_shared>>
    tpu.wait_dma2 semaphore(%arg25 : memref<!tpu.dma_semaphore, #tpu.memory_space<semaphore_mem>>) src(%arg18 : memref<4096xf32, #tpu.memory_space<vmem>>) dst(%dma_wait3A_861 : memref<4096xf32, #tpu.memory_space<vmem_shared>>)
    %mul3A_862 = arith.constant 65536 : i32
    %mul3A_863 = arith.muli %arg1, %mul3A_862 : i32
    %add3A_864 = arith.constant 16384 : i32
    %add3A_865 = arith.addi %mul3A_863, %add3A_864 : i32
    %dma_wait3A_866 = tpu.memref_slice %arg21[%add3A_865] : memref<1048608xf32, #tpu.memory_space<vmem_shared>> -> memref<4096xf32, #tpu.memory_space<vmem_shared>>
    %dma_wait3A_867 = tpu.memref_slice %arg21[%add3A_865] : memref<1048608xf32, #tpu.memory_space<vmem_shared>> -> memref<4096xf32, #tpu.memory_space<vmem_shared>>
    tpu.wait_dma2 semaphore(%arg25 : memref<!tpu.dma_semaphore, #tpu.memory_space<semaphore_mem>>) src(%arg18 : memref<4096xf32, #tpu.memory_space<vmem>>) dst(%dma_wait3A_867 : memref<4096xf32, #tpu.memory_space<vmem_shared>>)
    %mul3A_868 = arith.constant 65536 : i32
    %mul3A_869 = arith.muli %arg1, %mul3A_868 : i32
    %add3A_870 = arith.constant 20480 : i32
    %add3A_871 = arith.addi %mul3A_869, %add3A_870 : i32
    %dma_wait3A_872 = tpu.memref_slice %arg21[%add3A_871] : memref<1048608xf32, #tpu.memory_space<vmem_shared>> -> memref<4096xf32, #tpu.memory_space<vmem_shared>>
    %dma_wait3A_873 = tpu.memref_slice %arg21[%add3A_871] : memref<1048608xf32, #tpu.memory_space<vmem_shared>> -> memref<4096xf32, #tpu.memory_space<vmem_shared>>
    tpu.wait_dma2 semaphore(%arg25 : memref<!tpu.dma_semaphore, #tpu.memory_space<semaphore_mem>>) src(%arg18 : memref<4096xf32, #tpu.memory_space<vmem>>) dst(%dma_wait3A_873 : memref<4096xf32, #tpu.memory_space<vmem_shared>>)
    %mul3A_874 = arith.constant 65536 : i32
    %mul3A_875 = arith.muli %arg1, %mul3A_874 : i32
    %add3A_876 = arith.constant 24576 : i32
    %add3A_877 = arith.addi %mul3A_875, %add3A_876 : i32
    %dma_wait3A_878 = tpu.memref_slice %arg21[%add3A_877] : memref<1048608xf32, #tpu.memory_space<vmem_shared>> -> memref<4096xf32, #tpu.memory_space<vmem_shared>>
    %dma_wait3A_879 = tpu.memref_slice %arg21[%add3A_877] : memref<1048608xf32, #tpu.memory_space<vmem_shared>> -> memref<4096xf32, #tpu.memory_space<vmem_shared>>
    tpu.wait_dma2 semaphore(%arg25 : memref<!tpu.dma_semaphore, #tpu.memory_space<semaphore_mem>>) src(%arg18 : memref<4096xf32, #tpu.memory_space<vmem>>) dst(%dma_wait3A_879 : memref<4096xf32, #tpu.memory_space<vmem_shared>>)
    %mul3A_880 = arith.constant 65536 : i32
    %mul3A_881 = arith.muli %arg1, %mul3A_880 : i32
    %add3A_882 = arith.constant 28672 : i32
    %add3A_883 = arith.addi %mul3A_881, %add3A_882 : i32
    %dma_wait3A_884 = tpu.memref_slice %arg21[%add3A_883] : memref<1048608xf32, #tpu.memory_space<vmem_shared>> -> memref<4096xf32, #tpu.memory_space<vmem_shared>>
    %dma_wait3A_885 = tpu.memref_slice %arg21[%add3A_883] : memref<1048608xf32, #tpu.memory_space<vmem_shared>> -> memref<4096xf32, #tpu.memory_space<vmem_shared>>
    tpu.wait_dma2 semaphore(%arg25 : memref<!tpu.dma_semaphore, #tpu.memory_space<semaphore_mem>>) src(%arg18 : memref<4096xf32, #tpu.memory_space<vmem>>) dst(%dma_wait3A_885 : memref<4096xf32, #tpu.memory_space<vmem_shared>>)
    %mul3A_886 = arith.constant 65536 : i32
    %mul3A_887 = arith.muli %arg1, %mul3A_886 : i32
    %add3A_888 = arith.constant 32768 : i32
    %add3A_889 = arith.addi %mul3A_887, %add3A_888 : i32
    %dma_wait3A_890 = tpu.memref_slice %arg21[%add3A_889] : memref<1048608xf32, #tpu.memory_space<vmem_shared>> -> memref<4096xf32, #tpu.memory_space<vmem_shared>>
    %dma_wait3A_891 = tpu.memref_slice %arg21[%add3A_889] : memref<1048608xf32, #tpu.memory_space<vmem_shared>> -> memref<4096xf32, #tpu.memory_space<vmem_shared>>
    tpu.wait_dma2 semaphore(%arg25 : memref<!tpu.dma_semaphore, #tpu.memory_space<semaphore_mem>>) src(%arg18 : memref<4096xf32, #tpu.memory_space<vmem>>) dst(%dma_wait3A_891 : memref<4096xf32, #tpu.memory_space<vmem_shared>>)
    %mul3A_892 = arith.constant 65536 : i32
    %mul3A_893 = arith.muli %arg1, %mul3A_892 : i32
    %add3A_894 = arith.constant 36864 : i32
    %add3A_895 = arith.addi %mul3A_893, %add3A_894 : i32
    %dma_wait3A_896 = tpu.memref_slice %arg21[%add3A_895] : memref<1048608xf32, #tpu.memory_space<vmem_shared>> -> memref<4096xf32, #tpu.memory_space<vmem_shared>>
    %dma_wait3A_897 = tpu.memref_slice %arg21[%add3A_895] : memref<1048608xf32, #tpu.memory_space<vmem_shared>> -> memref<4096xf32, #tpu.memory_space<vmem_shared>>
    tpu.wait_dma2 semaphore(%arg25 : memref<!tpu.dma_semaphore, #tpu.memory_space<semaphore_mem>>) src(%arg18 : memref<4096xf32, #tpu.memory_space<vmem>>) dst(%dma_wait3A_897 : memref<4096xf32, #tpu.memory_space<vmem_shared>>)
    %mul3A_898 = arith.constant 65536 : i32
    %mul3A_899 = arith.muli %arg1, %mul3A_898 : i32
    %add3A_900 = arith.constant 40960 : i32
    %add3A_901 = arith.addi %mul3A_899, %add3A_900 : i32
    %dma_wait3A_902 = tpu.memref_slice %arg21[%add3A_901] : memref<1048608xf32, #tpu.memory_space<vmem_shared>> -> memref<4096xf32, #tpu.memory_space<vmem_shared>>
    %dma_wait3A_903 = tpu.memref_slice %arg21[%add3A_901] : memref<1048608xf32, #tpu.memory_space<vmem_shared>> -> memref<4096xf32, #tpu.memory_space<vmem_shared>>
    tpu.wait_dma2 semaphore(%arg25 : memref<!tpu.dma_semaphore, #tpu.memory_space<semaphore_mem>>) src(%arg18 : memref<4096xf32, #tpu.memory_space<vmem>>) dst(%dma_wait3A_903 : memref<4096xf32, #tpu.memory_space<vmem_shared>>)
    %mul3A_904 = arith.constant 65536 : i32
    %mul3A_905 = arith.muli %arg1, %mul3A_904 : i32
    %add3A_906 = arith.constant 45056 : i32
    %add3A_907 = arith.addi %mul3A_905, %add3A_906 : i32
    %dma_wait3A_908 = tpu.memref_slice %arg21[%add3A_907] : memref<1048608xf32, #tpu.memory_space<vmem_shared>> -> memref<4096xf32, #tpu.memory_space<vmem_shared>>
    %dma_wait3A_909 = tpu.memref_slice %arg21[%add3A_907] : memref<1048608xf32, #tpu.memory_space<vmem_shared>> -> memref<4096xf32, #tpu.memory_space<vmem_shared>>
    tpu.wait_dma2 semaphore(%arg25 : memref<!tpu.dma_semaphore, #tpu.memory_space<semaphore_mem>>) src(%arg18 : memref<4096xf32, #tpu.memory_space<vmem>>) dst(%dma_wait3A_909 : memref<4096xf32, #tpu.memory_space<vmem_shared>>)
    %mul3A_910 = arith.constant 65536 : i32
    %mul3A_911 = arith.muli %arg1, %mul3A_910 : i32
    %add3A_912 = arith.constant 49152 : i32
    %add3A_913 = arith.addi %mul3A_911, %add3A_912 : i32
    %dma_wait3A_914 = tpu.memref_slice %arg21[%add3A_913] : memref<1048608xf32, #tpu.memory_space<vmem_shared>> -> memref<4096xf32, #tpu.memory_space<vmem_shared>>
    %dma_wait3A_915 = tpu.memref_slice %arg21[%add3A_913] : memref<1048608xf32, #tpu.memory_space<vmem_shared>> -> memref<4096xf32, #tpu.memory_space<vmem_shared>>
    tpu.wait_dma2 semaphore(%arg25 : memref<!tpu.dma_semaphore, #tpu.memory_space<semaphore_mem>>) src(%arg18 : memref<4096xf32, #tpu.memory_space<vmem>>) dst(%dma_wait3A_915 : memref<4096xf32, #tpu.memory_space<vmem_shared>>)
    %mul3A_916 = arith.constant 65536 : i32
    %mul3A_917 = arith.muli %arg1, %mul3A_916 : i32
    %add3A_918 = arith.constant 53248 : i32
    %add3A_919 = arith.addi %mul3A_917, %add3A_918 : i32
    %dma_wait3A_920 = tpu.memref_slice %arg21[%add3A_919] : memref<1048608xf32, #tpu.memory_space<vmem_shared>> -> memref<4096xf32, #tpu.memory_space<vmem_shared>>
    %dma_wait3A_921 = tpu.memref_slice %arg21[%add3A_919] : memref<1048608xf32, #tpu.memory_space<vmem_shared>> -> memref<4096xf32, #tpu.memory_space<vmem_shared>>
    tpu.wait_dma2 semaphore(%arg25 : memref<!tpu.dma_semaphore, #tpu.memory_space<semaphore_mem>>) src(%arg18 : memref<4096xf32, #tpu.memory_space<vmem>>) dst(%dma_wait3A_921 : memref<4096xf32, #tpu.memory_space<vmem_shared>>)
    %mul3A_922 = arith.constant 65536 : i32
    %mul3A_923 = arith.muli %arg1, %mul3A_922 : i32
    %add3A_924 = arith.constant 57344 : i32
    %add3A_925 = arith.addi %mul3A_923, %add3A_924 : i32
    %dma_wait3A_926 = tpu.memref_slice %arg21[%add3A_925] : memref<1048608xf32, #tpu.memory_space<vmem_shared>> -> memref<4096xf32, #tpu.memory_space<vmem_shared>>
    %dma_wait3A_927 = tpu.memref_slice %arg21[%add3A_925] : memref<1048608xf32, #tpu.memory_space<vmem_shared>> -> memref<4096xf32, #tpu.memory_space<vmem_shared>>
    tpu.wait_dma2 semaphore(%arg25 : memref<!tpu.dma_semaphore, #tpu.memory_space<semaphore_mem>>) src(%arg18 : memref<4096xf32, #tpu.memory_space<vmem>>) dst(%dma_wait3A_927 : memref<4096xf32, #tpu.memory_space<vmem_shared>>)
    %mul3A_928 = arith.constant 65536 : i32
    %mul3A_929 = arith.muli %arg1, %mul3A_928 : i32
    %add3A_930 = arith.constant 61440 : i32
    %add3A_931 = arith.addi %mul3A_929, %add3A_930 : i32
    %dma_wait3A_932 = tpu.memref_slice %arg21[%add3A_931] : memref<1048608xf32, #tpu.memory_space<vmem_shared>> -> memref<4096xf32, #tpu.memory_space<vmem_shared>>
    %dma_wait3A_933 = tpu.memref_slice %arg21[%add3A_931] : memref<1048608xf32, #tpu.memory_space<vmem_shared>> -> memref<4096xf32, #tpu.memory_space<vmem_shared>>
    tpu.wait_dma2 semaphore(%arg25 : memref<!tpu.dma_semaphore, #tpu.memory_space<semaphore_mem>>) src(%arg18 : memref<4096xf32, #tpu.memory_space<vmem>>) dst(%dma_wait3A_933 : memref<4096xf32, #tpu.memory_space<vmem_shared>>)
    %barrier3A = arith.constant 0 : index
    tpu.barrier barrier_id(%barrier3A)
    %scan3A_934 = arith.constant 0 : i32
    %scan3A_935 = arith.constant 0 : i32
    %scan3A_936 = arith.constant 64 : i32
    %scan3A_937 = arith.addi %scan3A_935, %scan3A_936 : i32
    %scan3A_938 = arith.constant 1 : i32
    %scan3A_939 = scf.for %scan3A_1226 = %scan3A_935 to %scan3A_937 step %scan3A_938 iter_args(%scan3A_1227 = %scan3A_934) -> (i32)  : i32 {
      %mul3A_1228 = arith.constant 128 : i32
      %mul3A_1229 = arith.muli %scan3A_1226, %mul3A_1228 : i32
      %get3A = arith.index_cast %mul3A_1229 : i32 to index
      %get3A_1230 = tpu.vector_load %arg14[%get3A] {strides = array<i32>} : memref<8192xi32, #tpu.memory_space<vmem>>, vector<16xi32>,
      %get3A_1231 = vector.shape_cast %get3A_1230 : vector<16xi32> to vector<16xi32>
      %slice3A = vector.extract_strided_slice %get3A_1231 {offsets = [0], sizes = [1], strides = [1]} : vector<16xi32> to vector<1xi32>
      %squeeze3A = vector.extract %slice3A[0] : i32 from vector<1xi32>
      %mul3A_1232 = arith.constant 128 : i32
      %mul3A_1233 = arith.muli %scan3A_1226, %mul3A_1232 : i32
      %add3A_1234 = arith.constant 128 : i32
      %add3A_1235 = arith.addi %mul3A_1233, %add3A_1234 : i32
      %sub3A = arith.constant 16 : i32
      %sub3A_1236 = arith.subi %add3A_1235, %sub3A : i32
      %get3A_1237 = arith.index_cast %sub3A_1236 : i32 to index
      %get3A_1238 = tpu.vector_load %arg14[%get3A_1237] {strides = array<i32>} : memref<8192xi32, #tpu.memory_space<vmem>>, vector<16xi32>,
      %get3A_1239 = vector.shape_cast %get3A_1238 : vector<16xi32> to vector<16xi32>
      %slice3A_1240 = vector.extract_strided_slice %get3A_1239 {offsets = [15], sizes = [1], strides = [1]} : vector<16xi32> to vector<1xi32>
      %squeeze3A_1241 = vector.extract %slice3A_1240[0] : i32 from vector<1xi32>
      %ge3A = arith.cmpi sge, %squeeze3A_1241, %mul3A_837 : i32
      %add3A_1242 = arith.constant 2048 : i32
      %add3A_1243 = arith.addi %mul3A_837, %add3A_1242 : i32
      %lt3A = arith.cmpi slt, %squeeze3A, %add3A_1243 : i32
      %and3A = arith.andi %ge3A, %lt3A : i1
      %convert_element_type3A = arith.extui %and3A : i1 to i32
      %cond3A = arith.constant 0 : i32
      %cond3A_1244 = arith.cmpi ne, %convert_element_type3A, %cond3A : i32
      scf.if %cond3A_1244 {
        %scan3A_1247 = arith.constant 0 : i32
        %scan3A_1248 = arith.constant 0 : i32
        %scan3A_1249 = arith.constant 8 : i32
        %scan3A_1250 = arith.addi %scan3A_1248, %scan3A_1249 : i32
        %scan3A_1251 = arith.constant 1 : i32
        scf.for %scan3A_1261 = %scan3A_1248 to %scan3A_1250 step %scan3A_1251  : i32 {
          %mul3A_1262 = arith.constant 128 : i32
          %mul3A_1263 = arith.muli %scan3A_1226, %mul3A_1262 : i32
          %mul3A_1264 = arith.constant 16 : i32
          %mul3A_1265 = arith.muli %scan3A_1261, %mul3A_1264 : i32
          %add3A_1266 = arith.addi %mul3A_1263, %mul3A_1265 : i32
          %get3A_1267 = arith.index_cast %add3A_1266 : i32 to index
          %get3A_1268 = tpu.vector_load %arg13[%get3A_1267] {strides = array<i32>} : memref<8192xf32, #tpu.memory_space<vmem>>, vector<16xf32>,
          %get3A_1269 = vector.shape_cast %get3A_1268 : vector<16xf32> to vector<16xf32>
          %add3A_1270 = arith.constant 2.000000e+00 : f32
          %add3A_1271 = vector.broadcast %add3A_1270 : f32 to vector<16xf32>
          %add3A_1272 = arith.addf %get3A_1269, %add3A_1271 : vector<16xf32>
          %div3A = arith.divf %get3A_1269, %add3A_1272 : vector<16xf32>
          %mul3A_1273 = arith.mulf %div3A, %div3A : vector<16xf32>
          %mul3A_1274 = arith.constant 0.0909090936 : f32
          %mul3A_1275 = vector.broadcast %mul3A_1274 : f32 to vector<16xf32>
          %mul3A_1276 = arith.mulf %mul3A_1273, %mul3A_1275 : vector<16xf32>
          %add3A_1277 = arith.constant 0.111111112 : f32
          %add3A_1278 = vector.broadcast %add3A_1277 : f32 to vector<16xf32>
          %add3A_1279 = arith.addf %add3A_1278, %mul3A_1276 : vector<16xf32>
          %mul3A_1280 = arith.mulf %mul3A_1273, %add3A_1279 : vector<16xf32>
          %add3A_1281 = arith.constant 0.142857149 : f32
          %add3A_1282 = vector.broadcast %add3A_1281 : f32 to vector<16xf32>
          %add3A_1283 = arith.addf %add3A_1282, %mul3A_1280 : vector<16xf32>
          %mul3A_1284 = arith.mulf %mul3A_1273, %add3A_1283 : vector<16xf32>
          %add3A_1285 = arith.constant 2.000000e-01 : f32
          %add3A_1286 = vector.broadcast %add3A_1285 : f32 to vector<16xf32>
          %add3A_1287 = arith.addf %add3A_1286, %mul3A_1284 : vector<16xf32>
          %mul3A_1288 = arith.mulf %mul3A_1273, %add3A_1287 : vector<16xf32>
          %add3A_1289 = arith.constant 0.333333343 : f32
          %add3A_1290 = vector.broadcast %add3A_1289 : f32 to vector<16xf32>
          %add3A_1291 = arith.addf %add3A_1290, %mul3A_1288 : vector<16xf32>
          %mul3A_1292 = arith.mulf %mul3A_1273, %add3A_1291 : vector<16xf32>
          %add3A_1293 = arith.constant 1.000000e+00 : f32
          %add3A_1294 = vector.broadcast %add3A_1293 : f32 to vector<16xf32>
          %add3A_1295 = arith.addf %add3A_1294, %mul3A_1292 : vector<16xf32>
          %mul3A_1296 = arith.constant 2.000000e+00 : f32
          %mul3A_1297 = vector.broadcast %mul3A_1296 : f32 to vector<16xf32>
          %mul3A_1298 = arith.mulf %mul3A_1297, %div3A : vector<16xf32>
          %mul3A_1299 = arith.mulf %mul3A_1298, %add3A_1295 : vector<16xf32>
          %get3A_1300 = arith.index_cast %add3A_1266 : i32 to index
          %get3A_1301 = tpu.vector_load %arg14[%get3A_1300] {strides = array<i32>} : memref<8192xi32, #tpu.memory_space<vmem>>, vector<16xi32>,
          %get3A_1302 = vector.shape_cast %get3A_1301 : vector<16xi32> to vector<16xi32>
          %get3A_1303 = arith.index_cast %add3A_1266 : i32 to index
          %get3A_1304 = tpu.vector_load %arg15[%get3A_1303] {strides = array<i32>} : memref<8192xi32, #tpu.memory_space<vmem>>, vector<16xi32>,
          %get3A_1305 = vector.shape_cast %get3A_1304 : vector<16xi32> to vector<16xi32>
          %sub3A_1306 = arith.constant 0 : i32
          %sub3A_1307 = vector.broadcast %sub3A_1306 : i32 to vector<16xi32>
          %sub3A_1308 = arith.subi %get3A_1305, %sub3A_1307 : vector<16xi32>
          %sub3A_1309 = vector.broadcast %mul3A_837 : i32 to vector<16xi32>
          %sub3A_1310 = arith.subi %get3A_1302, %sub3A_1309 : vector<16xi32>
          %ge3A_1311 = arith.constant 0 : i32
          %ge3A_1312 = vector.broadcast %ge3A_1311 : i32 to vector<16xi32>
          %ge3A_1313 = arith.cmpi sge, %sub3A_1310, %ge3A_1312 : vector<16xi32>
          %lt3A_1314 = arith.constant 2048 : i32
          %lt3A_1315 = vector.broadcast %lt3A_1314 : i32 to vector<16xi32>
          %lt3A_1316 = arith.cmpi slt, %sub3A_1310, %lt3A_1315 : vector<16xi32>
          %and3A_1317 = arith.andi %ge3A_1313, %lt3A_1316 : vector<16xi1>
          %ge3A_1318 = arith.constant 0 : i32
          %ge3A_1319 = vector.broadcast %ge3A_1318 : i32 to vector<16xi32>
          %ge3A_1320 = arith.cmpi sge, %sub3A_1308, %ge3A_1319 : vector<16xi32>
          %and3A_1321 = arith.andi %and3A_1317, %ge3A_1320 : vector<16xi1>
          %lt3A_1322 = arith.constant 512 : i32
          %lt3A_1323 = vector.broadcast %lt3A_1322 : i32 to vector<16xi32>
          %lt3A_1324 = arith.cmpi slt, %sub3A_1308, %lt3A_1323 : vector<16xi32>
          %and3A_1325 = arith.andi %and3A_1321, %lt3A_1324 : vector<16xi1>
          %mul3A_1326 = arith.constant 512 : i32
          %mul3A_1327 = vector.broadcast %mul3A_1326 : i32 to vector<16xi32>
          %mul3A_1328 = arith.muli %sub3A_1310, %mul3A_1327 : vector<16xi32>
          %add3A_1329 = arith.addi %mul3A_1328, %sub3A_1308 : vector<16xi32>
          %jit3A_1330 = arith.constant 1048576 : i32
          %broadcast_in_dim3A = vector.broadcast %jit3A_1330 : i32 to vector<16xi32>
          %select_n3A_1331 = arith.select %and3A_1325, %add3A_1329, %broadcast_in_dim3A : vector<16xi1>, vector<16xi32>
          %swap3A = arith.index_cast %add3A_1266 : i32 to index
          %swap3A_1332 = tpu.vector_load %arg16[%swap3A] {strides = array<i32>} : memref<8192xi32, #tpu.memory_space<vmem>>, vector<16xi32>,
          %swap3A_1333 = vector.shape_cast %swap3A_1332 : vector<16xi32> to vector<16xi32>
          %swap3A_1334 = vector.shape_cast %select_n3A_1331 : vector<16xi32> to vector<16xi32>
          tpu.vector_store %arg16[%swap3A], %swap3A_1334 {strides = array<i32>} : memref<8192xi32, #tpu.memory_space<vmem>>, vector<16xi32>,
          %jit3A_1335 = arith.constant 0.000000e+00 : f32
          %broadcast_in_dim3A_1336 = vector.broadcast %jit3A_1335 : f32 to vector<16xf32>
          %select_n3A_1337 = arith.select %and3A_1325, %mul3A_1299, %broadcast_in_dim3A_1336 : vector<16xi1>, vector<16xf32>
          %swap3A_1338 = arith.index_cast %add3A_1266 : i32 to index
          %swap3A_1339 = tpu.vector_load %arg17[%swap3A_1338] {strides = array<i32>} : memref<8192xf32, #tpu.memory_space<vmem>>, vector<16xf32>,
          %swap3A_1340 = vector.shape_cast %swap3A_1339 : vector<16xf32> to vector<16xf32>
          %swap3A_1341 = vector.shape_cast %select_n3A_1337 : vector<16xf32> to vector<16xf32>
          tpu.vector_store %arg17[%swap3A_1338], %swap3A_1341 {strides = array<i32>} : memref<8192xf32, #tpu.memory_space<vmem>>, vector<16xf32>,
        }
        %scan3A_1252 = arith.constant 8 : i32
        %mul3A_1253 = arith.constant 128 : i32
        %mul3A_1254 = arith.muli %scan3A_1226, %mul3A_1253 : i32
        %mul3A_1255 = arith.constant 128 : i32
        %mul3A_1256 = arith.muli %scan3A_1226, %mul3A_1255 : i32
        %dma_start3A_1257 = tpu.memref_slice %arg17[%mul3A_1254] : memref<8192xf32, #tpu.memory_space<vmem>> -> memref<128xf32, #tpu.memory_space<vmem>>
        %dma_start3A_1258 = tpu.memref_slice %arg16[%mul3A_1256] : memref<8192xi32, #tpu.memory_space<vmem>> -> memref<128xi32, #tpu.memory_space<vmem>>
        %dma_start3A_1259 = arith.constant 0 : i32
        %dma_start3A_1260 = tpu.memref_slice %arg21[%dma_start3A_1259] : memref<1048608xf32, #tpu.memory_space<vmem_shared>> -> memref<1048608xf32, #tpu.memory_space<vmem_shared>>
        tpu.enqueue_indirect_dma source(%dma_start3A_1257 : memref<128xf32, #tpu.memory_space<vmem>>) target(%dma_start3A_1260 : memref<1048608xf32, #tpu.memory_space<vmem_shared>>) offsets(%dma_start3A_1258 : memref<128xi32, #tpu.memory_space<vmem>>) semaphore(%arg24 : memref<!tpu.dma_semaphore, #tpu.memory_space<semaphore_mem>>) {add = true}
      } else {
      }
      %jit3A = arith.constant 1 : i32
      %jit3A_1245 = arith.constant 0 : i32
      %select_n3A = arith.select %and3A, %jit3A, %jit3A_1245 : i32
      %add3A_1246 = arith.addi %scan3A_1227, %select_n3A : i32
      scf.yield %add3A_1246 : i32
    }
    %scan3A_940 = arith.constant 64 : i32
    %mul3A_941 = arith.constant 128 : i32
    %mul3A_942 = arith.muli %add3A, %mul3A_941 : i32
    "tpu.region"() ({
      %run_scoped3A = tpu.sem_alloc : memref<!tpu.dma_semaphore, #tpu.memory_space<semaphore_mem>>
      %dma_start3A_1226 = tpu.memref_slice %arg5[%mul3A_942] : memref<4096xi32, #tpu.memory_space<hbm>> -> memref<128xi32, #tpu.memory_space<hbm>>
      %dma_start3A_1227 = tpu.memref_slice %arg5[%mul3A_942] : memref<4096xi32, #tpu.memory_space<hbm>> -> memref<128xi32, #tpu.memory_space<hbm>>
      tpu.enqueue_dma source(%dma_start3A_1227 : memref<128xi32, #tpu.memory_space<hbm>>) target(%arg19 : memref<128xi32, #tpu.memory_space<vmem>>) target_semaphore(%run_scoped3A : memref<!tpu.dma_semaphore, #tpu.memory_space<semaphore_mem>>)
      %dma_wait3A_1228 = tpu.memref_slice %arg5[%mul3A_942] : memref<4096xi32, #tpu.memory_space<hbm>> -> memref<128xi32, #tpu.memory_space<hbm>>
      %dma_wait3A_1229 = tpu.memref_slice %arg5[%mul3A_942] : memref<4096xi32, #tpu.memory_space<hbm>> -> memref<128xi32, #tpu.memory_space<hbm>>
      tpu.wait_dma2 semaphore(%run_scoped3A : memref<!tpu.dma_semaphore, #tpu.memory_space<semaphore_mem>>) src(%dma_wait3A_1229 : memref<128xi32, #tpu.memory_space<hbm>>) dst(%arg19 : memref<128xi32, #tpu.memory_space<vmem>>)
      tpu.yield
    }) : () -> ()
    %dma_start3A_943 = arith.constant 0 : i32
    %dma_start3A_944 = tpu.memref_slice %arg19[%dma_start3A_943] : memref<128xi32, #tpu.memory_space<vmem>> -> memref<64xi32, #tpu.memory_space<vmem>>
    %dma_start3A_945 = arith.constant 0 : i32
    %dma_start3A_946 = arith.constant 0 : i32
    %dma_start3A_947 = tpu.memref_slice %arg7[%dma_start3A_945, %dma_start3A_946] : memref<2x256xf32, #tpu.memory_space<hbm>> -> memref<2x256xf32, #tpu.memory_space<hbm>>
    tpu.enqueue_indirect_dma source(%dma_start3A_947 : memref<2x256xf32, #tpu.memory_space<hbm>>) target(%arg20 : memref<64x256xf32, #tpu.memory_space<vmem>>) offsets(%dma_start3A_944 : memref<64xi32, #tpu.memory_space<vmem>>) semaphore(%arg23 : memref<!tpu.dma_semaphore, #tpu.memory_space<semaphore_mem>>)
    %dma_wait3A_948 = arith.constant 0 : i32
    %dma_wait3A_949 = tpu.memref_slice %arg19[%dma_wait3A_948] : memref<128xi32, #tpu.memory_space<vmem>> -> memref<64xi32, #tpu.memory_space<vmem>>
    %dma_wait3A_950 = arith.constant 0 : i32
    %dma_wait3A_951 = arith.constant 0 : i32
    %dma_wait3A_952 = tpu.memref_slice %arg7[%dma_wait3A_950, %dma_wait3A_951] : memref<2x256xf32, #tpu.memory_space<hbm>> -> memref<2x256xf32, #tpu.memory_space<hbm>>
    tpu.wait_indirect_dma semaphore(%arg23 : memref<!tpu.dma_semaphore, #tpu.memory_space<semaphore_mem>>) src(%dma_wait3A_952 : memref<2x256xf32, #tpu.memory_space<hbm>>) dst(%arg20 : memref<64x256xf32, #tpu.memory_space<vmem>>)
    %add3A_953 = arith.constant 0 : i32
    %add3A_954 = arith.addi %mul3A_942, %add3A_953 : i32
    "tpu.region"() ({
      %run_scoped3A = tpu.sem_alloc : memref<!tpu.dma_semaphore, #tpu.memory_space<semaphore_mem>>
      %dma_start3A_1226 = arith.constant 0 : i32
      %dma_start3A_1227 = tpu.memref_slice %arg11[%add3A_954, %dma_start3A_1226] : memref<4096x256xf32, #tpu.memory_space<hbm>> -> memref<64x256xf32, #tpu.memory_space<hbm>>
      %dma_start3A_1228 = arith.constant 0 : i32
      %dma_start3A_1229 = tpu.memref_slice %arg11[%add3A_954, %dma_start3A_1228] : memref<4096x256xf32, #tpu.memory_space<hbm>> -> memref<64x256xf32, #tpu.memory_space<hbm>>
      tpu.enqueue_dma source(%arg20 : memref<64x256xf32, #tpu.memory_space<vmem>>) target(%dma_start3A_1229 : memref<64x256xf32, #tpu.memory_space<hbm>>) target_semaphore(%run_scoped3A : memref<!tpu.dma_semaphore, #tpu.memory_space<semaphore_mem>>)
      %dma_wait3A_1230 = arith.constant 0 : i32
      %dma_wait3A_1231 = tpu.memref_slice %arg11[%add3A_954, %dma_wait3A_1230] : memref<4096x256xf32, #tpu.memory_space<hbm>> -> memref<64x256xf32, #tpu.memory_space<hbm>>
      %dma_wait3A_1232 = arith.constant 0 : i32
      %dma_wait3A_1233 = tpu.memref_slice %arg11[%add3A_954, %dma_wait3A_1232] : memref<4096x256xf32, #tpu.memory_space<hbm>> -> memref<64x256xf32, #tpu.memory_space<hbm>>
      tpu.wait_dma2 semaphore(%run_scoped3A : memref<!tpu.dma_semaphore, #tpu.memory_space<semaphore_mem>>) src(%arg20 : memref<64x256xf32, #tpu.memory_space<vmem>>) dst(%dma_wait3A_1233 : memref<64x256xf32, #tpu.memory_space<hbm>>)
      tpu.yield
    }) : () -> ()
    %dma_start3A_955 = arith.constant 64 : i32
    %dma_start3A_956 = tpu.memref_slice %arg19[%dma_start3A_955] : memref<128xi32, #tpu.memory_space<vmem>> -> memref<64xi32, #tpu.memory_space<vmem>>
    %dma_start3A_957 = arith.constant 0 : i32
    %dma_start3A_958 = arith.constant 0 : i32
    %dma_start3A_959 = tpu.memref_slice %arg7[%dma_start3A_957, %dma_start3A_958] : memref<2x256xf32, #tpu.memory_space<hbm>> -> memref<2x256xf32, #tpu.memory_space<hbm>>
    tpu.enqueue_indirect_dma source(%dma_start3A_959 : memref<2x256xf32, #tpu.memory_space<hbm>>) target(%arg20 : memref<64x256xf32, #tpu.memory_space<vmem>>) offsets(%dma_start3A_956 : memref<64xi32, #tpu.memory_space<vmem>>) semaphore(%arg23 : memref<!tpu.dma_semaphore, #tpu.memory_space<semaphore_mem>>)
    %dma_wait3A_960 = arith.constant 64 : i32
    %dma_wait3A_961 = tpu.memref_slice %arg19[%dma_wait3A_960] : memref<128xi32, #tpu.memory_space<vmem>> -> memref<64xi32, #tpu.memory_space<vmem>>
    %dma_wait3A_962 = arith.constant 0 : i32
    %dma_wait3A_963 = arith.constant 0 : i32
    %dma_wait3A_964 = tpu.memref_slice %arg7[%dma_wait3A_962, %dma_wait3A_963] : memref<2x256xf32, #tpu.memory_space<hbm>> -> memref<2x256xf32, #tpu.memory_space<hbm>>
    tpu.wait_indirect_dma semaphore(%arg23 : memref<!tpu.dma_semaphore, #tpu.memory_space<semaphore_mem>>) src(%dma_wait3A_964 : memref<2x256xf32, #tpu.memory_space<hbm>>) dst(%arg20 : memref<64x256xf32, #tpu.memory_space<vmem>>)
    %add3A_965 = arith.constant 64 : i32
    %add3A_966 = arith.addi %mul3A_942, %add3A_965 : i32
    "tpu.region"() ({
      %run_scoped3A = tpu.sem_alloc : memref<!tpu.dma_semaphore, #tpu.memory_space<semaphore_mem>>
      %dma_start3A_1226 = arith.constant 0 : i32
      %dma_start3A_1227 = tpu.memref_slice %arg11[%add3A_966, %dma_start3A_1226] : memref<4096x256xf32, #tpu.memory_space<hbm>> -> memref<64x256xf32, #tpu.memory_space<hbm>>
      %dma_start3A_1228 = arith.constant 0 : i32
      %dma_start3A_1229 = tpu.memref_slice %arg11[%add3A_966, %dma_start3A_1228] : memref<4096x256xf32, #tpu.memory_space<hbm>> -> memref<64x256xf32, #tpu.memory_space<hbm>>
      tpu.enqueue_dma source(%arg20 : memref<64x256xf32, #tpu.memory_space<vmem>>) target(%dma_start3A_1229 : memref<64x256xf32, #tpu.memory_space<hbm>>) target_semaphore(%run_scoped3A : memref<!tpu.dma_semaphore, #tpu.memory_space<semaphore_mem>>)
      %dma_wait3A_1230 = arith.constant 0 : i32
      %dma_wait3A_1231 = tpu.memref_slice %arg11[%add3A_966, %dma_wait3A_1230] : memref<4096x256xf32, #tpu.memory_space<hbm>> -> memref<64x256xf32, #tpu.memory_space<hbm>>
      %dma_wait3A_1232 = arith.constant 0 : i32
      %dma_wait3A_1233 = tpu.memref_slice %arg11[%add3A_966, %dma_wait3A_1232] : memref<4096x256xf32, #tpu.memory_space<hbm>> -> memref<64x256xf32, #tpu.memory_space<hbm>>
      tpu.wait_dma2 semaphore(%run_scoped3A : memref<!tpu.dma_semaphore, #tpu.memory_space<semaphore_mem>>) src(%arg20 : memref<64x256xf32, #tpu.memory_space<vmem>>) dst(%dma_wait3A_1233 : memref<64x256xf32, #tpu.memory_space<hbm>>)
      tpu.yield
    }) : () -> ()
    "tpu.region"() ({
      %run_scoped3A = tpu.sem_alloc : memref<!tpu.dma_semaphore, #tpu.memory_space<semaphore_mem>>
      %dma_start3A_1226 = tpu.memref_slice %arg6[%mul3A_942] : memref<4096xi32, #tpu.memory_space<hbm>> -> memref<128xi32, #tpu.memory_space<hbm>>
      %dma_start3A_1227 = tpu.memref_slice %arg6[%mul3A_942] : memref<4096xi32, #tpu.memory_space<hbm>> -> memref<128xi32, #tpu.memory_space<hbm>>
      tpu.enqueue_dma source(%dma_start3A_1227 : memref<128xi32, #tpu.memory_space<hbm>>) target(%arg19 : memref<128xi32, #tpu.memory_space<vmem>>) target_semaphore(%run_scoped3A : memref<!tpu.dma_semaphore, #tpu.memory_space<semaphore_mem>>)
      %dma_wait3A_1228 = tpu.memref_slice %arg6[%mul3A_942] : memref<4096xi32, #tpu.memory_space<hbm>> -> memref<128xi32, #tpu.memory_space<hbm>>
      %dma_wait3A_1229 = tpu.memref_slice %arg6[%mul3A_942] : memref<4096xi32, #tpu.memory_space<hbm>> -> memref<128xi32, #tpu.memory_space<hbm>>
      tpu.wait_dma2 semaphore(%run_scoped3A : memref<!tpu.dma_semaphore, #tpu.memory_space<semaphore_mem>>) src(%dma_wait3A_1229 : memref<128xi32, #tpu.memory_space<hbm>>) dst(%arg19 : memref<128xi32, #tpu.memory_space<vmem>>)
      tpu.yield
    }) : () -> ()
    %dma_start3A_967 = arith.constant 0 : i32
    %dma_start3A_968 = tpu.memref_slice %arg19[%dma_start3A_967] : memref<128xi32, #tpu.memory_space<vmem>> -> memref<64xi32, #tpu.memory_space<vmem>>
    %dma_start3A_969 = arith.constant 0 : i32
    %dma_start3A_970 = arith.constant 0 : i32
    %dma_start3A_971 = tpu.memref_slice %arg8[%dma_start3A_969, %dma_start3A_970] : memref<2000x256xf32, #tpu.memory_space<hbm>> -> memref<2000x256xf32, #tpu.memory_space<hbm>>
    tpu.enqueue_indirect_dma source(%dma_start3A_971 : memref<2000x256xf32, #tpu.memory_space<hbm>>) target(%arg20 : memref<64x256xf32, #tpu.memory_space<vmem>>) offsets(%dma_start3A_968 : memref<64xi32, #tpu.memory_space<vmem>>) semaphore(%arg23 : memref<!tpu.dma_semaphore, #tpu.memory_space<semaphore_mem>>)
    %dma_wait3A_972 = arith.constant 0 : i32
    %dma_wait3A_973 = tpu.memref_slice %arg19[%dma_wait3A_972] : memref<128xi32, #tpu.memory_space<vmem>> -> memref<64xi32, #tpu.memory_space<vmem>>
    %dma_wait3A_974 = arith.constant 0 : i32
    %dma_wait3A_975 = arith.constant 0 : i32
    %dma_wait3A_976 = tpu.memref_slice %arg8[%dma_wait3A_974, %dma_wait3A_975] : memref<2000x256xf32, #tpu.memory_space<hbm>> -> memref<2000x256xf32, #tpu.memory_space<hbm>>
    tpu.wait_indirect_dma semaphore(%arg23 : memref<!tpu.dma_semaphore, #tpu.memory_space<semaphore_mem>>) src(%dma_wait3A_976 : memref<2000x256xf32, #tpu.memory_space<hbm>>) dst(%arg20 : memref<64x256xf32, #tpu.memory_space<vmem>>)
    %add3A_977 = arith.constant 0 : i32
    %add3A_978 = arith.addi %mul3A_942, %add3A_977 : i32
    "tpu.region"() ({
      %run_scoped3A = tpu.sem_alloc : memref<!tpu.dma_semaphore, #tpu.memory_space<semaphore_mem>>
      %dma_start3A_1226 = arith.constant 0 : i32
      %dma_start3A_1227 = tpu.memref_slice %arg12[%add3A_978, %dma_start3A_1226] : memref<4096x256xf32, #tpu.memory_space<hbm>> -> memref<64x256xf32, #tpu.memory_space<hbm>>
      %dma_start3A_1228 = arith.constant 0 : i32
      %dma_start3A_1229 = tpu.memref_slice %arg12[%add3A_978, %dma_start3A_1228] : memref<4096x256xf32, #tpu.memory_space<hbm>> -> memref<64x256xf32, #tpu.memory_space<hbm>>
      tpu.enqueue_dma source(%arg20 : memref<64x256xf32, #tpu.memory_space<vmem>>) target(%dma_start3A_1229 : memref<64x256xf32, #tpu.memory_space<hbm>>) target_semaphore(%run_scoped3A : memref<!tpu.dma_semaphore, #tpu.memory_space<semaphore_mem>>)
      %dma_wait3A_1230 = arith.constant 0 : i32
      %dma_wait3A_1231 = tpu.memref_slice %arg12[%add3A_978, %dma_wait3A_1230] : memref<4096x256xf32, #tpu.memory_space<hbm>> -> memref<64x256xf32, #tpu.memory_space<hbm>>
      %dma_wait3A_1232 = arith.constant 0 : i32
      %dma_wait3A_1233 = tpu.memref_slice %arg12[%add3A_978, %dma_wait3A_1232] : memref<4096x256xf32, #tpu.memory_space<hbm>> -> memref<64x256xf32, #tpu.memory_space<hbm>>
      tpu.wait_dma2 semaphore(%run_scoped3A : memref<!tpu.dma_semaphore, #tpu.memory_space<semaphore_mem>>) src(%arg20 : memref<64x256xf32, #tpu.memory_space<vmem>>) dst(%dma_wait3A_1233 : memref<64x256xf32, #tpu.memory_space<hbm>>)
      tpu.yield
    }) : () -> ()
    %dma_start3A_979 = arith.constant 64 : i32
    %dma_start3A_980 = tpu.memref_slice %arg19[%dma_start3A_979] : memref<128xi32, #tpu.memory_space<vmem>> -> memref<64xi32, #tpu.memory_space<vmem>>
    %dma_start3A_981 = arith.constant 0 : i32
    %dma_start3A_982 = arith.constant 0 : i32
    %dma_start3A_983 = tpu.memref_slice %arg8[%dma_start3A_981, %dma_start3A_982] : memref<2000x256xf32, #tpu.memory_space<hbm>> -> memref<2000x256xf32, #tpu.memory_space<hbm>>
    tpu.enqueue_indirect_dma source(%dma_start3A_983 : memref<2000x256xf32, #tpu.memory_space<hbm>>) target(%arg20 : memref<64x256xf32, #tpu.memory_space<vmem>>) offsets(%dma_start3A_980 : memref<64xi32, #tpu.memory_space<vmem>>) semaphore(%arg23 : memref<!tpu.dma_semaphore, #tpu.memory_space<semaphore_mem>>)
    %dma_wait3A_984 = arith.constant 64 : i32
    %dma_wait3A_985 = tpu.memref_slice %arg19[%dma_wait3A_984] : memref<128xi32, #tpu.memory_space<vmem>> -> memref<64xi32, #tpu.memory_space<vmem>>
    %dma_wait3A_986 = arith.constant 0 : i32
    %dma_wait3A_987 = arith.constant 0 : i32
    %dma_wait3A_988 = tpu.memref_slice %arg8[%dma_wait3A_986, %dma_wait3A_987] : memref<2000x256xf32, #tpu.memory_space<hbm>> -> memref<2000x256xf32, #tpu.memory_space<hbm>>
    tpu.wait_indirect_dma semaphore(%arg23 : memref<!tpu.dma_semaphore, #tpu.memory_space<semaphore_mem>>) src(%dma_wait3A_988 : memref<2000x256xf32, #tpu.memory_space<hbm>>) dst(%arg20 : memref<64x256xf32, #tpu.memory_space<vmem>>)
    %add3A_989 = arith.constant 64 : i32
    %add3A_990 = arith.addi %mul3A_942, %add3A_989 : i32
    "tpu.region"() ({
      %run_scoped3A = tpu.sem_alloc : memref<!tpu.dma_semaphore, #tpu.memory_space<semaphore_mem>>
      %dma_start3A_1226 = arith.constant 0 : i32
      %dma_start3A_1227 = tpu.memref_slice %arg12[%add3A_990, %dma_start3A_1226] : memref<4096x256xf32, #tpu.memory_space<hbm>> -> memref<64x256xf32, #tpu.memory_space<hbm>>
      %dma_start3A_1228 = arith.constant 0 : i32
      %dma_start3A_1229 = tpu.memref_slice %arg12[%add3A_990, %dma_start3A_1228] : memref<4096x256xf32, #tpu.memory_space<hbm>> -> memref<64x256xf32, #tpu.memory_space<hbm>>
      tpu.enqueue_dma source(%arg20 : memref<64x256xf32, #tpu.memory_space<vmem>>) target(%dma_start3A_1229 : memref<64x256xf32, #tpu.memory_space<hbm>>) target_semaphore(%run_scoped3A : memref<!tpu.dma_semaphore, #tpu.memory_space<semaphore_mem>>)
      %dma_wait3A_1230 = arith.constant 0 : i32
      %dma_wait3A_1231 = tpu.memref_slice %arg12[%add3A_990, %dma_wait3A_1230] : memref<4096x256xf32, #tpu.memory_space<hbm>> -> memref<64x256xf32, #tpu.memory_space<hbm>>
      %dma_wait3A_1232 = arith.constant 0 : i32
      %dma_wait3A_1233 = tpu.memref_slice %arg12[%add3A_990, %dma_wait3A_1232] : memref<4096x256xf32, #tpu.memory_space<hbm>> -> memref<64x256xf32, #tpu.memory_space<hbm>>
      tpu.wait_dma2 semaphore(%run_scoped3A : memref<!tpu.dma_semaphore, #tpu.memory_space<semaphore_mem>>) src(%arg20 : memref<64x256xf32, #tpu.memory_space<vmem>>) dst(%dma_wait3A_1233 : memref<64x256xf32, #tpu.memory_space<hbm>>)
      tpu.yield
    }) : () -> ()
    %while3A = arith.constant 0 : i32
    %while3A_991 = arith.constant 0 : i32
    %while3A_992 = arith.subi %scan3A_939, %while3A_991 : i32
    %while3A_993 = arith.addi %while3A_991, %while3A_992 : i32
    %while3A_994 = arith.constant 1 : i32
    %while3A_995 = arith.divsi %while3A_992, %while3A_994 : i32
    %while3A_996 = arith.muli %while3A_995, %while3A_994 : i32
    %while3A_997 = arith.addi %while3A_991, %while3A_996 : i32
    %while3A_998 = arith.constant 1 : i32
    scf.for %while3A_1226 = %while3A_991 to %while3A_997 step %while3A_998  : i32 {
      %dma_wait3A_1227 = arith.constant 0 : i32
      %dma_wait3A_1228 = tpu.memref_slice %arg17[%dma_wait3A_1227] : memref<8192xf32, #tpu.memory_space<vmem>> -> memref<128xf32, #tpu.memory_space<vmem>>
      %dma_wait3A_1229 = arith.constant 0 : i32
      %dma_wait3A_1230 = tpu.memref_slice %arg16[%dma_wait3A_1229] : memref<8192xi32, #tpu.memory_space<vmem>> -> memref<128xi32, #tpu.memory_space<vmem>>
      %dma_wait3A_1231 = arith.constant 0 : i32
      %dma_wait3A_1232 = tpu.memref_slice %arg21[%dma_wait3A_1231] : memref<1048608xf32, #tpu.memory_space<vmem_shared>> -> memref<1048608xf32, #tpu.memory_space<vmem_shared>>
      tpu.wait_indirect_dma semaphore(%arg24 : memref<!tpu.dma_semaphore, #tpu.memory_space<semaphore_mem>>) src(%dma_wait3A_1228 : memref<128xf32, #tpu.memory_space<vmem>>) dst(%dma_wait3A_1232 : memref<1048608xf32, #tpu.memory_space<vmem_shared>>)
    }
    %while3A_999 = arith.constant 1 : i32
    scf.for %while3A_1226 = %while3A_997 to %while3A_993 step %while3A_999  : i32 {
      %dma_wait3A_1227 = arith.constant 0 : i32
      %dma_wait3A_1228 = tpu.memref_slice %arg17[%dma_wait3A_1227] : memref<8192xf32, #tpu.memory_space<vmem>> -> memref<128xf32, #tpu.memory_space<vmem>>
      %dma_wait3A_1229 = arith.constant 0 : i32
      %dma_wait3A_1230 = tpu.memref_slice %arg16[%dma_wait3A_1229] : memref<8192xi32, #tpu.memory_space<vmem>> -> memref<128xi32, #tpu.memory_space<vmem>>
      %dma_wait3A_1231 = arith.constant 0 : i32
      %dma_wait3A_1232 = tpu.memref_slice %arg21[%dma_wait3A_1231] : memref<1048608xf32, #tpu.memory_space<vmem_shared>> -> memref<1048608xf32, #tpu.memory_space<vmem_shared>>
      tpu.wait_indirect_dma semaphore(%arg24 : memref<!tpu.dma_semaphore, #tpu.memory_space<semaphore_mem>>) src(%dma_wait3A_1228 : memref<128xf32, #tpu.memory_space<vmem>>) dst(%dma_wait3A_1232 : memref<1048608xf32, #tpu.memory_space<vmem_shared>>)
    }
    %barrier3A_1000 = arith.constant 0 : index
    tpu.barrier barrier_id(%barrier3A_1000)
    %mul3A_1001 = arith.constant 65536 : i32
    %mul3A_1002 = arith.muli %arg1, %mul3A_1001 : i32
    %mul3A_1003 = arith.constant 1048576 : i32
    %mul3A_1004 = arith.muli %arg0, %mul3A_1003 : i32
    %mul3A_1005 = arith.constant 65536 : i32
    %mul3A_1006 = arith.muli %arg1, %mul3A_1005 : i32
    %add3A_1007 = arith.addi %mul3A_1004, %mul3A_1006 : i32
    "tpu.region"() ({
      %run_scoped3A = tpu.sem_alloc : memref<!tpu.dma_semaphore, #tpu.memory_space<semaphore_mem>>
      %dma_start3A_1226 = tpu.memref_slice %arg9[%add3A_1007] : memref<2097152xf32, #tpu.memory_space<hbm>> -> memref<65536xf32, #tpu.memory_space<hbm>>
      %dma_start3A_1227 = tpu.memref_slice %arg21[%mul3A_1002] : memref<1048608xf32, #tpu.memory_space<vmem_shared>> -> memref<65536xf32, #tpu.memory_space<vmem_shared>>
      tpu.enqueue_dma source(%dma_start3A_1227 : memref<65536xf32, #tpu.memory_space<vmem_shared>>) target(%dma_start3A_1226 : memref<65536xf32, #tpu.memory_space<hbm>>) target_semaphore(%run_scoped3A : memref<!tpu.dma_semaphore, #tpu.memory_space<semaphore_mem>>)
      %dma_wait3A_1228 = tpu.memref_slice %arg9[%add3A_1007] : memref<2097152xf32, #tpu.memory_space<hbm>> -> memref<65536xf32, #tpu.memory_space<hbm>>
      %dma_wait3A_1229 = tpu.memref_slice %arg21[%mul3A_1002] : memref<1048608xf32, #tpu.memory_space<vmem_shared>> -> memref<65536xf32, #tpu.memory_space<vmem_shared>>
      tpu.wait_dma2 semaphore(%run_scoped3A : memref<!tpu.dma_semaphore, #tpu.memory_space<semaphore_mem>>) src(%dma_wait3A_1229 : memref<65536xf32, #tpu.memory_space<vmem_shared>>) dst(%dma_wait3A_1228 : memref<65536xf32, #tpu.memory_space<hbm>>)
      tpu.yield
    }) : () -> ()
    %mul3A_1008 = arith.constant 65536 : i32
    %mul3A_1009 = arith.muli %arg1, %mul3A_1008 : i32
    %add3A_1010 = arith.constant 0 : i32
    %add3A_1011 = arith.addi %mul3A_1009, %add3A_1010 : i32
    %dma_start3A_1012 = tpu.memref_slice %arg21[%add3A_1011] : memref<1048608xf32, #tpu.memory_space<vmem_shared>> -> memref<4096xf32, #tpu.memory_space<vmem_shared>>
    %dma_start3A_1013 = tpu.memref_slice %arg21[%add3A_1011] : memref<1048608xf32, #tpu.memory_space<vmem_shared>> -> memref<4096xf32, #tpu.memory_space<vmem_shared>>
    tpu.enqueue_dma source(%arg18 : memref<4096xf32, #tpu.memory_space<vmem>>) target(%dma_start3A_1013 : memref<4096xf32, #tpu.memory_space<vmem_shared>>) target_semaphore(%arg25 : memref<!tpu.dma_semaphore, #tpu.memory_space<semaphore_mem>>)
    %mul3A_1014 = arith.constant 65536 : i32
    %mul3A_1015 = arith.muli %arg1, %mul3A_1014 : i32
    %add3A_1016 = arith.constant 4096 : i32
    %add3A_1017 = arith.addi %mul3A_1015, %add3A_1016 : i32
    %dma_start3A_1018 = tpu.memref_slice %arg21[%add3A_1017] : memref<1048608xf32, #tpu.memory_space<vmem_shared>> -> memref<4096xf32, #tpu.memory_space<vmem_shared>>
    %dma_start3A_1019 = tpu.memref_slice %arg21[%add3A_1017] : memref<1048608xf32, #tpu.memory_space<vmem_shared>> -> memref<4096xf32, #tpu.memory_space<vmem_shared>>
    tpu.enqueue_dma source(%arg18 : memref<4096xf32, #tpu.memory_space<vmem>>) target(%dma_start3A_1019 : memref<4096xf32, #tpu.memory_space<vmem_shared>>) target_semaphore(%arg25 : memref<!tpu.dma_semaphore, #tpu.memory_space<semaphore_mem>>)
    %mul3A_1020 = arith.constant 65536 : i32
    %mul3A_1021 = arith.muli %arg1, %mul3A_1020 : i32
    %add3A_1022 = arith.constant 8192 : i32
    %add3A_1023 = arith.addi %mul3A_1021, %add3A_1022 : i32
    %dma_start3A_1024 = tpu.memref_slice %arg21[%add3A_1023] : memref<1048608xf32, #tpu.memory_space<vmem_shared>> -> memref<4096xf32, #tpu.memory_space<vmem_shared>>
    %dma_start3A_1025 = tpu.memref_slice %arg21[%add3A_1023] : memref<1048608xf32, #tpu.memory_space<vmem_shared>> -> memref<4096xf32, #tpu.memory_space<vmem_shared>>
    tpu.enqueue_dma source(%arg18 : memref<4096xf32, #tpu.memory_space<vmem>>) target(%dma_start3A_1025 : memref<4096xf32, #tpu.memory_space<vmem_shared>>) target_semaphore(%arg25 : memref<!tpu.dma_semaphore, #tpu.memory_space<semaphore_mem>>)
    %mul3A_1026 = arith.constant 65536 : i32
    %mul3A_1027 = arith.muli %arg1, %mul3A_1026 : i32
    %add3A_1028 = arith.constant 12288 : i32
    %add3A_1029 = arith.addi %mul3A_1027, %add3A_1028 : i32
    %dma_start3A_1030 = tpu.memref_slice %arg21[%add3A_1029] : memref<1048608xf32, #tpu.memory_space<vmem_shared>> -> memref<4096xf32, #tpu.memory_space<vmem_shared>>
    %dma_start3A_1031 = tpu.memref_slice %arg21[%add3A_1029] : memref<1048608xf32, #tpu.memory_space<vmem_shared>> -> memref<4096xf32, #tpu.memory_space<vmem_shared>>
    tpu.enqueue_dma source(%arg18 : memref<4096xf32, #tpu.memory_space<vmem>>) target(%dma_start3A_1031 : memref<4096xf32, #tpu.memory_space<vmem_shared>>) target_semaphore(%arg25 : memref<!tpu.dma_semaphore, #tpu.memory_space<semaphore_mem>>)
    %mul3A_1032 = arith.constant 65536 : i32
    %mul3A_1033 = arith.muli %arg1, %mul3A_1032 : i32
    %add3A_1034 = arith.constant 16384 : i32
    %add3A_1035 = arith.addi %mul3A_1033, %add3A_1034 : i32
    %dma_start3A_1036 = tpu.memref_slice %arg21[%add3A_1035] : memref<1048608xf32, #tpu.memory_space<vmem_shared>> -> memref<4096xf32, #tpu.memory_space<vmem_shared>>
    %dma_start3A_1037 = tpu.memref_slice %arg21[%add3A_1035] : memref<1048608xf32, #tpu.memory_space<vmem_shared>> -> memref<4096xf32, #tpu.memory_space<vmem_shared>>
    tpu.enqueue_dma source(%arg18 : memref<4096xf32, #tpu.memory_space<vmem>>) target(%dma_start3A_1037 : memref<4096xf32, #tpu.memory_space<vmem_shared>>) target_semaphore(%arg25 : memref<!tpu.dma_semaphore, #tpu.memory_space<semaphore_mem>>)
    %mul3A_1038 = arith.constant 65536 : i32
    %mul3A_1039 = arith.muli %arg1, %mul3A_1038 : i32
    %add3A_1040 = arith.constant 20480 : i32
    %add3A_1041 = arith.addi %mul3A_1039, %add3A_1040 : i32
    %dma_start3A_1042 = tpu.memref_slice %arg21[%add3A_1041] : memref<1048608xf32, #tpu.memory_space<vmem_shared>> -> memref<4096xf32, #tpu.memory_space<vmem_shared>>
    %dma_start3A_1043 = tpu.memref_slice %arg21[%add3A_1041] : memref<1048608xf32, #tpu.memory_space<vmem_shared>> -> memref<4096xf32, #tpu.memory_space<vmem_shared>>
    tpu.enqueue_dma source(%arg18 : memref<4096xf32, #tpu.memory_space<vmem>>) target(%dma_start3A_1043 : memref<4096xf32, #tpu.memory_space<vmem_shared>>) target_semaphore(%arg25 : memref<!tpu.dma_semaphore, #tpu.memory_space<semaphore_mem>>)
    %mul3A_1044 = arith.constant 65536 : i32
    %mul3A_1045 = arith.muli %arg1, %mul3A_1044 : i32
    %add3A_1046 = arith.constant 24576 : i32
    %add3A_1047 = arith.addi %mul3A_1045, %add3A_1046 : i32
    %dma_start3A_1048 = tpu.memref_slice %arg21[%add3A_1047] : memref<1048608xf32, #tpu.memory_space<vmem_shared>> -> memref<4096xf32, #tpu.memory_space<vmem_shared>>
    %dma_start3A_1049 = tpu.memref_slice %arg21[%add3A_1047] : memref<1048608xf32, #tpu.memory_space<vmem_shared>> -> memref<4096xf32, #tpu.memory_space<vmem_shared>>
    tpu.enqueue_dma source(%arg18 : memref<4096xf32, #tpu.memory_space<vmem>>) target(%dma_start3A_1049 : memref<4096xf32, #tpu.memory_space<vmem_shared>>) target_semaphore(%arg25 : memref<!tpu.dma_semaphore, #tpu.memory_space<semaphore_mem>>)
    %mul3A_1050 = arith.constant 65536 : i32
    %mul3A_1051 = arith.muli %arg1, %mul3A_1050 : i32
    %add3A_1052 = arith.constant 28672 : i32
    %add3A_1053 = arith.addi %mul3A_1051, %add3A_1052 : i32
    %dma_start3A_1054 = tpu.memref_slice %arg21[%add3A_1053] : memref<1048608xf32, #tpu.memory_space<vmem_shared>> -> memref<4096xf32, #tpu.memory_space<vmem_shared>>
    %dma_start3A_1055 = tpu.memref_slice %arg21[%add3A_1053] : memref<1048608xf32, #tpu.memory_space<vmem_shared>> -> memref<4096xf32, #tpu.memory_space<vmem_shared>>
    tpu.enqueue_dma source(%arg18 : memref<4096xf32, #tpu.memory_space<vmem>>) target(%dma_start3A_1055 : memref<4096xf32, #tpu.memory_space<vmem_shared>>) target_semaphore(%arg25 : memref<!tpu.dma_semaphore, #tpu.memory_space<semaphore_mem>>)
    %mul3A_1056 = arith.constant 65536 : i32
    %mul3A_1057 = arith.muli %arg1, %mul3A_1056 : i32
    %add3A_1058 = arith.constant 32768 : i32
    %add3A_1059 = arith.addi %mul3A_1057, %add3A_1058 : i32
    %dma_start3A_1060 = tpu.memref_slice %arg21[%add3A_1059] : memref<1048608xf32, #tpu.memory_space<vmem_shared>> -> memref<4096xf32, #tpu.memory_space<vmem_shared>>
    %dma_start3A_1061 = tpu.memref_slice %arg21[%add3A_1059] : memref<1048608xf32, #tpu.memory_space<vmem_shared>> -> memref<4096xf32, #tpu.memory_space<vmem_shared>>
    tpu.enqueue_dma source(%arg18 : memref<4096xf32, #tpu.memory_space<vmem>>) target(%dma_start3A_1061 : memref<4096xf32, #tpu.memory_space<vmem_shared>>) target_semaphore(%arg25 : memref<!tpu.dma_semaphore, #tpu.memory_space<semaphore_mem>>)
    %mul3A_1062 = arith.constant 65536 : i32
    %mul3A_1063 = arith.muli %arg1, %mul3A_1062 : i32
    %add3A_1064 = arith.constant 36864 : i32
    %add3A_1065 = arith.addi %mul3A_1063, %add3A_1064 : i32
    %dma_start3A_1066 = tpu.memref_slice %arg21[%add3A_1065] : memref<1048608xf32, #tpu.memory_space<vmem_shared>> -> memref<4096xf32, #tpu.memory_space<vmem_shared>>
    %dma_start3A_1067 = tpu.memref_slice %arg21[%add3A_1065] : memref<1048608xf32, #tpu.memory_space<vmem_shared>> -> memref<4096xf32, #tpu.memory_space<vmem_shared>>
    tpu.enqueue_dma source(%arg18 : memref<4096xf32, #tpu.memory_space<vmem>>) target(%dma_start3A_1067 : memref<4096xf32, #tpu.memory_space<vmem_shared>>) target_semaphore(%arg25 : memref<!tpu.dma_semaphore, #tpu.memory_space<semaphore_mem>>)
    %mul3A_1068 = arith.constant 65536 : i32
    %mul3A_1069 = arith.muli %arg1, %mul3A_1068 : i32
    %add3A_1070 = arith.constant 40960 : i32
    %add3A_1071 = arith.addi %mul3A_1069, %add3A_1070 : i32
    %dma_start3A_1072 = tpu.memref_slice %arg21[%add3A_1071] : memref<1048608xf32, #tpu.memory_space<vmem_shared>> -> memref<4096xf32, #tpu.memory_space<vmem_shared>>
    %dma_start3A_1073 = tpu.memref_slice %arg21[%add3A_1071] : memref<1048608xf32, #tpu.memory_space<vmem_shared>> -> memref<4096xf32, #tpu.memory_space<vmem_shared>>
    tpu.enqueue_dma source(%arg18 : memref<4096xf32, #tpu.memory_space<vmem>>) target(%dma_start3A_1073 : memref<4096xf32, #tpu.memory_space<vmem_shared>>) target_semaphore(%arg25 : memref<!tpu.dma_semaphore, #tpu.memory_space<semaphore_mem>>)
    %mul3A_1074 = arith.constant 65536 : i32
    %mul3A_1075 = arith.muli %arg1, %mul3A_1074 : i32
    %add3A_1076 = arith.constant 45056 : i32
    %add3A_1077 = arith.addi %mul3A_1075, %add3A_1076 : i32
    %dma_start3A_1078 = tpu.memref_slice %arg21[%add3A_1077] : memref<1048608xf32, #tpu.memory_space<vmem_shared>> -> memref<4096xf32, #tpu.memory_space<vmem_shared>>
    %dma_start3A_1079 = tpu.memref_slice %arg21[%add3A_1077] : memref<1048608xf32, #tpu.memory_space<vmem_shared>> -> memref<4096xf32, #tpu.memory_space<vmem_shared>>
    tpu.enqueue_dma source(%arg18 : memref<4096xf32, #tpu.memory_space<vmem>>) target(%dma_start3A_1079 : memref<4096xf32, #tpu.memory_space<vmem_shared>>) target_semaphore(%arg25 : memref<!tpu.dma_semaphore, #tpu.memory_space<semaphore_mem>>)
    %mul3A_1080 = arith.constant 65536 : i32
    %mul3A_1081 = arith.muli %arg1, %mul3A_1080 : i32
    %add3A_1082 = arith.constant 49152 : i32
    %add3A_1083 = arith.addi %mul3A_1081, %add3A_1082 : i32
    %dma_start3A_1084 = tpu.memref_slice %arg21[%add3A_1083] : memref<1048608xf32, #tpu.memory_space<vmem_shared>> -> memref<4096xf32, #tpu.memory_space<vmem_shared>>
    %dma_start3A_1085 = tpu.memref_slice %arg21[%add3A_1083] : memref<1048608xf32, #tpu.memory_space<vmem_shared>> -> memref<4096xf32, #tpu.memory_space<vmem_shared>>
    tpu.enqueue_dma source(%arg18 : memref<4096xf32, #tpu.memory_space<vmem>>) target(%dma_start3A_1085 : memref<4096xf32, #tpu.memory_space<vmem_shared>>) target_semaphore(%arg25 : memref<!tpu.dma_semaphore, #tpu.memory_space<semaphore_mem>>)
    %mul3A_1086 = arith.constant 65536 : i32
    %mul3A_1087 = arith.muli %arg1, %mul3A_1086 : i32
    %add3A_1088 = arith.constant 53248 : i32
    %add3A_1089 = arith.addi %mul3A_1087, %add3A_1088 : i32
    %dma_start3A_1090 = tpu.memref_slice %arg21[%add3A_1089] : memref<1048608xf32, #tpu.memory_space<vmem_shared>> -> memref<4096xf32, #tpu.memory_space<vmem_shared>>
    %dma_start3A_1091 = tpu.memref_slice %arg21[%add3A_1089] : memref<1048608xf32, #tpu.memory_space<vmem_shared>> -> memref<4096xf32, #tpu.memory_space<vmem_shared>>
    tpu.enqueue_dma source(%arg18 : memref<4096xf32, #tpu.memory_space<vmem>>) target(%dma_start3A_1091 : memref<4096xf32, #tpu.memory_space<vmem_shared>>) target_semaphore(%arg25 : memref<!tpu.dma_semaphore, #tpu.memory_space<semaphore_mem>>)
    %mul3A_1092 = arith.constant 65536 : i32
    %mul3A_1093 = arith.muli %arg1, %mul3A_1092 : i32
    %add3A_1094 = arith.constant 57344 : i32
    %add3A_1095 = arith.addi %mul3A_1093, %add3A_1094 : i32
    %dma_start3A_1096 = tpu.memref_slice %arg21[%add3A_1095] : memref<1048608xf32, #tpu.memory_space<vmem_shared>> -> memref<4096xf32, #tpu.memory_space<vmem_shared>>
    %dma_start3A_1097 = tpu.memref_slice %arg21[%add3A_1095] : memref<1048608xf32, #tpu.memory_space<vmem_shared>> -> memref<4096xf32, #tpu.memory_space<vmem_shared>>
    tpu.enqueue_dma source(%arg18 : memref<4096xf32, #tpu.memory_space<vmem>>) target(%dma_start3A_1097 : memref<4096xf32, #tpu.memory_space<vmem_shared>>) target_semaphore(%arg25 : memref<!tpu.dma_semaphore, #tpu.memory_space<semaphore_mem>>)
    %mul3A_1098 = arith.constant 65536 : i32
    %mul3A_1099 = arith.muli %arg1, %mul3A_1098 : i32
    %add3A_1100 = arith.constant 61440 : i32
    %add3A_1101 = arith.addi %mul3A_1099, %add3A_1100 : i32
    %dma_start3A_1102 = tpu.memref_slice %arg21[%add3A_1101] : memref<1048608xf32, #tpu.memory_space<vmem_shared>> -> memref<4096xf32, #tpu.memory_space<vmem_shared>>
    %dma_start3A_1103 = tpu.memref_slice %arg21[%add3A_1101] : memref<1048608xf32, #tpu.memory_space<vmem_shared>> -> memref<4096xf32, #tpu.memory_space<vmem_shared>>
    tpu.enqueue_dma source(%arg18 : memref<4096xf32, #tpu.memory_space<vmem>>) target(%dma_start3A_1103 : memref<4096xf32, #tpu.memory_space<vmem_shared>>) target_semaphore(%arg25 : memref<!tpu.dma_semaphore, #tpu.memory_space<semaphore_mem>>)
    %mul3A_1104 = arith.constant 65536 : i32
    %mul3A_1105 = arith.muli %arg1, %mul3A_1104 : i32
    %add3A_1106 = arith.constant 0 : i32
    %add3A_1107 = arith.addi %mul3A_1105, %add3A_1106 : i32
    %dma_wait3A_1108 = tpu.memref_slice %arg21[%add3A_1107] : memref<1048608xf32, #tpu.memory_space<vmem_shared>> -> memref<4096xf32, #tpu.memory_space<vmem_shared>>
    %dma_wait3A_1109 = tpu.memref_slice %arg21[%add3A_1107] : memref<1048608xf32, #tpu.memory_space<vmem_shared>> -> memref<4096xf32, #tpu.memory_space<vmem_shared>>
    tpu.wait_dma2 semaphore(%arg25 : memref<!tpu.dma_semaphore, #tpu.memory_space<semaphore_mem>>) src(%arg18 : memref<4096xf32, #tpu.memory_space<vmem>>) dst(%dma_wait3A_1109 : memref<4096xf32, #tpu.memory_space<vmem_shared>>)
    %mul3A_1110 = arith.constant 65536 : i32
    %mul3A_1111 = arith.muli %arg1, %mul3A_1110 : i32
    %add3A_1112 = arith.constant 4096 : i32
    %add3A_1113 = arith.addi %mul3A_1111, %add3A_1112 : i32
    %dma_wait3A_1114 = tpu.memref_slice %arg21[%add3A_1113] : memref<1048608xf32, #tpu.memory_space<vmem_shared>> -> memref<4096xf32, #tpu.memory_space<vmem_shared>>
    %dma_wait3A_1115 = tpu.memref_slice %arg21[%add3A_1113] : memref<1048608xf32, #tpu.memory_space<vmem_shared>> -> memref<4096xf32, #tpu.memory_space<vmem_shared>>
    tpu.wait_dma2 semaphore(%arg25 : memref<!tpu.dma_semaphore, #tpu.memory_space<semaphore_mem>>) src(%arg18 : memref<4096xf32, #tpu.memory_space<vmem>>) dst(%dma_wait3A_1115 : memref<4096xf32, #tpu.memory_space<vmem_shared>>)
    %mul3A_1116 = arith.constant 65536 : i32
    %mul3A_1117 = arith.muli %arg1, %mul3A_1116 : i32
    %add3A_1118 = arith.constant 8192 : i32
    %add3A_1119 = arith.addi %mul3A_1117, %add3A_1118 : i32
    %dma_wait3A_1120 = tpu.memref_slice %arg21[%add3A_1119] : memref<1048608xf32, #tpu.memory_space<vmem_shared>> -> memref<4096xf32, #tpu.memory_space<vmem_shared>>
    %dma_wait3A_1121 = tpu.memref_slice %arg21[%add3A_1119] : memref<1048608xf32, #tpu.memory_space<vmem_shared>> -> memref<4096xf32, #tpu.memory_space<vmem_shared>>
    tpu.wait_dma2 semaphore(%arg25 : memref<!tpu.dma_semaphore, #tpu.memory_space<semaphore_mem>>) src(%arg18 : memref<4096xf32, #tpu.memory_space<vmem>>) dst(%dma_wait3A_1121 : memref<4096xf32, #tpu.memory_space<vmem_shared>>)
    %mul3A_1122 = arith.constant 65536 : i32
    %mul3A_1123 = arith.muli %arg1, %mul3A_1122 : i32
    %add3A_1124 = arith.constant 12288 : i32
    %add3A_1125 = arith.addi %mul3A_1123, %add3A_1124 : i32
    %dma_wait3A_1126 = tpu.memref_slice %arg21[%add3A_1125] : memref<1048608xf32, #tpu.memory_space<vmem_shared>> -> memref<4096xf32, #tpu.memory_space<vmem_shared>>
    %dma_wait3A_1127 = tpu.memref_slice %arg21[%add3A_1125] : memref<1048608xf32, #tpu.memory_space<vmem_shared>> -> memref<4096xf32, #tpu.memory_space<vmem_shared>>
    tpu.wait_dma2 semaphore(%arg25 : memref<!tpu.dma_semaphore, #tpu.memory_space<semaphore_mem>>) src(%arg18 : memref<4096xf32, #tpu.memory_space<vmem>>) dst(%dma_wait3A_1127 : memref<4096xf32, #tpu.memory_space<vmem_shared>>)
    %mul3A_1128 = arith.constant 65536 : i32
    %mul3A_1129 = arith.muli %arg1, %mul3A_1128 : i32
    %add3A_1130 = arith.constant 16384 : i32
    %add3A_1131 = arith.addi %mul3A_1129, %add3A_1130 : i32
    %dma_wait3A_1132 = tpu.memref_slice %arg21[%add3A_1131] : memref<1048608xf32, #tpu.memory_space<vmem_shared>> -> memref<4096xf32, #tpu.memory_space<vmem_shared>>
    %dma_wait3A_1133 = tpu.memref_slice %arg21[%add3A_1131] : memref<1048608xf32, #tpu.memory_space<vmem_shared>> -> memref<4096xf32, #tpu.memory_space<vmem_shared>>
    tpu.wait_dma2 semaphore(%arg25 : memref<!tpu.dma_semaphore, #tpu.memory_space<semaphore_mem>>) src(%arg18 : memref<4096xf32, #tpu.memory_space<vmem>>) dst(%dma_wait3A_1133 : memref<4096xf32, #tpu.memory_space<vmem_shared>>)
    %mul3A_1134 = arith.constant 65536 : i32
    %mul3A_1135 = arith.muli %arg1, %mul3A_1134 : i32
    %add3A_1136 = arith.constant 20480 : i32
    %add3A_1137 = arith.addi %mul3A_1135, %add3A_1136 : i32
    %dma_wait3A_1138 = tpu.memref_slice %arg21[%add3A_1137] : memref<1048608xf32, #tpu.memory_space<vmem_shared>> -> memref<4096xf32, #tpu.memory_space<vmem_shared>>
    %dma_wait3A_1139 = tpu.memref_slice %arg21[%add3A_1137] : memref<1048608xf32, #tpu.memory_space<vmem_shared>> -> memref<4096xf32, #tpu.memory_space<vmem_shared>>
    tpu.wait_dma2 semaphore(%arg25 : memref<!tpu.dma_semaphore, #tpu.memory_space<semaphore_mem>>) src(%arg18 : memref<4096xf32, #tpu.memory_space<vmem>>) dst(%dma_wait3A_1139 : memref<4096xf32, #tpu.memory_space<vmem_shared>>)
    %mul3A_1140 = arith.constant 65536 : i32
    %mul3A_1141 = arith.muli %arg1, %mul3A_1140 : i32
    %add3A_1142 = arith.constant 24576 : i32
    %add3A_1143 = arith.addi %mul3A_1141, %add3A_1142 : i32
    %dma_wait3A_1144 = tpu.memref_slice %arg21[%add3A_1143] : memref<1048608xf32, #tpu.memory_space<vmem_shared>> -> memref<4096xf32, #tpu.memory_space<vmem_shared>>
    %dma_wait3A_1145 = tpu.memref_slice %arg21[%add3A_1143] : memref<1048608xf32, #tpu.memory_space<vmem_shared>> -> memref<4096xf32, #tpu.memory_space<vmem_shared>>
    tpu.wait_dma2 semaphore(%arg25 : memref<!tpu.dma_semaphore, #tpu.memory_space<semaphore_mem>>) src(%arg18 : memref<4096xf32, #tpu.memory_space<vmem>>) dst(%dma_wait3A_1145 : memref<4096xf32, #tpu.memory_space<vmem_shared>>)
    %mul3A_1146 = arith.constant 65536 : i32
    %mul3A_1147 = arith.muli %arg1, %mul3A_1146 : i32
    %add3A_1148 = arith.constant 28672 : i32
    %add3A_1149 = arith.addi %mul3A_1147, %add3A_1148 : i32
    %dma_wait3A_1150 = tpu.memref_slice %arg21[%add3A_1149] : memref<1048608xf32, #tpu.memory_space<vmem_shared>> -> memref<4096xf32, #tpu.memory_space<vmem_shared>>
    %dma_wait3A_1151 = tpu.memref_slice %arg21[%add3A_1149] : memref<1048608xf32, #tpu.memory_space<vmem_shared>> -> memref<4096xf32, #tpu.memory_space<vmem_shared>>
    tpu.wait_dma2 semaphore(%arg25 : memref<!tpu.dma_semaphore, #tpu.memory_space<semaphore_mem>>) src(%arg18 : memref<4096xf32, #tpu.memory_space<vmem>>) dst(%dma_wait3A_1151 : memref<4096xf32, #tpu.memory_space<vmem_shared>>)
    %mul3A_1152 = arith.constant 65536 : i32
    %mul3A_1153 = arith.muli %arg1, %mul3A_1152 : i32
    %add3A_1154 = arith.constant 32768 : i32
    %add3A_1155 = arith.addi %mul3A_1153, %add3A_1154 : i32
    %dma_wait3A_1156 = tpu.memref_slice %arg21[%add3A_1155] : memref<1048608xf32, #tpu.memory_space<vmem_shared>> -> memref<4096xf32, #tpu.memory_space<vmem_shared>>
    %dma_wait3A_1157 = tpu.memref_slice %arg21[%add3A_1155] : memref<1048608xf32, #tpu.memory_space<vmem_shared>> -> memref<4096xf32, #tpu.memory_space<vmem_shared>>
    tpu.wait_dma2 semaphore(%arg25 : memref<!tpu.dma_semaphore, #tpu.memory_space<semaphore_mem>>) src(%arg18 : memref<4096xf32, #tpu.memory_space<vmem>>) dst(%dma_wait3A_1157 : memref<4096xf32, #tpu.memory_space<vmem_shared>>)
    %mul3A_1158 = arith.constant 65536 : i32
    %mul3A_1159 = arith.muli %arg1, %mul3A_1158 : i32
    %add3A_1160 = arith.constant 36864 : i32
    %add3A_1161 = arith.addi %mul3A_1159, %add3A_1160 : i32
    %dma_wait3A_1162 = tpu.memref_slice %arg21[%add3A_1161] : memref<1048608xf32, #tpu.memory_space<vmem_shared>> -> memref<4096xf32, #tpu.memory_space<vmem_shared>>
    %dma_wait3A_1163 = tpu.memref_slice %arg21[%add3A_1161] : memref<1048608xf32, #tpu.memory_space<vmem_shared>> -> memref<4096xf32, #tpu.memory_space<vmem_shared>>
    tpu.wait_dma2 semaphore(%arg25 : memref<!tpu.dma_semaphore, #tpu.memory_space<semaphore_mem>>) src(%arg18 : memref<4096xf32, #tpu.memory_space<vmem>>) dst(%dma_wait3A_1163 : memref<4096xf32, #tpu.memory_space<vmem_shared>>)
    %mul3A_1164 = arith.constant 65536 : i32
    %mul3A_1165 = arith.muli %arg1, %mul3A_1164 : i32
    %add3A_1166 = arith.constant 40960 : i32
    %add3A_1167 = arith.addi %mul3A_1165, %add3A_1166 : i32
    %dma_wait3A_1168 = tpu.memref_slice %arg21[%add3A_1167] : memref<1048608xf32, #tpu.memory_space<vmem_shared>> -> memref<4096xf32, #tpu.memory_space<vmem_shared>>
    %dma_wait3A_1169 = tpu.memref_slice %arg21[%add3A_1167] : memref<1048608xf32, #tpu.memory_space<vmem_shared>> -> memref<4096xf32, #tpu.memory_space<vmem_shared>>
    tpu.wait_dma2 semaphore(%arg25 : memref<!tpu.dma_semaphore, #tpu.memory_space<semaphore_mem>>) src(%arg18 : memref<4096xf32, #tpu.memory_space<vmem>>) dst(%dma_wait3A_1169 : memref<4096xf32, #tpu.memory_space<vmem_shared>>)
    %mul3A_1170 = arith.constant 65536 : i32
    %mul3A_1171 = arith.muli %arg1, %mul3A_1170 : i32
    %add3A_1172 = arith.constant 45056 : i32
    %add3A_1173 = arith.addi %mul3A_1171, %add3A_1172 : i32
    %dma_wait3A_1174 = tpu.memref_slice %arg21[%add3A_1173] : memref<1048608xf32, #tpu.memory_space<vmem_shared>> -> memref<4096xf32, #tpu.memory_space<vmem_shared>>
    %dma_wait3A_1175 = tpu.memref_slice %arg21[%add3A_1173] : memref<1048608xf32, #tpu.memory_space<vmem_shared>> -> memref<4096xf32, #tpu.memory_space<vmem_shared>>
    tpu.wait_dma2 semaphore(%arg25 : memref<!tpu.dma_semaphore, #tpu.memory_space<semaphore_mem>>) src(%arg18 : memref<4096xf32, #tpu.memory_space<vmem>>) dst(%dma_wait3A_1175 : memref<4096xf32, #tpu.memory_space<vmem_shared>>)
    %mul3A_1176 = arith.constant 65536 : i32
    %mul3A_1177 = arith.muli %arg1, %mul3A_1176 : i32
    %add3A_1178 = arith.constant 49152 : i32
    %add3A_1179 = arith.addi %mul3A_1177, %add3A_1178 : i32
    %dma_wait3A_1180 = tpu.memref_slice %arg21[%add3A_1179] : memref<1048608xf32, #tpu.memory_space<vmem_shared>> -> memref<4096xf32, #tpu.memory_space<vmem_shared>>
    %dma_wait3A_1181 = tpu.memref_slice %arg21[%add3A_1179] : memref<1048608xf32, #tpu.memory_space<vmem_shared>> -> memref<4096xf32, #tpu.memory_space<vmem_shared>>
    tpu.wait_dma2 semaphore(%arg25 : memref<!tpu.dma_semaphore, #tpu.memory_space<semaphore_mem>>) src(%arg18 : memref<4096xf32, #tpu.memory_space<vmem>>) dst(%dma_wait3A_1181 : memref<4096xf32, #tpu.memory_space<vmem_shared>>)
    %mul3A_1182 = arith.constant 65536 : i32
    %mul3A_1183 = arith.muli %arg1, %mul3A_1182 : i32
    %add3A_1184 = arith.constant 53248 : i32
    %add3A_1185 = arith.addi %mul3A_1183, %add3A_1184 : i32
    %dma_wait3A_1186 = tpu.memref_slice %arg21[%add3A_1185] : memref<1048608xf32, #tpu.memory_space<vmem_shared>> -> memref<4096xf32, #tpu.memory_space<vmem_shared>>
    %dma_wait3A_1187 = tpu.memref_slice %arg21[%add3A_1185] : memref<1048608xf32, #tpu.memory_space<vmem_shared>> -> memref<4096xf32, #tpu.memory_space<vmem_shared>>
    tpu.wait_dma2 semaphore(%arg25 : memref<!tpu.dma_semaphore, #tpu.memory_space<semaphore_mem>>) src(%arg18 : memref<4096xf32, #tpu.memory_space<vmem>>) dst(%dma_wait3A_1187 : memref<4096xf32, #tpu.memory_space<vmem_shared>>)
    %mul3A_1188 = arith.constant 65536 : i32
    %mul3A_1189 = arith.muli %arg1, %mul3A_1188 : i32
    %add3A_1190 = arith.constant 57344 : i32
    %add3A_1191 = arith.addi %mul3A_1189, %add3A_1190 : i32
    %dma_wait3A_1192 = tpu.memref_slice %arg21[%add3A_1191] : memref<1048608xf32, #tpu.memory_space<vmem_shared>> -> memref<4096xf32, #tpu.memory_space<vmem_shared>>
    %dma_wait3A_1193 = tpu.memref_slice %arg21[%add3A_1191] : memref<1048608xf32, #tpu.memory_space<vmem_shared>> -> memref<4096xf32, #tpu.memory_space<vmem_shared>>
    tpu.wait_dma2 semaphore(%arg25 : memref<!tpu.dma_semaphore, #tpu.memory_space<semaphore_mem>>) src(%arg18 : memref<4096xf32, #tpu.memory_space<vmem>>) dst(%dma_wait3A_1193 : memref<4096xf32, #tpu.memory_space<vmem_shared>>)
    %mul3A_1194 = arith.constant 65536 : i32
    %mul3A_1195 = arith.muli %arg1, %mul3A_1194 : i32
    %add3A_1196 = arith.constant 61440 : i32
    %add3A_1197 = arith.addi %mul3A_1195, %add3A_1196 : i32
    %dma_wait3A_1198 = tpu.memref_slice %arg21[%add3A_1197] : memref<1048608xf32, #tpu.memory_space<vmem_shared>> -> memref<4096xf32, #tpu.memory_space<vmem_shared>>
    %dma_wait3A_1199 = tpu.memref_slice %arg21[%add3A_1197] : memref<1048608xf32, #tpu.memory_space<vmem_shared>> -> memref<4096xf32, #tpu.memory_space<vmem_shared>>
    tpu.wait_dma2 semaphore(%arg25 : memref<!tpu.dma_semaphore, #tpu.memory_space<semaphore_mem>>) src(%arg18 : memref<4096xf32, #tpu.memory_space<vmem>>) dst(%dma_wait3A_1199 : memref<4096xf32, #tpu.memory_space<vmem_shared>>)
    %barrier3A_1200 = arith.constant 0 : index
    tpu.barrier barrier_id(%barrier3A_1200)
    %scan3A_1201 = arith.constant 0 : i32
    %scan3A_1202 = arith.constant 0 : i32
    %scan3A_1203 = arith.constant 64 : i32
    %scan3A_1204 = arith.addi %scan3A_1202, %scan3A_1203 : i32
    %scan3A_1205 = arith.constant 1 : i32
    %scan3A_1206 = scf.for %scan3A_1226 = %scan3A_1202 to %scan3A_1204 step %scan3A_1205 iter_args(%scan3A_1227 = %scan3A_1201) -> (i32)  : i32 {
      %mul3A_1228 = arith.constant 128 : i32
      %mul3A_1229 = arith.muli %scan3A_1226, %mul3A_1228 : i32
      %get3A = arith.index_cast %mul3A_1229 : i32 to index
      %get3A_1230 = tpu.vector_load %arg14[%get3A] {strides = array<i32>} : memref<8192xi32, #tpu.memory_space<vmem>>, vector<16xi32>,
      %get3A_1231 = vector.shape_cast %get3A_1230 : vector<16xi32> to vector<16xi32>
      %slice3A = vector.extract_strided_slice %get3A_1231 {offsets = [0], sizes = [1], strides = [1]} : vector<16xi32> to vector<1xi32>
      %squeeze3A = vector.extract %slice3A[0] : i32 from vector<1xi32>
      %mul3A_1232 = arith.constant 128 : i32
      %mul3A_1233 = arith.muli %scan3A_1226, %mul3A_1232 : i32
      %add3A_1234 = arith.constant 128 : i32
      %add3A_1235 = arith.addi %mul3A_1233, %add3A_1234 : i32
      %sub3A = arith.constant 16 : i32
      %sub3A_1236 = arith.subi %add3A_1235, %sub3A : i32
      %get3A_1237 = arith.index_cast %sub3A_1236 : i32 to index
      %get3A_1238 = tpu.vector_load %arg14[%get3A_1237] {strides = array<i32>} : memref<8192xi32, #tpu.memory_space<vmem>>, vector<16xi32>,
      %get3A_1239 = vector.shape_cast %get3A_1238 : vector<16xi32> to vector<16xi32>
      %slice3A_1240 = vector.extract_strided_slice %get3A_1239 {offsets = [15], sizes = [1], strides = [1]} : vector<16xi32> to vector<1xi32>
      %squeeze3A_1241 = vector.extract %slice3A_1240[0] : i32 from vector<1xi32>
      %ge3A = arith.cmpi sge, %squeeze3A_1241, %mul3A_837 : i32
      %add3A_1242 = arith.constant 2048 : i32
      %add3A_1243 = arith.addi %mul3A_837, %add3A_1242 : i32
      %lt3A = arith.cmpi slt, %squeeze3A, %add3A_1243 : i32
      %and3A = arith.andi %ge3A, %lt3A : i1
      %convert_element_type3A = arith.extui %and3A : i1 to i32
      %cond3A = arith.constant 0 : i32
      %cond3A_1244 = arith.cmpi ne, %convert_element_type3A, %cond3A : i32
      scf.if %cond3A_1244 {
        %scan3A_1247 = arith.constant 0 : i32
        %scan3A_1248 = arith.constant 0 : i32
        %scan3A_1249 = arith.constant 8 : i32
        %scan3A_1250 = arith.addi %scan3A_1248, %scan3A_1249 : i32
        %scan3A_1251 = arith.constant 1 : i32
        scf.for %scan3A_1261 = %scan3A_1248 to %scan3A_1250 step %scan3A_1251  : i32 {
          %mul3A_1262 = arith.constant 128 : i32
          %mul3A_1263 = arith.muli %scan3A_1226, %mul3A_1262 : i32
          %mul3A_1264 = arith.constant 16 : i32
          %mul3A_1265 = arith.muli %scan3A_1261, %mul3A_1264 : i32
          %add3A_1266 = arith.addi %mul3A_1263, %mul3A_1265 : i32
          %get3A_1267 = arith.index_cast %add3A_1266 : i32 to index
          %get3A_1268 = tpu.vector_load %arg13[%get3A_1267] {strides = array<i32>} : memref<8192xf32, #tpu.memory_space<vmem>>, vector<16xf32>,
          %get3A_1269 = vector.shape_cast %get3A_1268 : vector<16xf32> to vector<16xf32>
          %add3A_1270 = arith.constant 2.000000e+00 : f32
          %add3A_1271 = vector.broadcast %add3A_1270 : f32 to vector<16xf32>
          %add3A_1272 = arith.addf %get3A_1269, %add3A_1271 : vector<16xf32>
          %div3A = arith.divf %get3A_1269, %add3A_1272 : vector<16xf32>
          %mul3A_1273 = arith.mulf %div3A, %div3A : vector<16xf32>
          %mul3A_1274 = arith.constant 0.0909090936 : f32
          %mul3A_1275 = vector.broadcast %mul3A_1274 : f32 to vector<16xf32>
          %mul3A_1276 = arith.mulf %mul3A_1273, %mul3A_1275 : vector<16xf32>
          %add3A_1277 = arith.constant 0.111111112 : f32
          %add3A_1278 = vector.broadcast %add3A_1277 : f32 to vector<16xf32>
          %add3A_1279 = arith.addf %add3A_1278, %mul3A_1276 : vector<16xf32>
          %mul3A_1280 = arith.mulf %mul3A_1273, %add3A_1279 : vector<16xf32>
          %add3A_1281 = arith.constant 0.142857149 : f32
          %add3A_1282 = vector.broadcast %add3A_1281 : f32 to vector<16xf32>
          %add3A_1283 = arith.addf %add3A_1282, %mul3A_1280 : vector<16xf32>
          %mul3A_1284 = arith.mulf %mul3A_1273, %add3A_1283 : vector<16xf32>
          %add3A_1285 = arith.constant 2.000000e-01 : f32
          %add3A_1286 = vector.broadcast %add3A_1285 : f32 to vector<16xf32>
          %add3A_1287 = arith.addf %add3A_1286, %mul3A_1284 : vector<16xf32>
          %mul3A_1288 = arith.mulf %mul3A_1273, %add3A_1287 : vector<16xf32>
          %add3A_1289 = arith.constant 0.333333343 : f32
          %add3A_1290 = vector.broadcast %add3A_1289 : f32 to vector<16xf32>
          %add3A_1291 = arith.addf %add3A_1290, %mul3A_1288 : vector<16xf32>
          %mul3A_1292 = arith.mulf %mul3A_1273, %add3A_1291 : vector<16xf32>
          %add3A_1293 = arith.constant 1.000000e+00 : f32
          %add3A_1294 = vector.broadcast %add3A_1293 : f32 to vector<16xf32>
          %add3A_1295 = arith.addf %add3A_1294, %mul3A_1292 : vector<16xf32>
          %mul3A_1296 = arith.constant 2.000000e+00 : f32
          %mul3A_1297 = vector.broadcast %mul3A_1296 : f32 to vector<16xf32>
          %mul3A_1298 = arith.mulf %mul3A_1297, %div3A : vector<16xf32>
          %mul3A_1299 = arith.mulf %mul3A_1298, %add3A_1295 : vector<16xf32>
          %get3A_1300 = arith.index_cast %add3A_1266 : i32 to index
          %get3A_1301 = tpu.vector_load %arg14[%get3A_1300] {strides = array<i32>} : memref<8192xi32, #tpu.memory_space<vmem>>, vector<16xi32>,
          %get3A_1302 = vector.shape_cast %get3A_1301 : vector<16xi32> to vector<16xi32>
          %get3A_1303 = arith.index_cast %add3A_1266 : i32 to index
          %get3A_1304 = tpu.vector_load %arg15[%get3A_1303] {strides = array<i32>} : memref<8192xi32, #tpu.memory_space<vmem>>, vector<16xi32>,
          %get3A_1305 = vector.shape_cast %get3A_1304 : vector<16xi32> to vector<16xi32>
          %sub3A_1306 = arith.constant 512 : i32
          %sub3A_1307 = vector.broadcast %sub3A_1306 : i32 to vector<16xi32>
          %sub3A_1308 = arith.subi %get3A_1305, %sub3A_1307 : vector<16xi32>
          %sub3A_1309 = vector.broadcast %mul3A_837 : i32 to vector<16xi32>
          %sub3A_1310 = arith.subi %get3A_1302, %sub3A_1309 : vector<16xi32>
          %ge3A_1311 = arith.constant 0 : i32
          %ge3A_1312 = vector.broadcast %ge3A_1311 : i32 to vector<16xi32>
          %ge3A_1313 = arith.cmpi sge, %sub3A_1310, %ge3A_1312 : vector<16xi32>
          %lt3A_1314 = arith.constant 2048 : i32
          %lt3A_1315 = vector.broadcast %lt3A_1314 : i32 to vector<16xi32>
          %lt3A_1316 = arith.cmpi slt, %sub3A_1310, %lt3A_1315 : vector<16xi32>
          %and3A_1317 = arith.andi %ge3A_1313, %lt3A_1316 : vector<16xi1>
          %ge3A_1318 = arith.constant 0 : i32
          %ge3A_1319 = vector.broadcast %ge3A_1318 : i32 to vector<16xi32>
          %ge3A_1320 = arith.cmpi sge, %sub3A_1308, %ge3A_1319 : vector<16xi32>
          %and3A_1321 = arith.andi %and3A_1317, %ge3A_1320 : vector<16xi1>
          %lt3A_1322 = arith.constant 512 : i32
          %lt3A_1323 = vector.broadcast %lt3A_1322 : i32 to vector<16xi32>
          %lt3A_1324 = arith.cmpi slt, %sub3A_1308, %lt3A_1323 : vector<16xi32>
          %and3A_1325 = arith.andi %and3A_1321, %lt3A_1324 : vector<16xi1>
          %mul3A_1326 = arith.constant 512 : i32
          %mul3A_1327 = vector.broadcast %mul3A_1326 : i32 to vector<16xi32>
          %mul3A_1328 = arith.muli %sub3A_1310, %mul3A_1327 : vector<16xi32>
          %add3A_1329 = arith.addi %mul3A_1328, %sub3A_1308 : vector<16xi32>
          %jit3A_1330 = arith.constant 1048576 : i32
          %broadcast_in_dim3A = vector.broadcast %jit3A_1330 : i32 to vector<16xi32>
          %select_n3A_1331 = arith.select %and3A_1325, %add3A_1329, %broadcast_in_dim3A : vector<16xi1>, vector<16xi32>
          %swap3A = arith.index_cast %add3A_1266 : i32 to index
          %swap3A_1332 = tpu.vector_load %arg16[%swap3A] {strides = array<i32>} : memref<8192xi32, #tpu.memory_space<vmem>>, vector<16xi32>,
          %swap3A_1333 = vector.shape_cast %swap3A_1332 : vector<16xi32> to vector<16xi32>
          %swap3A_1334 = vector.shape_cast %select_n3A_1331 : vector<16xi32> to vector<16xi32>
          tpu.vector_store %arg16[%swap3A], %swap3A_1334 {strides = array<i32>} : memref<8192xi32, #tpu.memory_space<vmem>>, vector<16xi32>,
          %jit3A_1335 = arith.constant 0.000000e+00 : f32
          %broadcast_in_dim3A_1336 = vector.broadcast %jit3A_1335 : f32 to vector<16xf32>
          %select_n3A_1337 = arith.select %and3A_1325, %mul3A_1299, %broadcast_in_dim3A_1336 : vector<16xi1>, vector<16xf32>
          %swap3A_1338 = arith.index_cast %add3A_1266 : i32 to index
          %swap3A_1339 = tpu.vector_load %arg17[%swap3A_1338] {strides = array<i32>} : memref<8192xf32, #tpu.memory_space<vmem>>, vector<16xf32>,
          %swap3A_1340 = vector.shape_cast %swap3A_1339 : vector<16xf32> to vector<16xf32>
          %swap3A_1341 = vector.shape_cast %select_n3A_1337 : vector<16xf32> to vector<16xf32>
          tpu.vector_store %arg17[%swap3A_1338], %swap3A_1341 {strides = array<i32>} : memref<8192xf32, #tpu.memory_space<vmem>>, vector<16xf32>,
        }
        %scan3A_1252 = arith.constant 8 : i32
        %mul3A_1253 = arith.constant 128 : i32
        %mul3A_1254 = arith.muli %scan3A_1226, %mul3A_1253 : i32
        %mul3A_1255 = arith.constant 128 : i32
        %mul3A_1256 = arith.muli %scan3A_1226, %mul3A_1255 : i32
        %dma_start3A_1257 = tpu.memref_slice %arg17[%mul3A_1254] : memref<8192xf32, #tpu.memory_space<vmem>> -> memref<128xf32, #tpu.memory_space<vmem>>
        %dma_start3A_1258 = tpu.memref_slice %arg16[%mul3A_1256] : memref<8192xi32, #tpu.memory_space<vmem>> -> memref<128xi32, #tpu.memory_space<vmem>>
        %dma_start3A_1259 = arith.constant 0 : i32
        %dma_start3A_1260 = tpu.memref_slice %arg21[%dma_start3A_1259] : memref<1048608xf32, #tpu.memory_space<vmem_shared>> -> memref<1048608xf32, #tpu.memory_space<vmem_shared>>
        tpu.enqueue_indirect_dma source(%dma_start3A_1257 : memref<128xf32, #tpu.memory_space<vmem>>) target(%dma_start3A_1260 : memref<1048608xf32, #tpu.memory_space<vmem_shared>>) offsets(%dma_start3A_1258 : memref<128xi32, #tpu.memory_space<vmem>>) semaphore(%arg24 : memref<!tpu.dma_semaphore, #tpu.memory_space<semaphore_mem>>) {add = true}
      } else {
      }
      %jit3A = arith.constant 1 : i32
      %jit3A_1245 = arith.constant 0 : i32
      %select_n3A = arith.select %and3A, %jit3A, %jit3A_1245 : i32
      %add3A_1246 = arith.addi %scan3A_1227, %select_n3A : i32
      scf.yield %add3A_1246 : i32
    }
    %scan3A_1207 = arith.constant 64 : i32
    %while3A_1208 = arith.constant 0 : i32
    %while3A_1209 = arith.constant 0 : i32
    %while3A_1210 = arith.subi %scan3A_1206, %while3A_1209 : i32
    %while3A_1211 = arith.addi %while3A_1209, %while3A_1210 : i32
    %while3A_1212 = arith.constant 1 : i32
    %while3A_1213 = arith.divsi %while3A_1210, %while3A_1212 : i32
    %while3A_1214 = arith.muli %while3A_1213, %while3A_1212 : i32
    %while3A_1215 = arith.addi %while3A_1209, %while3A_1214 : i32
    %while3A_1216 = arith.constant 1 : i32
    scf.for %while3A_1226 = %while3A_1209 to %while3A_1215 step %while3A_1216  : i32 {
      %dma_wait3A_1227 = arith.constant 0 : i32
      %dma_wait3A_1228 = tpu.memref_slice %arg17[%dma_wait3A_1227] : memref<8192xf32, #tpu.memory_space<vmem>> -> memref<128xf32, #tpu.memory_space<vmem>>
      %dma_wait3A_1229 = arith.constant 0 : i32
      %dma_wait3A_1230 = tpu.memref_slice %arg16[%dma_wait3A_1229] : memref<8192xi32, #tpu.memory_space<vmem>> -> memref<128xi32, #tpu.memory_space<vmem>>
      %dma_wait3A_1231 = arith.constant 0 : i32
      %dma_wait3A_1232 = tpu.memref_slice %arg21[%dma_wait3A_1231] : memref<1048608xf32, #tpu.memory_space<vmem_shared>> -> memref<1048608xf32, #tpu.memory_space<vmem_shared>>
      tpu.wait_indirect_dma semaphore(%arg24 : memref<!tpu.dma_semaphore, #tpu.memory_space<semaphore_mem>>) src(%dma_wait3A_1228 : memref<128xf32, #tpu.memory_space<vmem>>) dst(%dma_wait3A_1232 : memref<1048608xf32, #tpu.memory_space<vmem_shared>>)
    }
    %while3A_1217 = arith.constant 1 : i32
    scf.for %while3A_1226 = %while3A_1215 to %while3A_1211 step %while3A_1217  : i32 {
      %dma_wait3A_1227 = arith.constant 0 : i32
      %dma_wait3A_1228 = tpu.memref_slice %arg17[%dma_wait3A_1227] : memref<8192xf32, #tpu.memory_space<vmem>> -> memref<128xf32, #tpu.memory_space<vmem>>
      %dma_wait3A_1229 = arith.constant 0 : i32
      %dma_wait3A_1230 = tpu.memref_slice %arg16[%dma_wait3A_1229] : memref<8192xi32, #tpu.memory_space<vmem>> -> memref<128xi32, #tpu.memory_space<vmem>>
      %dma_wait3A_1231 = arith.constant 0 : i32
      %dma_wait3A_1232 = tpu.memref_slice %arg21[%dma_wait3A_1231] : memref<1048608xf32, #tpu.memory_space<vmem_shared>> -> memref<1048608xf32, #tpu.memory_space<vmem_shared>>
      tpu.wait_indirect_dma semaphore(%arg24 : memref<!tpu.dma_semaphore, #tpu.memory_space<semaphore_mem>>) src(%dma_wait3A_1228 : memref<128xf32, #tpu.memory_space<vmem>>) dst(%dma_wait3A_1232 : memref<1048608xf32, #tpu.memory_space<vmem_shared>>)
    }
    %barrier3A_1218 = arith.constant 0 : index
    tpu.barrier barrier_id(%barrier3A_1218)
    %mul3A_1219 = arith.constant 65536 : i32
    %mul3A_1220 = arith.muli %arg1, %mul3A_1219 : i32
    %mul3A_1221 = arith.constant 1048576 : i32
    %mul3A_1222 = arith.muli %arg0, %mul3A_1221 : i32
    %mul3A_1223 = arith.constant 65536 : i32
    %mul3A_1224 = arith.muli %arg1, %mul3A_1223 : i32
    %add3A_1225 = arith.addi %mul3A_1222, %mul3A_1224 : i32
    "tpu.region"() ({
      %run_scoped3A = tpu.sem_alloc : memref<!tpu.dma_semaphore, #tpu.memory_space<semaphore_mem>>
      %dma_start3A_1226 = tpu.memref_slice %arg10[%add3A_1225] : memref<2097152xf32, #tpu.memory_space<hbm>> -> memref<65536xf32, #tpu.memory_space<hbm>>
      %dma_start3A_1227 = tpu.memref_slice %arg21[%mul3A_1220] : memref<1048608xf32, #tpu.memory_space<vmem_shared>> -> memref<65536xf32, #tpu.memory_space<vmem_shared>>
      tpu.enqueue_dma source(%dma_start3A_1227 : memref<65536xf32, #tpu.memory_space<vmem_shared>>) target(%dma_start3A_1226 : memref<65536xf32, #tpu.memory_space<hbm>>) target_semaphore(%run_scoped3A : memref<!tpu.dma_semaphore, #tpu.memory_space<semaphore_mem>>)
      %dma_wait3A_1228 = tpu.memref_slice %arg10[%add3A_1225] : memref<2097152xf32, #tpu.memory_space<hbm>> -> memref<65536xf32, #tpu.memory_space<hbm>>
      %dma_wait3A_1229 = tpu.memref_slice %arg21[%mul3A_1220] : memref<1048608xf32, #tpu.memory_space<vmem_shared>> -> memref<65536xf32, #tpu.memory_space<vmem_shared>>
      tpu.wait_dma2 semaphore(%run_scoped3A : memref<!tpu.dma_semaphore, #tpu.memory_space<semaphore_mem>>) src(%dma_wait3A_1229 : memref<65536xf32, #tpu.memory_space<vmem_shared>>) dst(%dma_wait3A_1228 : memref<65536xf32, #tpu.memory_space<hbm>>)
      tpu.yield
    }) : () -> ()
    return
  }
}

module attributes {stable_mosaic.version = 14 : i64} {
  func.func @_mm_body(%arg0: i32, %arg1: memref<256x1024xf32, #tpu.memory_space<vmem>>, %arg2: memref<1024x1024xf32, #tpu.memory_space<vmem>>, %arg3: memref<256x1024xf32, #tpu.memory_space<vmem>>) attributes {dimension_semantics = [#tpu.dimension_semantics<arbitrary>], iteration_bounds = array<i64: 4>, scalar_prefetch = 0 : i64, scratch_operands = 0 : i64, tpu.core_type = #tpu.core_type<tc>, window_params = [{transform_indices = @transform_0, window_bounds = array<i64: 256, 1024>}, {pipeline_mode = #tpu.pipeline_mode<synchronous>, transform_indices = @transform_1, window_bounds = array<i64: 1024, 1024>}, {transform_indices = @transform_2, window_bounds = array<i64: 256, 1024>}]} {
    %get3A = arith.constant 0 : index
    %get3A_0 = arith.constant 0 : index
    %get3A_1 = vector.load %arg1[%get3A, %get3A_0] : memref<256x1024xf32, #tpu.memory_space<vmem>>, vector<256x1024xf32>
    %get3A_2 = arith.constant 0 : index
    %get3A_3 = arith.constant 0 : index
    %get3A_4 = vector.load %arg2[%get3A_2, %get3A_3] : memref<1024x1024xf32, #tpu.memory_space<vmem>>, vector<1024x1024xf32>
    %dot_general3A = arith.constant dense<0.000000e+00> : vector<256x1024xf32>
    %dot_general3A_5 = tpu.matmul %get3A_1, %get3A_4, %dot_general3A {dimension_numbers = #tpu.dot_dimension_numbers<[1], [0], [0], [1], [0, 0, 1, 1], [], []>, transpose_lhs_hint = false} : vector<256x1024xf32>, vector<1024x1024xf32>, vector<256x1024xf32> -> vector<256x1024xf32>
    %swap3A = arith.constant 0 : index
    %swap3A_6 = arith.constant 0 : index
    %swap3A_7 = vector.load %arg3[%swap3A, %swap3A_6] : memref<256x1024xf32, #tpu.memory_space<vmem>>, vector<256x1024xf32>
    tpu.vector_store %arg3[%swap3A, %swap3A_6], %dot_general3A_5 {strides = array<i32>} : memref<256x1024xf32, #tpu.memory_space<vmem>>, vector<256x1024xf32>,
    return
  }
  func.func @transform_0(%arg0: i32) -> (i32, i32) {
    %c0_i32 = arith.constant 0 : i32
    %c0_i32_0 = arith.constant 0 : i32
    return %arg0, %c0_i32 : i32, i32
  }
  func.func @transform_1(%arg0: i32) -> (i32, i32) {
    %c0_i32 = arith.constant 0 : i32
    %c0_i32_0 = arith.constant 0 : i32
    %c0_i32_1 = arith.constant 0 : i32
    return %c0_i32, %c0_i32_0 : i32, i32
  }
  func.func @transform_2(%arg0: i32) -> (i32, i32) {
    %c0_i32 = arith.constant 0 : i32
    %c0_i32_0 = arith.constant 0 : i32
    return %arg0, %c0_i32 : i32, i32
  }
}

module attributes {stable_mosaic.version = 14 : i64} {
  func.func @_fuse_body(%arg0: i32, %arg1: memref<256x512xf32, #tpu.memory_space<vmem>>, %arg2: memref<256x512xf32, #tpu.memory_space<vmem>>, %arg3: memref<512x1024xf32, #tpu.memory_space<vmem>>, %arg4: memref<512x1024xf32, #tpu.memory_space<vmem>>, %arg5: memref<1x1024xf32, #tpu.memory_space<vmem>>, %arg6: memref<1x1024xf32, #tpu.memory_space<vmem>>, %arg7: memref<1x1024xf32, #tpu.memory_space<vmem>>, %arg8: memref<1024x1024xf32, #tpu.memory_space<vmem>>, %arg9: memref<256x1024xf32, #tpu.memory_space<vmem>>, %arg10: memref<256x1024xf32, #tpu.memory_space<vmem>>, %arg11: memref<256x256xf32, #tpu.memory_space<vmem>>, %arg12: memref<256x256xf32, #tpu.memory_space<vmem>>, %arg13: memref<1x1024xf32, #tpu.memory_space<vmem>>, %arg14: memref<256x1024xf32, #tpu.memory_space<vmem>>) attributes {dimension_semantics = [#tpu.dimension_semantics<arbitrary>], iteration_bounds = array<i64: 16>, scalar_prefetch = 0 : i64, scratch_operands = 0 : i64, tpu.core_type = #tpu.core_type<tc>, window_params = [{transform_indices = @transform_0, window_bounds = array<i64: 256, 512>}, {transform_indices = @transform_1, window_bounds = array<i64: 256, 512>}, {pipeline_mode = #tpu.pipeline_mode<synchronous>, transform_indices = @transform_2, window_bounds = array<i64: 512, 1024>}, {pipeline_mode = #tpu.pipeline_mode<synchronous>, transform_indices = @transform_3, window_bounds = array<i64: 512, 1024>}, {pipeline_mode = #tpu.pipeline_mode<synchronous>, transform_indices = @transform_4, window_bounds = array<i64: 1, 1024>}, {pipeline_mode = #tpu.pipeline_mode<synchronous>, transform_indices = @transform_5, window_bounds = array<i64: 1, 1024>}, {pipeline_mode = #tpu.pipeline_mode<synchronous>, transform_indices = @transform_6, window_bounds = array<i64: 1, 1024>}, {pipeline_mode = #tpu.pipeline_mode<synchronous>, transform_indices = @transform_7, window_bounds = array<i64: 1024, 1024>}, {pipeline_mode = #tpu.pipeline_mode<synchronous>, transform_indices = @transform_8, window_bounds = array<i64: 256, 1024>}, {pipeline_mode = #tpu.pipeline_mode<synchronous>, transform_indices = @transform_9, window_bounds = array<i64: 256, 1024>}, {transform_indices = @transform_10, window_bounds = array<i64: 256, 256>}, {transform_indices = @transform_11, window_bounds = array<i64: 256, 256>}, {pipeline_mode = #tpu.pipeline_mode<synchronous>, transform_indices = @transform_12, window_bounds = array<i64: 1, 1024>}, {transform_indices = @transform_13, window_bounds = array<i64: 256, 1024>}]} {
    %get3A = arith.constant 0 : index
    %get3A_0 = arith.constant 0 : index
    %get3A_1 = vector.load %arg1[%get3A, %get3A_0] : memref<256x512xf32, #tpu.memory_space<vmem>>, vector<256x512xf32>
    %get3A_2 = arith.constant 0 : index
    %get3A_3 = arith.constant 0 : index
    %get3A_4 = vector.load %arg3[%get3A_2, %get3A_3] : memref<512x1024xf32, #tpu.memory_space<vmem>>, vector<512x1024xf32>
    %dot_general3A = arith.constant dense<0.000000e+00> : vector<256x1024xf32>
    %dot_general3A_5 = tpu.matmul %get3A_1, %get3A_4, %dot_general3A {dimension_numbers = #tpu.dot_dimension_numbers<[1], [0], [0], [1], [0, 0, 1, 1], [], []>, transpose_lhs_hint = false} : vector<256x512xf32>, vector<512x1024xf32>, vector<256x1024xf32> -> vector<256x1024xf32>
    %get3A_6 = arith.constant 0 : index
    %get3A_7 = arith.constant 0 : index
    %get3A_8 = vector.load %arg2[%get3A_6, %get3A_7] : memref<256x512xf32, #tpu.memory_space<vmem>>, vector<256x512xf32>
    %get3A_9 = arith.constant 0 : index
    %get3A_10 = arith.constant 0 : index
    %get3A_11 = vector.load %arg4[%get3A_9, %get3A_10] : memref<512x1024xf32, #tpu.memory_space<vmem>>, vector<512x1024xf32>
    %dot_general3A_12 = arith.constant dense<0.000000e+00> : vector<256x1024xf32>
    %dot_general3A_13 = tpu.matmul %get3A_8, %get3A_11, %dot_general3A_12 {dimension_numbers = #tpu.dot_dimension_numbers<[1], [0], [0], [1], [0, 0, 1, 1], [], []>, transpose_lhs_hint = false} : vector<256x512xf32>, vector<512x1024xf32>, vector<256x1024xf32> -> vector<256x1024xf32>
    %add3A = arith.addf %dot_general3A_5, %dot_general3A_13 : vector<256x1024xf32>
    %get3A_14 = arith.constant 0 : index
    %get3A_15 = arith.constant 0 : index
    %get3A_16 = vector.load %arg5[%get3A_14, %get3A_15] : memref<1x1024xf32, #tpu.memory_space<vmem>>, vector<1x1024xf32>
    %add3A_17 = vector.broadcast %get3A_16 : vector<1x1024xf32> to vector<256x1024xf32>
    %add3A_18 = arith.addf %add3A, %add3A_17 : vector<256x1024xf32>
    %max3A = arith.constant 0.000000e+00 : f32
    %max3A_19 = vector.broadcast %max3A : f32 to vector<256x1024xf32>
    %max3A_20 = arith.maximumf %add3A_18, %max3A_19 : vector<256x1024xf32>
    %reduce_sum3A = arith.constant dense<0.000000e+00> : vector<256xf32>
    %reduce_sum3A_21 = vector.multi_reduction <add>, %max3A_20, %reduce_sum3A [1] : vector<256x1024xf32> to vector<256xf32>
    %broadcast_in_dim3A = vector.shape_cast %reduce_sum3A_21 : vector<256xf32> to vector<256x1xf32>
    %div3A = arith.constant 1.024000e+03 : f32
    %div3A_22 = vector.broadcast %div3A : f32 to vector<256x1xf32>
    %div3A_23 = arith.divf %broadcast_in_dim3A, %div3A_22 : vector<256x1xf32>
    %sub3A = vector.broadcast %div3A_23 : vector<256x1xf32> to vector<256x1024xf32>
    %sub3A_24 = arith.subf %max3A_20, %sub3A : vector<256x1024xf32>
    %sub3A_25 = vector.broadcast %div3A_23 : vector<256x1xf32> to vector<256x1024xf32>
    %sub3A_26 = arith.subf %max3A_20, %sub3A_25 : vector<256x1024xf32>
    %mul3A = arith.mulf %sub3A_24, %sub3A_26 : vector<256x1024xf32>
    %reduce_sum3A_27 = arith.constant dense<0.000000e+00> : vector<256xf32>
    %reduce_sum3A_28 = vector.multi_reduction <add>, %mul3A, %reduce_sum3A_27 [1] : vector<256x1024xf32> to vector<256xf32>
    %broadcast_in_dim3A_29 = vector.shape_cast %reduce_sum3A_28 : vector<256xf32> to vector<256x1xf32>
    %div3A_30 = arith.constant 1.024000e+03 : f32
    %div3A_31 = vector.broadcast %div3A_30 : f32 to vector<256x1xf32>
    %div3A_32 = arith.divf %broadcast_in_dim3A_29, %div3A_31 : vector<256x1xf32>
    %sub3A_33 = vector.broadcast %div3A_23 : vector<256x1xf32> to vector<256x1024xf32>
    %sub3A_34 = arith.subf %max3A_20, %sub3A_33 : vector<256x1024xf32>
    %add3A_35 = arith.constant 9.99999974E-6 : f32
    %add3A_36 = vector.broadcast %add3A_35 : f32 to vector<256x1xf32>
    %add3A_37 = arith.addf %div3A_32, %add3A_36 : vector<256x1xf32>
    %rsqrt3A = math.rsqrt %add3A_37 : vector<256x1xf32>
    %mul3A_38 = vector.broadcast %rsqrt3A : vector<256x1xf32> to vector<256x1024xf32>
    %mul3A_39 = arith.mulf %sub3A_34, %mul3A_38 : vector<256x1024xf32>
    %get3A_40 = arith.constant 0 : index
    %get3A_41 = arith.constant 0 : index
    %get3A_42 = vector.load %arg6[%get3A_40, %get3A_41] : memref<1x1024xf32, #tpu.memory_space<vmem>>, vector<1x1024xf32>
    %mul3A_43 = vector.broadcast %get3A_42 : vector<1x1024xf32> to vector<256x1024xf32>
    %mul3A_44 = arith.mulf %mul3A_39, %mul3A_43 : vector<256x1024xf32>
    %get3A_45 = arith.constant 0 : index
    %get3A_46 = arith.constant 0 : index
    %get3A_47 = vector.load %arg7[%get3A_45, %get3A_46] : memref<1x1024xf32, #tpu.memory_space<vmem>>, vector<1x1024xf32>
    %add3A_48 = vector.broadcast %get3A_47 : vector<1x1024xf32> to vector<256x1024xf32>
    %add3A_49 = arith.addf %mul3A_44, %add3A_48 : vector<256x1024xf32>
    %get3A_50 = arith.constant 0 : index
    %get3A_51 = arith.constant 0 : index
    %get3A_52 = vector.load %arg8[%get3A_50, %get3A_51] : memref<1024x1024xf32, #tpu.memory_space<vmem>>, vector<1024x1024xf32>
    %dot_general3A_53 = arith.constant dense<0.000000e+00> : vector<256x1024xf32>
    %dot_general3A_54 = tpu.matmul %add3A_49, %get3A_52, %dot_general3A_53 {dimension_numbers = #tpu.dot_dimension_numbers<[1], [0], [0], [1], [0, 0, 1, 1], [], []>, transpose_lhs_hint = false} : vector<256x1024xf32>, vector<1024x1024xf32>, vector<256x1024xf32> -> vector<256x1024xf32>
    %get3A_55 = arith.constant 0 : index
    %get3A_56 = arith.constant 0 : index
    %get3A_57 = vector.load %arg11[%get3A_55, %get3A_56] : memref<256x256xf32, #tpu.memory_space<vmem>>, vector<256x256xf32>
    %get3A_58 = arith.constant 0 : index
    %get3A_59 = arith.constant 0 : index
    %get3A_60 = vector.load %arg9[%get3A_58, %get3A_59] : memref<256x1024xf32, #tpu.memory_space<vmem>>, vector<256x1024xf32>
    %dot_general3A_61 = arith.constant dense<0.000000e+00> : vector<256x1024xf32>
    %dot_general3A_62 = tpu.matmul %get3A_57, %get3A_60, %dot_general3A_61 {dimension_numbers = #tpu.dot_dimension_numbers<[1], [0], [0], [1], [0, 0, 1, 1], [], []>, transpose_lhs_hint = false} : vector<256x256xf32>, vector<256x1024xf32>, vector<256x1024xf32> -> vector<256x1024xf32>
    %add3A_63 = arith.addf %dot_general3A_54, %dot_general3A_62 : vector<256x1024xf32>
    %get3A_64 = arith.constant 0 : index
    %get3A_65 = arith.constant 0 : index
    %get3A_66 = vector.load %arg12[%get3A_64, %get3A_65] : memref<256x256xf32, #tpu.memory_space<vmem>>, vector<256x256xf32>
    %get3A_67 = arith.constant 0 : index
    %get3A_68 = arith.constant 0 : index
    %get3A_69 = vector.load %arg10[%get3A_67, %get3A_68] : memref<256x1024xf32, #tpu.memory_space<vmem>>, vector<256x1024xf32>
    %dot_general3A_70 = arith.constant dense<0.000000e+00> : vector<256x1024xf32>
    %dot_general3A_71 = tpu.matmul %get3A_66, %get3A_69, %dot_general3A_70 {dimension_numbers = #tpu.dot_dimension_numbers<[1], [0], [0], [1], [0, 0, 1, 1], [], []>, transpose_lhs_hint = false} : vector<256x256xf32>, vector<256x1024xf32>, vector<256x1024xf32> -> vector<256x1024xf32>
    %add3A_72 = arith.addf %add3A_63, %dot_general3A_71 : vector<256x1024xf32>
    %get3A_73 = arith.constant 0 : index
    %get3A_74 = arith.constant 0 : index
    %get3A_75 = vector.load %arg13[%get3A_73, %get3A_74] : memref<1x1024xf32, #tpu.memory_space<vmem>>, vector<1x1024xf32>
    %add3A_76 = vector.broadcast %get3A_75 : vector<1x1024xf32> to vector<256x1024xf32>
    %add3A_77 = arith.addf %add3A_72, %add3A_76 : vector<256x1024xf32>
    %swap3A = arith.constant 0 : index
    %swap3A_78 = arith.constant 0 : index
    %swap3A_79 = vector.load %arg14[%swap3A, %swap3A_78] : memref<256x1024xf32, #tpu.memory_space<vmem>>, vector<256x1024xf32>
    tpu.vector_store %arg14[%swap3A, %swap3A_78], %add3A_77 {strides = array<i32>} : memref<256x1024xf32, #tpu.memory_space<vmem>>, vector<256x1024xf32>,
    return
  }
  func.func @transform_0(%arg0: i32) -> (i32, i32) {
    %c0_i32 = arith.constant 0 : i32
    %c0_i32_0 = arith.constant 0 : i32
    return %arg0, %c0_i32 : i32, i32
  }
  func.func @transform_1(%arg0: i32) -> (i32, i32) {
    %c0_i32 = arith.constant 0 : i32
    %c0_i32_0 = arith.constant 0 : i32
    return %arg0, %c0_i32 : i32, i32
  }
  func.func @transform_2(%arg0: i32) -> (i32, i32) {
    %c0_i32 = arith.constant 0 : i32
    %c0_i32_0 = arith.constant 0 : i32
    %c0_i32_1 = arith.constant 0 : i32
    return %c0_i32, %c0_i32_0 : i32, i32
  }
  func.func @transform_3(%arg0: i32) -> (i32, i32) {
    %c0_i32 = arith.constant 0 : i32
    %c0_i32_0 = arith.constant 0 : i32
    %c0_i32_1 = arith.constant 0 : i32
    return %c0_i32, %c0_i32_0 : i32, i32
  }
  func.func @transform_4(%arg0: i32) -> (i32, i32) {
    %c0_i32 = arith.constant 0 : i32
    %c0_i32_0 = arith.constant 0 : i32
    %c0_i32_1 = arith.constant 0 : i32
    return %c0_i32, %c0_i32_0 : i32, i32
  }
  func.func @transform_5(%arg0: i32) -> (i32, i32) {
    %c0_i32 = arith.constant 0 : i32
    %c0_i32_0 = arith.constant 0 : i32
    %c0_i32_1 = arith.constant 0 : i32
    return %c0_i32, %c0_i32_0 : i32, i32
  }
  func.func @transform_6(%arg0: i32) -> (i32, i32) {
    %c0_i32 = arith.constant 0 : i32
    %c0_i32_0 = arith.constant 0 : i32
    %c0_i32_1 = arith.constant 0 : i32
    return %c0_i32, %c0_i32_0 : i32, i32
  }
  func.func @transform_7(%arg0: i32) -> (i32, i32) {
    %c0_i32 = arith.constant 0 : i32
    %c0_i32_0 = arith.constant 0 : i32
    %c0_i32_1 = arith.constant 0 : i32
    return %c0_i32, %c0_i32_0 : i32, i32
  }
  func.func @transform_8(%arg0: i32) -> (i32, i32) {
    %c0_i32 = arith.constant 0 : i32
    %c0_i32_0 = arith.constant 0 : i32
    %c0_i32_1 = arith.constant 0 : i32
    return %c0_i32, %c0_i32_0 : i32, i32
  }
  func.func @transform_9(%arg0: i32) -> (i32, i32) {
    %c0_i32 = arith.constant 0 : i32
    %c0_i32_0 = arith.constant 0 : i32
    %c0_i32_1 = arith.constant 0 : i32
    return %c0_i32, %c0_i32_0 : i32, i32
  }
  func.func @transform_10(%arg0: i32) -> (i32, i32) {
    %c0_i32 = arith.constant 0 : i32
    %c0_i32_0 = arith.constant 0 : i32
    return %arg0, %c0_i32 : i32, i32
  }
  func.func @transform_11(%arg0: i32) -> (i32, i32) {
    %c0_i32 = arith.constant 0 : i32
    %c0_i32_0 = arith.constant 0 : i32
    return %arg0, %c0_i32 : i32, i32
  }
  func.func @transform_12(%arg0: i32) -> (i32, i32) {
    %c0_i32 = arith.constant 0 : i32
    %c0_i32_0 = arith.constant 0 : i32
    %c0_i32_1 = arith.constant 0 : i32
    return %c0_i32, %c0_i32_0 : i32, i32
  }
  func.func @transform_13(%arg0: i32) -> (i32, i32) {
    %c0_i32 = arith.constant 0 : i32
    %c0_i32_0 = arith.constant 0 : i32
    return %arg0, %c0_i32 : i32, i32
  }
}

</mosaic_0001>

<sc_bundles>
// kernel: kernel.5.cloned.1.call-start
scs
__scs_entry_jumppad:
0x0: {  	(pc) =	sbr.rel $0x88, $3  }
0x1: {  	(tag) =	ssettag $0x0;
	lr =	simm.s32 $0x1  }
0x2: {  	[smem:$0x3F93] =	sst lr;
	_ =	strace $0xD0000000  }
0x3: {  	_ = 	snop  }
0x4: {  	_ = 	snop  }
0x5: {  	_ = 	snop  }
0x6: {  	_ = 	snop  }
0x7: {  	_ = 	snop  }
__scs_overlays_trampoline_lowered:
0x8: {  	[smem:$0x3FA2] =	sst s0  }
0x9: {  	[smem:$0x3FA3] =	sst s1  }
0xa: {  	[smem:$0x3FA4] =	sst s2  }
0xb: {  	[smem:$0x3FA5] =	sst s3  }
0xc: {  	[smem:$0x3FA6] =	sst s4  }
0xd: {  	[smem:$0x3FA7] =	sst s5  }
0xe: {  	[smem:$0x3FA8] =	sst s6  }
0xf: {  	[smem:$0x3FA9] =	sst s7  }
0x10: {  	[smem:$0x3FAA] =	sst s8  }
0x11: {  	[smem:$0x3FAB] =	sst s9;
	s0 =	simm.s32 @!p0 $0x0  }
0x12: {  	s1 =	sld [smem:$0x3F91];
	s0 =	simm.s32 @p0 $0x1  }
0x13: {  	[smem:$0x3FAC] =	sst s0;
	s0 =	simm.s32 @!p1 $0x0  }
0x14: {  	s2 =	sld [smem:$0x3F90];
	s0 =	simm.s32 @p1 $0x1  }
0x15: {  	[smem:$0x3FAD] =	sst s0;
	s0 =	simm.s32 @!p2 $0x0  }
0x16: {  	s3 =	sld [smem:$0x3FDB];
	s0 =	simm.s32 @p2 $0x1  }
0x17: {  	s4 =	simm.s32 $0x1BF5;
	[smem:$0x3FAF] =	sst s0  }
0x18: {  	s0 =	sld [smem:$0x3F92];
	_ =	swait.ge [sflag:s4], $0x0  }
0x19: {  	s7 =	sld [smem:$0x3F93]  }
0x1a: {  	s8 =	sadd.s32 $0xFFFFE003, lr  }
0x1b: {  	s9 =	sadd.s32 $0xFFFFFEF7, lr;
	s5 =	simm.s32 $0xFFFFFFFF;
	p2 =	slt.u32 s8, $0xFFFFF086  }
0x1c: {  	p1 =	slt.u32 s9, $0xF7A;
	s5 =	simm.s32 @!p2 $0x0  }
0x1d: {  	s5 =	simm.s32 @p1 $0x1;
	p0 =	seq.s32 s7, s2  }
0x1e: {  	s7 =	smul.u32 @!p0 $0xF7A, s2;
	p2 =	seq.s32 @!p0 s5, $0x0  }
0x1f: {  	s9 =	smul.u32 $0xF7A, s1;
	s8 =	simm.s32 @!p0 $0x1BF5;
	p2 =	por !p2, p0  }
0x20: {  	[sflag:s8] =	ssyncset.s32 @!p0 $0xFFFFF086;
	s6 =	sadd.s32 @!p0 s3, s7;
	s7 =	simm.s32 @!p0 $0x108  }
0x21: {  	s3 =	sadd.s32 s3, s9;
	s6 =	sadd.s32 @!p0 $0x88, s6;
	s7 =	simm.s32 @p2 $0x1082  }
0x22: {  	[simem:s7], [sflag:s8] =	dma.local @!p0 [hbm:s6], $0xF7A  }
0x23: {  	s9 =	sor.u32 $0xD0000000, s2;
	s6 =	simm.s32 $0x108;
	_ =	swait.ge @!p0 [sflag:s8], $0x0  }
0x24: {  	s3 =	sadd.s32 $0x88, s3;
	s6 =	simm.s32 @!p1 $0x1082;
	[sflag:s4] =	ssyncset.s32 $0xFFFFF086  }
0x25: {  	[simem:s6], [sflag:s4] =	dma.local [hbm:s3], $0xF7A  }
0x26: {  	[smem:$0x3F93] =	sst s1;
	(tag) =	ssettag s2;
	_ =	strace s9  }
0x27: {  	s1 =	sld [smem:$0x3FA3]  }
0x28: {  	s2 =	sld [smem:$0x3FA4]  }
0x29: {  	s4 =	sld [smem:$0x3FA6]  }
0x2a: {  	p0 =	seq.s32 s5, $0x0;
	s5 =	sld [smem:$0x3FA7]  }
0x2b: {  	s6 =	sld [smem:$0x3FA8]  }
0x2c: {  	s7 =	sld [smem:$0x3FA9]  }
0x2d: {  	s3 =	simm.s32 $0x108;
	s8 =	sld [smem:$0x3FAA]  }
0x2e: {  	s3 =	simm.s32 @!p0 $0x1082;
	s9 =	sld [smem:$0x3FAB]  }
0x2f: {  	lr =	sadd.s32 s0, s3;
	s0 =	sld [smem:$0x3FA2]  }
0x30: {  	s3 =	sld [smem:$0x3FA5]  }
0x31: {  	[smem:$0x3FAE] =	sst s10  }
0x32: {  	s10 =	sld [smem:$0x3FAC];
	_ =	sdelay $0x3  }
0x33: {  	p0 =	seq.s32 s10, $0x1;
	s10 =	sld [smem:$0x3FAE];
	_ =	sdelay $0x3  }
0x34: {  	[smem:$0x3FAE] =	sst s10  }
0x35: {  	s10 =	sld [smem:$0x3FAD];
	_ =	sdelay $0x3  }
0x36: {  	p1 =	seq.s32 s10, $0x1;
	s10 =	sld [smem:$0x3FAE];
	_ =	sdelay $0x3  }
0x37: {  	[smem:$0x3FAE] =	sst s10  }
0x38: {  	s10 =	sld [smem:$0x3FAF]  }
0x39: {  	_ = 	snop;
	(pc) =	sbr.ind lr, $3  }
0x3a: {  	_ = 	snop  }
0x3b: {  	_ = 	snop  }
0x3c: {  	p2 =	seq.s32 s10, $0x1;
	s10 =	sld [smem:$0x3FAE]  }
0x3d: {  	_ =	shalt  }
0x3e: {  	_ =	shalt  }
0x3f: {  	_ =	shalt  }
0x40: {  	_ =	shalt  }
0x41: {  	_ =	shalt  }
0x42: {  	_ =	shalt  }
0x43: {  	_ =	shalt  }
0x44: {  	_ =	shalt  }
0x45: {  	_ =	shalt  }
0x46: {  	_ =	shalt  }
0x47: {  	_ =	shalt  }
0x48: {  	_ =	shalt  }
0x49: {  	_ =	shalt  }
0x4a: {  	_ =	shalt  }
0x4b: {  	_ =	shalt  }
0x4c: {  	_ =	shalt  }
0x4d: {  	_ =	shalt  }
0x4e: {  	_ =	shalt  }
0x4f: {  	_ =	shalt  }
0x50: {  	_ =	shalt  }
0x51: {  	_ =	shalt  }
0x52: {  	_ =	shalt  }
0x53: {  	_ =	shalt  }
0x54: {  	_ =	shalt  }
0x55: {  	_ =	shalt  }
0x56: {  	_ =	shalt  }
0x57: {  	_ =	shalt  }
0x58: {  	_ =	shalt  }
0x59: {  	_ =	shalt  }
0x5a: {  	_ =	shalt  }
0x5b: {  	_ =	shalt  }
0x5c: {  	_ =	shalt  }
0x5d: {  	_ =	shalt  }
0x5e: {  	_ =	shalt  }
0x5f: {  	_ =	shalt  }
0x60: {  	_ =	shalt  }
0x61: {  	_ =	shalt  }
0x62: {  	_ =	shalt  }
0x63: {  	_ =	shalt  }
0x64: {  	_ =	shalt  }
0x65: {  	_ =	shalt  }
0x66: {  	_ =	shalt  }
0x67: {  	_ =	shalt  }
0x68: {  	_ =	shalt  }
0x69: {  	_ =	shalt  }
0x6a: {  	_ =	shalt  }
0x6b: {  	_ =	shalt  }
0x6c: {  	_ =	shalt  }
0x6d: {  	_ =	shalt  }
0x6e: {  	_ =	shalt  }
0x6f: {  	_ =	shalt  }
0x70: {  	_ =	shalt  }
0x71: {  	_ =	shalt  }
0x72: {  	_ =	shalt  }
0x73: {  	_ =	shalt  }
0x74: {  	_ =	shalt  }
0x75: {  	_ =	shalt  }
0x76: {  	_ =	shalt  }
0x77: {  	_ =	shalt  }
0x78: {  	_ =	shalt  }
0x79: {  	_ =	shalt  }
0x7a: {  	_ =	shalt  }
0x7b: {  	_ =	shalt  }
0x7c: {  	_ =	shalt  }
0x7d: {  	_ =	shalt  }
0x7e: {  	_ =	shalt  }
0x7f: {  	_ =	shalt  }
0x80: {  	_ =	shalt  }
0x81: {  	_ =	shalt  }
0x82: {  	_ =	shalt  }
0x83: {  	_ =	shalt  }
0x84: {  	_ =	shalt  }
0x85: {  	_ =	shalt  }
0x86: {  	_ =	shalt  }
0x87: {  	_ =	shalt  }
.Lfunc_end0:
.L_simem_size_0:
called_computation_lowered:
.L_overlay_start_0:
0x88: {  	s2 =	sld [smem:$0x3FD9]  }
0x89: {  	s3 =	sld [smem:$0x3FFE];
	_ =	sdelay $0x1  }
0x8a: {  	s1 =	srdreg.scid  }
0x8b: {  	s0 =	sand.u32 $0x1, s1  }
0x8c: {  	s17 =	sshll.u32 s0, $0xA;
	s2 =	sadd.s32 s3, s2  }
0x8d: {  	s2 =	sadd.s32 s2, s17  }
0x8e: {  	[smem:$0x3FBA] =	sst s2  }
0x8f: {  	_ = 	snop  }
0x90: {  	s2 =	sld [smem:$0x3FC9]  }
0x91: {  	s18 =	sld [smem:$0x3FC8]  }
0x92: {  	s4 =	sld [smem:$0x3FC7]  }
0x93: {  	s5 =	sld [smem:$0x3FC6]  }
0x94: {  	s6 =	sld [smem:$0x3FC5]  }
0x95: {  	s7 =	sld [smem:$0x3FBF]  }
0x96: {  	s8 =	sld [smem:$0x3FBE]  }
0x97: {  	s9 =	sld [smem:$0x3FD0];
	(tm) =	ssettm $0x1  }
0x98: {  	s10 =	sld [smem:$0x3FFB];
	_ =	sdelay $0x3  }
0x99: {  	_ =	strace s10  }
0x9a: {  	s10 =	sld [smem:$0x3FFC];
	_ =	sdelay $0x3  }
0x9b: {  	_ =	strace s10  }
0x9c: {  	s10 =	sld [smem:$0x3FFD];
	_ =	sdelay $0x3  }
0x9d: {  	_ =	strace s10  }
0x9e: {  	_ =	strace $0x8FFFFFFF  }
0x9f: {  	s19 =	sld [smem:$0x3FDB];
	_ =	sdelay $0x1  }
0xa0: {  	s11 =	simm.s32 $_scs_section_size  }
0xa1: {  	s12 =	simm.s32 $_size__tile_overlayer_lowered;
	s13 =	simm.s32 $_tile_overlayer_lowered  }
0xa2: {  	s22 =	simm.s32 $0x1BFF;
	s21 =	sshll.u32 s13, $0x1;
	s10 =	sadd.s32 s11, s19  }
0xa3: {  	s14 =	simm.s32 $0x0;
	s20 =	sshll.u32 s12, $0x1;
	s12 =	sadd.s32 s21, s10  }
0xa4: {  	[timem:s14], [sflag:s22] =	dma.local [hbm:s12], s20  }
0xa5: {  	_ =	swait.ge [sflag:s22], s20  }
0xa6: {  	s11 =	ssub.s32 $0x0, s20;
	[sflag:s22] =	ssyncset.done $0x0  }
0xa7: {  	[sflag:s22] =	ssyncadd.s32 s11;
	_ =	sdelay $0x1  }
0xa8: {  	s23 =	simm.s32 $0x1B8B  }
0xa9: {  	_ =	swait.ge [sflag:s23], $0x1  }
0xaa: {  	[sflag:s23] =	ssyncset.done $0x0  }
0xab: {  	s25 =	simm.s32 $0x1B8E;
	s24 =	sld [smem:$0x3FFE];
	[sflag:s23] =	ssyncadd.s32 $0xFFFFFFFF  }
0xac: {  	s26 =	simm.s32 $execute0_lowered;
	[smem:$0x3FD2] =	sst s25  }
0xad: {  	s12 =	sshll.u32 s26, $0x1;
	_ =	strace $0x80000046;
	[dreg:$0x1] =	wrdreg $0xFFFFFFFF  }
0xae: {  	s28 =	simm.s32 $_size_execute0_lowered;
	s10 =	sadd.s32 s10, s12;
	[dreg:$0x0] =	wrdreg $0x0  }
0xaf: {  	s12 =	sshll.u32 s28, $0x1;
	[dreg:$0x2] =	wrdreg s10  }
0xb0: {  	[dreg:$0x3] =	wrdreg s12  }
0xb1: {  	[dreg:$0x4] =	wrdreg $0xC0  }
0xb2: {  	_ =	task [dreg:s14], $0x5FFFF  }
0xb3: {  	[dreg:$0x1] =	wrdreg $0xFFFFFFFF  }
0xb4: {  	[dreg:$0x0] =	wrdreg $0x60  }
0xb5: {  	[dreg:$0x2] =	wrdreg s2  }
0xb6: {  	[dreg:$0x3] =	wrdreg s18  }
0xb7: {  	[dreg:$0x4] =	wrdreg s4  }
0xb8: {  	[dreg:$0x5] =	wrdreg s5  }
0xb9: {  	[dreg:$0x6] =	wrdreg s6  }
0xba: {  	[dreg:$0x7] =	wrdreg s7  }
0xbb: {  	[dreg:$0x8] =	wrdreg s8  }
0xbc: {  	[dreg:$0x9] =	wrdreg s9  }
0xbd: {  	[dreg:$0xa] =	wrdreg s24  }
0xbe: {  	[dreg:$0xb] =	wrdreg $0xF0800  }
0xbf: {  	[dreg:$0xc] =	wrdreg $0x9  }
0xc0: {  	_ =	task.clear_ibuf [dreg:s14], $0xDFFFF;
	_ =	strace $0x90000046  }
0xc1: {  	s29 =	simm.s32 $0x9;
	_ =	strace $0x80000048  }
0xc2: {  	_ =	swait.ge [sflag:s29], $0x1  }
0xc3: {  	[sflag:s29] =	ssyncadd.s32 $0xFFFFFFFF  }
0xc4: {  	_ =	strace $0x90000048  }
0xc5: {  	_ =	sfence  }
0xc6: {  	s30 =	sld [smem:$0x0];
	_ =	sdelay $0x2  }
0xc7: {  	s31 =	sshll.u32 s1, $0xD;
	s1 =	sshrl.u32 s1, $0x2  }
0xc8: {  	s3 =	sand.u32 $0x4000, s31;
	s1 =	sadd.s32 s1, s30  }
0xc9: {  	s0 =	sor.u32 s3, s0;
	s1 =	sshll.u32 s1, $0x11  }
0xca: {  	s0 =	sor.u32 s1, s0  }
0xcb: {  	s0 =	sadd.s32 $0x8F2B, s0  }
0xcc: {  	[sflag:s0] =	ssyncadd.remote.s32 $0x1  }
0xcd: {  	_ =	sfence.sel $0xFFFF  }
0xce: {  	[dreg:$0x0] =	wrdreg $0xFFFFFFFF;
	(pc) =	sbr.abs _section_cstart, $3  }
0xcf: {  	[dreg:$0x1] =	wrdreg $0xFFFFFFFF  }
0xd0: {  	_ =	task.clear_ibuf [dreg:s14], $0x2FFFF;
	_ =	strace $0x9FFFFFFF  }
0xd1: {  	(tm) =	ssettm $0x7FFFFFFF  }
tec
execute0_lowered:
.L_overlay_start_1:
0x0: {  	(tag) =	ssettag $0x1  }
0x1: {  	s6 =	rddreg [dreg:$0x0]  }
0x2: {  	s3 =	rddreg [dreg:$0x1]  }
0x3: {  	s1 =	rddreg [dreg:$0x2]  }
0x4: {  	s10 =	rddreg [dreg:$0x3]  }
0x5: {  	s11 =	rddreg [dreg:$0x4]  }
0x6: {  	s0 =	rddreg [dreg:$0x5]  }
0x7: {  	s2 =	rddreg [dreg:$0x6]  }
0x8: {  	s13 =	rddreg [dreg:$0x7];
	s4 =	srdreg.scid  }
0x9: {  	s12 =	rddreg [dreg:$0x8];
	s18 =	stileid.u32  }
0xa: {  	s5 =	simm.s32 $0x0;
	s7 =	sand.u32 $0x1, s4;
	s4 =	rddreg [dreg:$0x9]  }
0xb: {  	s8 =	sshll.u32 s18, $0x10;
	[smem:$0x7FF] =	sst s5  }
0xc: {  	s16 =	sadd.s32 $0x42000, s12;
	s17 =	sadd.s32 $0x62000, s12;
	s20 =	sshll.u32 s18, $0x6  }
0xd: {  	s18 =	sshll.u32 s18, $0x8;
	s9 =	sshll.u32 s7, $0x14;
	s19 =	sshll.u32 s7, $0x7  }
0xe: {  	_ =	strace $0x80000047;
	s15 =	ssub.s32 $0x2, s7;
	s18 =	sor.u32 s19, s18  }
0xf: {  	[dreg:$0xb] =	wrdreg s20;
	s9 =	sor.u32 s8, s9;
	s28 =	sshrl.u32 s18, $0x3  }
0x10: {  	s25 =	sshrl.u32 s15, $0x1;
	s14 =	sshrl.u32 s9, $0x3;
	s10 =	sadd.s32 s10, s28  }
0x11: {  	s18 =	sshll.u32 s18, $0x5;
	s11 =	sadd.s32 s11, s28;
	[dreg:$0xe] =	wrdreg s10  }
0x12: {  	s9 =	sadd.s32 s14, s12;
	s23 =	sadd.s32 s16, s18;
	[dreg:$0xf] =	wrdreg s11  }
0x13: {  	s12 =	ssub.s32 s15, s25;
	s25 =	sadd.s32 s17, s18;
	[dreg:$0x10] =	wrdreg s23  }
0x14: {  	s15 =	sor.u32 $0x400, s20;
	s13 =	sadd.s32 s13, s14;
	[dreg:$0x12] =	wrdreg s25  }
0x15: {  	s26 =	sadd.s32 s6, s15;
	[dreg:$0x15] =	wrdreg s13  }
0x16: {  	s22 =	sor.u32 $0x800, s18;
	s21 =	sadd.s32 s3, s15;
	[dreg:$0xc] =	wrdreg s26  }
0x17: {  	s24 =	sadd.s32 s16, s22;
	[dreg:$0xd] =	wrdreg s21  }
0x18: {  	s10 =	sadd.s32 s17, s22;
	[dreg:$0x11] =	wrdreg s24  }
0x19: {  	s19 =	sor.u32 $0x1000, s20;
	s28 =	sadd.s32 s1, s15;
	[dreg:$0x13] =	wrdreg s10  }
0x1a: {  	s23 =	sadd.s32 s3, s19;
	[dreg:$0x14] =	wrdreg s28  }
0x1b: {  	s11 =	sadd.s32 s1, s19;
	[dreg:$0x1d] =	wrdreg s23  }
0x1c: {  	s16 =	sor.u32 $0xC00, s20;
	s9 =	sadd.s32 $0x2000, s9;
	[dreg:$0x1e] =	wrdreg s11  }
0x1d: {  	s17 =	sadd.s32 s6, s16;
	[smem:$0x7EF] =	sst s9  }
0x1e: {  	s18 =	sadd.s32 s3, s16;
	[dreg:$0x19] =	wrdreg s17  }
0x1f: {  	s22 =	sor.u32 $0x1400, s20;
	s21 =	sadd.s32 s6, s19;
	[dreg:$0x1a] =	wrdreg s18  }
0x20: {  	s24 =	sadd.s32 s6, s22;
	[dreg:$0x1c] =	wrdreg s21  }
0x21: {  	s26 =	sor.u32 $0x800, s20;
	s25 =	sadd.s32 s3, s22;
	[dreg:$0x1f] =	wrdreg s24  }
0x22: {  	s14 =	sadd.s32 s6, s26;
	[smem:$0x7CC] =	sst s25  }
0x23: {  	s15 =	sadd.s32 s3, s26;
	[dreg:$0x16] =	wrdreg s14  }
0x24: {  	s10 =	sadd.s32 s1, s26;
	[dreg:$0x17] =	wrdreg s15  }
0x25: {  	s26 =	sor.u32 $0x1800, s20;
	[dreg:$0x18] =	wrdreg s10;
	s10 =	sadd.s32 s1, s16  }
0x26: {  	s28 =	sadd.s32 s6, s26;
	[dreg:$0x1b] =	wrdreg s10  }
0x27: {  	s21 =	sor.u32 $0x2400, s20;
	s13 =	sadd.s32 s3, s26;
	[smem:$0x7CE] =	sst s28  }
0x28: {  	s24 =	sor.u32 $0x2800, s20;
	s23 =	sadd.s32 s3, s21;
	[smem:$0x7CF] =	sst s13  }
0x29: {  	s25 =	sadd.s32 s6, s24;
	[smem:$0x7D8] =	sst s23  }
0x2a: {  	s14 =	sor.u32 $0x1C00, s20;
	s10 =	sadd.s32 s1, s22;
	[smem:$0x7DA] =	sst s25  }
0x2b: {  	s15 =	sadd.s32 s6, s14;
	[smem:$0x7CD] =	sst s10  }
0x2c: {  	s17 =	sadd.s32 s3, s14;
	[smem:$0x7D1] =	sst s15  }
0x2d: {  	s16 =	sor.u32 $0x2000, s20;
	s11 =	sadd.s32 s1, s14;
	[smem:$0x7D2] =	sst s17  }
0x2e: {  	s18 =	sadd.s32 s6, s16;
	[smem:$0x7D3] =	sst s11  }
0x2f: {  	s19 =	sadd.s32 s3, s16;
	[smem:$0x7D4] =	sst s18  }
0x30: {  	s22 =	sadd.s32 s6, s21;
	[smem:$0x7D5] =	sst s19  }
0x31: {  	s28 =	sadd.s32 s3, s24;
	[smem:$0x7D7] =	sst s22  }
0x32: {  	s10 =	sadd.s32 s1, s26;
	[smem:$0x7DB] =	sst s28  }
0x33: {  	s11 =	sadd.s32 s1, s24;
	[smem:$0x7D0] =	sst s10  }
0x34: {  	s28 =	sadd.s32 s3, s20;
	[smem:$0x7DC] =	sst s11  }
0x35: {  	s26 =	sor.u32 $0x2C00, s20;
	s10 =	sadd.s32 s1, s16;
	[smem:$0x7EB] =	sst s28  }
0x36: {  	s13 =	sadd.s32 s6, s26;
	[smem:$0x7D6] =	sst s10  }
0x37: {  	s15 =	sor.u32 $0x3000, s20;
	s14 =	sadd.s32 s3, s26;
	[smem:$0x7DD] =	sst s13  }
0x38: {  	s16 =	sadd.s32 s6, s15;
	[smem:$0x7DE] =	sst s14  }
0x39: {  	s18 =	sor.u32 $0x3400, s20;
	s17 =	sadd.s32 s3, s15;
	[smem:$0x7E0] =	sst s16  }
0x3a: {  	s19 =	sadd.s32 s6, s18;
	[smem:$0x7E1] =	sst s17  }
0x3b: {  	s22 =	sadd.s32 s3, s18;
	[smem:$0x7E3] =	sst s19  }
0x3c: {  	s11 =	sadd.s32 s1, s18;
	[smem:$0x7E4] =	sst s22  }
0x3d: {  	s10 =	sadd.s32 s1, s21;
	[smem:$0x7E5] =	sst s11  }
0x3e: {  	s13 =	smax.u32 s12, $0x1;
	[smem:$0x7D9] =	sst s10  }
0x3f: {  	s21 =	sor.u32 $0x3800, s20;
	s10 =	sadd.s32 s1, s26;
	[smem:$0x7F0] =	sst s13  }
0x40: {  	s23 =	sadd.s32 s6, s21;
	[smem:$0x7DF] =	sst s10  }
0x41: {  	s24 =	sadd.s32 s3, s21;
	[smem:$0x7E6] =	sst s23  }
0x42: {  	s25 =	sor.u32 $0x3C00, s20;
	s26 =	sadd.s32 s6, s20;
	[smem:$0x7E7] =	sst s24  }
0x43: {  	s6 =	sadd.s32 s6, s25;
	[smem:$0x7E9] =	sst s26  }
0x44: {  	s3 =	sadd.s32 s3, s25;
	[smem:$0x7EA] =	sst s6  }
0x45: {  	s10 =	sadd.s32 s1, s15;
	[smem:$0x7EC] =	sst s3  }
0x46: {  	s6 =	sadd.s32 s1, s25;
	[smem:$0x7E2] =	sst s10  }
0x47: {  	s10 =	sadd.s32 s1, s21;
	[smem:$0x7ED] =	sst s6  }
0x48: {  	s1 =	sadd.s32 s1, s20;
	[smem:$0x7E8] =	sst s10;
	s10 =	sadd.s32 s8, s4  }
0x49: {  	[smem:$0x7EE] =	sst s1;
	s14 =	sadd.s32 $0x3000, s10  }
0x4a: {  	s15 =	sadd.s32 $0x4000, s10;
	[smem:$0x7F1] =	sst s14  }
0x4b: {  	s16 =	sadd.s32 $0x5000, s10;
	[smem:$0x7F2] =	sst s15  }
0x4c: {  	s31 =	simm.s32 $0xA000;
	s18 =	sadd.s32 $0x6000, s10;
	[smem:$0x7F3] =	sst s16  }
0x4d: {  	s9 =	simm.s32 $0x5;
	s19 =	sadd.s32 $0x7000, s10;
	[smem:$0x7F4] =	sst s18  }
0x4e: {  	s11 =	sshll.u32 s7, $0xB;
	s20 =	sadd.s32 $0x8000, s10;
	[smem:$0x7F5] =	sst s19  }
0x4f: {  	s7 =	simm.s32 $0x80;
	s21 =	sadd.s32 $0x9000, s10;
	[smem:$0x7F6] =	sst s20  }
0x50: {  	s30 =	sadd.s32 $0x800, s11;
	s22 =	sadd.s32 $0xA000, s10;
	[smem:$0x7F7] =	sst s21  }
0x51: {  	s3 =	simm.s32 $0x1;
	s23 =	sadd.s32 $0xB000, s10;
	[smem:$0x7F8] =	sst s22  }
.Ltmp0:
0x52: {  	s24 =	sadd.s32 $0xC000, s10;
	[smem:$0x7F9] =	sst s23;
	(pc) =	sbr.rel .LBB2_1-.Ltmp0, $4  }
0x53: {  	s1 =	simm.s32 $0x4;
	s25 =	sadd.s32 $0xD000, s10;
	[smem:$0x7FA] =	sst s24  }
0x54: {  	v4 =	vlaneseq.u32;
	v1 =	vimm.f32 $0.0e+00;
	vm0 =	vmmov $0xffff;
	s17 =	sadd.s32 $0x1000, s10;
	s26 =	sadd.s32 $0xE000, s10;
	[smem:$0x7FB] =	sst s25  }
0x55: {  	v5 =	vshrl.u32 v4, $0x3;
	v2 =	vand.u32 $0x7, v4;
	v4 =	vor.u32 $0x8, v4;
	s29 =	sadd.s32 $0x2000, s10;
	s28 =	sadd.s32 $0xF000, s10;
	[smem:$0x7FC] =	sst s26  }
0x56: {  	v3 =	vmul.u32 $0x2, v5;
	v5 =	vmul.u32 $0x8, v5;
	v0 =	vmov s11;
	[smem:$0x7FD] =	sst s28;
	s19 =	simm.s32 $0x3;
	s20 =	simm.s32 $0x0  }
.LBB2_22:
0x57: {  	[sflag:s19] =	ssyncadd.s32 $0xFFFFFF80  }
.LBB2_23:
0x58: {  	[bflag:$0x0] =	sbarrier.arrive $0xFFFF  }
0x59: {  	s6 =	sld [smem:$0x7EF];
	_ =	sdelay $0x2  }
0x5a: {  	[hbm:s6], [sflag:s21] =	dma.local [spmem:s22], $0x2000  }
0x5b: {  	_ =	swait.ge [sflag:s9], $0x2000  }
0x5c: {  	s28 =	sld [smem:$0x7F0];
	_ =	sdelay $0x1  }
0x5d: {  	s20 =	sadd.s32 $0x1, s20  }
0x5e: {  	p0 =	sne.s32 s20, s28  }
.Ltmp1:
0x5f: {  	_ = 	snop;
	(pc) =	sbr.rel @!p0 .LBB2_24-.Ltmp1, $3  }
0x60: {  	_ =	sdelay $0x1  }
0x61: {  	[sflag:s9] =	ssyncset.done $0x0  }
0x62: {  	[sflag:s9] =	ssyncadd.s32 $0xFFFFE000  }
.LBB2_1:
0x63: {  	s6 =	sld [smem:$0x7E9];
	_ =	sdelay $0x1  }
0x64: {  	s16 =	sld [smem:$0x7EB]  }
0x65: {  	[tilespmem:s5], [sflag:$0x1] =	stream.linear.gather [hbm4b:s6+s5], $0x200, $0x38;
	[tilespmem:$0x1F088] =	vst v63  }
0x66: {  	s8 =	simm.s32 $0x2000;
	s18 =	sld [smem:$0x7EE]  }
0x67: {  	[tilespmem:s8], [sflag:$0x1] =	stream.linear.gather [hbm4b:s16+s5], $0x200, $0x38;
	[tilespmem:$0x1F088] =	vst v63  }
0x68: {  	s21 =	simm.s32 $0x4000;
	s22 =	rddreg [dreg:$0xc]  }
0x69: {  	[tilespmem:s21], [sflag:$0x1] =	stream.linear.gather [hbm4b:s18+s5], $0x200, $0x38;
	[tilespmem:$0x1F088] =	vst v63  }
0x6a: {  	s23 =	simm.s32 $0x200;
	s24 =	rddreg [dreg:$0xd]  }
0x6b: {  	[tilespmem:s23], [sflag:$0x1] =	stream.linear.gather [hbm4b:s22+s5], $0x200, $0x38;
	[tilespmem:$0x1F088] =	vst v63  }
0x6c: {  	s25 =	simm.s32 $0x2200;
	s26 =	rddreg [dreg:$0x14]  }
0x6d: {  	[tilespmem:s25], [sflag:$0x1] =	stream.linear.gather [hbm4b:s24+s5], $0x200, $0x38;
	[tilespmem:$0x1F088] =	vst v63  }
0x6e: {  	s28 =	simm.s32 $0x4200;
	s13 =	rddreg [dreg:$0x17]  }
0x6f: {  	[tilespmem:s28], [sflag:$0x1] =	stream.linear.gather [hbm4b:s26+s5], $0x200, $0x38;
	[tilespmem:$0x1F088] =	vst v63  }
0x70: {  	s12 =	simm.s32 $0x400;
	s8 =	rddreg [dreg:$0x16]  }
0x71: {  	[tilespmem:s12], [sflag:$0x1] =	stream.linear.gather [hbm4b:s8+s5], $0x200, $0x38;
	[tilespmem:$0x1F088] =	vst v63  }
0x72: {  	s14 =	simm.s32 $0x2400;
	s15 =	rddreg [dreg:$0x18]  }
0x73: {  	[tilespmem:s14], [sflag:$0x1] =	stream.linear.gather [hbm4b:s13+s5], $0x200, $0x38;
	[tilespmem:$0x1F088] =	vst v63  }
0x74: {  	s16 =	simm.s32 $0x4400;
	s18 =	rddreg [dreg:$0x19]  }
0x75: {  	[tilespmem:s16], [sflag:$0x1] =	stream.linear.gather [hbm4b:s15+s5], $0x200, $0x38;
	[tilespmem:$0x1F088] =	vst v63  }
0x76: {  	s21 =	simm.s32 $0x600;
	s22 =	rddreg [dreg:$0x1a]  }
0x77: {  	[tilespmem:s21], [sflag:$0x1] =	stream.linear.gather [hbm4b:s18+s5], $0x200, $0x38;
	[tilespmem:$0x1F088] =	vst v63  }
0x78: {  	s23 =	simm.s32 $0x2600;
	s24 =	rddreg [dreg:$0x1b]  }
0x79: {  	[tilespmem:s23], [sflag:$0x1] =	stream.linear.gather [hbm4b:s22+s5], $0x200, $0x38;
	[tilespmem:$0x1F088] =	vst v63  }
0x7a: {  	s25 =	simm.s32 $0x4600;
	s26 =	rddreg [dreg:$0x1c]  }
0x7b: {  	[tilespmem:s25], [sflag:$0x1] =	stream.linear.gather [hbm4b:s24+s5], $0x200, $0x38;
	[tilespmem:$0x1F088] =	vst v63  }
0x7c: {  	s28 =	simm.s32 $0x800;
	s8 =	rddreg [dreg:$0x1d]  }
0x7d: {  	[tilespmem:s28], [sflag:$0x1] =	stream.linear.gather [hbm4b:s26+s5], $0x200, $0x38;
	[tilespmem:$0x1F088] =	vst v63  }
0x7e: {  	s12 =	simm.s32 $0x2800;
	s13 =	rddreg [dreg:$0x1e]  }
0x7f: {  	[tilespmem:s12], [sflag:$0x1] =	stream.linear.gather [hbm4b:s8+s5], $0x200, $0x38;
	[tilespmem:$0x1F088] =	vst v63  }
0x80: {  	s14 =	simm.s32 $0x4800;
	s15 =	rddreg [dreg:$0x1f]  }
0x81: {  	[tilespmem:s14], [sflag:$0x1] =	stream.linear.gather [hbm4b:s13+s5], $0x200, $0x38;
	[tilespmem:$0x1F088] =	vst v63  }
0x82: {  	s16 =	simm.s32 $0xA00;
	s18 =	sld [smem:$0x7CC]  }
0x83: {  	[tilespmem:s16], [sflag:$0x1] =	stream.linear.gather [hbm4b:s15+s5], $0x200, $0x38;
	[tilespmem:$0x1F088] =	vst v63  }
0x84: {  	s21 =	simm.s32 $0x2A00;
	s22 =	sld [smem:$0x7CD]  }
0x85: {  	[tilespmem:s21], [sflag:$0x1] =	stream.linear.gather [hbm4b:s18+s5], $0x200, $0x38;
	[tilespmem:$0x1F088] =	vst v63  }
0x86: {  	s23 =	simm.s32 $0x4A00;
	s24 =	sld [smem:$0x7CE]  }
0x87: {  	[tilespmem:s23], [sflag:$0x1] =	stream.linear.gather [hbm4b:s22+s5], $0x200, $0x38;
	[tilespmem:$0x1F088] =	vst v63  }
0x88: {  	s25 =	simm.s32 $0xC00;
	s26 =	sld [smem:$0x7CF]  }
0x89: {  	[tilespmem:s25], [sflag:$0x1] =	stream.linear.gather [hbm4b:s24+s5], $0x200, $0x38;
	[tilespmem:$0x1F088] =	vst v63  }
0x8a: {  	s28 =	simm.s32 $0x2C00;
	s8 =	sld [smem:$0x7D0]  }
0x8b: {  	[tilespmem:s28], [sflag:$0x1] =	stream.linear.gather [hbm4b:s26+s5], $0x200, $0x38;
	[tilespmem:$0x1F088] =	vst v63  }
0x8c: {  	s12 =	simm.s32 $0x4C00;
	s13 =	sld [smem:$0x7D1]  }
0x8d: {  	[tilespmem:s12], [sflag:$0x1] =	stream.linear.gather [hbm4b:s8+s5], $0x200, $0x38;
	[tilespmem:$0x1F088] =	vst v63  }
0x8e: {  	s14 =	simm.s32 $0xE00;
	s15 =	sld [smem:$0x7D2]  }
0x8f: {  	[tilespmem:s14], [sflag:$0x1] =	stream.linear.gather [hbm4b:s13+s5], $0x200, $0x38;
	[tilespmem:$0x1F088] =	vst v63  }
0x90: {  	s16 =	simm.s32 $0x2E00;
	s18 =	sld [smem:$0x7D3]  }
0x91: {  	[tilespmem:s16], [sflag:$0x1] =	stream.linear.gather [hbm4b:s15+s5], $0x200, $0x38;
	[tilespmem:$0x1F088] =	vst v63  }
0x92: {  	s21 =	simm.s32 $0x4E00;
	s22 =	sld [smem:$0x7D4]  }
0x93: {  	[tilespmem:s21], [sflag:$0x1] =	stream.linear.gather [hbm4b:s18+s5], $0x200, $0x38;
	[tilespmem:$0x1F088] =	vst v63  }
0x94: {  	s23 =	simm.s32 $0x1000;
	s24 =	sld [smem:$0x7D5]  }
0x95: {  	[tilespmem:s23], [sflag:$0x1] =	stream.linear.gather [hbm4b:s22+s5], $0x200, $0x38;
	[tilespmem:$0x1F088] =	vst v63  }
0x96: {  	s25 =	simm.s32 $0x3000;
	s26 =	sld [smem:$0x7D6]  }
0x97: {  	[tilespmem:s25], [sflag:$0x1] =	stream.linear.gather [hbm4b:s24+s5], $0x200, $0x38;
	[tilespmem:$0x1F088] =	vst v63  }
0x98: {  	s28 =	simm.s32 $0x5000;
	s8 =	sld [smem:$0x7D7]  }
0x99: {  	[tilespmem:s28], [sflag:$0x1] =	stream.linear.gather [hbm4b:s26+s5], $0x200, $0x38;
	[tilespmem:$0x1F088] =	vst v63  }
0x9a: {  	s12 =	simm.s32 $0x1200;
	s13 =	sld [smem:$0x7D8]  }
0x9b: {  	[tilespmem:s12], [sflag:$0x1] =	stream.linear.gather [hbm4b:s8+s5], $0x200, $0x38;
	[tilespmem:$0x1F088] =	vst v63  }
0x9c: {  	s14 =	simm.s32 $0x3200;
	s15 =	sld [smem:$0x7D9]  }
0x9d: {  	[tilespmem:s14], [sflag:$0x1] =	stream.linear.gather [hbm4b:s13+s5], $0x200, $0x38;
	[tilespmem:$0x1F088] =	vst v63  }
0x9e: {  	s16 =	simm.s32 $0x5200;
	s18 =	sld [smem:$0x7DA]  }
0x9f: {  	[tilespmem:s16], [sflag:$0x1] =	stream.linear.gather [hbm4b:s15+s5], $0x200, $0x38;
	[tilespmem:$0x1F088] =	vst v63  }
0xa0: {  	s21 =	simm.s32 $0x1400;
	s22 =	sld [smem:$0x7DB]  }
0xa1: {  	[tilespmem:s21], [sflag:$0x1] =	stream.linear.gather [hbm4b:s18+s5], $0x200, $0x38;
	[tilespmem:$0x1F088] =	vst v63  }
0xa2: {  	s23 =	simm.s32 $0x3400;
	s24 =	sld [smem:$0x7DC]  }
0xa3: {  	[tilespmem:s23], [sflag:$0x1] =	stream.linear.gather [hbm4b:s22+s5], $0x200, $0x38;
	[tilespmem:$0x1F088] =	vst v63  }
0xa4: {  	s25 =	simm.s32 $0x5400;
	s26 =	sld [smem:$0x7DD]  }
0xa5: {  	[tilespmem:s25], [sflag:$0x1] =	stream.linear.gather [hbm4b:s24+s5], $0x200, $0x38;
	[tilespmem:$0x1F088] =	vst v63  }
0xa6: {  	s28 =	simm.s32 $0x1600;
	s8 =	sld [smem:$0x7DE]  }
0xa7: {  	[tilespmem:s28], [sflag:$0x1] =	stream.linear.gather [hbm4b:s26+s5], $0x200, $0x38;
	[tilespmem:$0x1F088] =	vst v63  }
0xa8: {  	s12 =	simm.s32 $0x3600;
	s13 =	sld [smem:$0x7DF]  }
0xa9: {  	[tilespmem:s12], [sflag:$0x1] =	stream.linear.gather [hbm4b:s8+s5], $0x200, $0x38;
	[tilespmem:$0x1F088] =	vst v63  }
0xaa: {  	s14 =	simm.s32 $0x5600;
	s15 =	sld [smem:$0x7E0]  }
0xab: {  	[tilespmem:s14], [sflag:$0x1] =	stream.linear.gather [hbm4b:s13+s5], $0x200, $0x38;
	[tilespmem:$0x1F088] =	vst v63  }
0xac: {  	s16 =	simm.s32 $0x1800;
	s18 =	sld [smem:$0x7E1]  }
0xad: {  	[tilespmem:s16], [sflag:$0x1] =	stream.linear.gather [hbm4b:s15+s5], $0x200, $0x38;
	[tilespmem:$0x1F088] =	vst v63  }
0xae: {  	s21 =	simm.s32 $0x3800;
	s22 =	sld [smem:$0x7E2]  }
0xaf: {  	[tilespmem:s21], [sflag:$0x1] =	stream.linear.gather [hbm4b:s18+s5], $0x200, $0x38;
	[tilespmem:$0x1F088] =	vst v63  }
0xb0: {  	s23 =	simm.s32 $0x5800;
	s24 =	sld [smem:$0x7E3]  }
0xb1: {  	[tilespmem:s23], [sflag:$0x1] =	stream.linear.gather [hbm4b:s22+s5], $0x200, $0x38;
	[tilespmem:$0x1F088] =	vst v63  }
0xb2: {  	s25 =	simm.s32 $0x1A00;
	s26 =	sld [smem:$0x7E4]  }
0xb3: {  	[tilespmem:s25], [sflag:$0x1] =	stream.linear.gather [hbm4b:s24+s5], $0x200, $0x38;
	[tilespmem:$0x1F088] =	vst v63  }
0xb4: {  	s28 =	simm.s32 $0x3A00;
	s8 =	sld [smem:$0x7E5]  }
0xb5: {  	[tilespmem:s28], [sflag:$0x1] =	stream.linear.gather [hbm4b:s26+s5], $0x200, $0x38;
	[tilespmem:$0x1F088] =	vst v63  }
0xb6: {  	s12 =	simm.s32 $0x5A00;
	s13 =	sld [smem:$0x7E6]  }
0xb7: {  	[tilespmem:s12], [sflag:$0x1] =	stream.linear.gather [hbm4b:s8+s5], $0x200, $0x38;
	[tilespmem:$0x1F088] =	vst v63  }
0xb8: {  	s14 =	simm.s32 $0x1C00;
	s15 =	sld [smem:$0x7E7]  }
0xb9: {  	[tilespmem:s14], [sflag:$0x1] =	stream.linear.gather [hbm4b:s13+s5], $0x200, $0x38;
	[tilespmem:$0x1F088] =	vst v63  }
0xba: {  	s16 =	simm.s32 $0x3C00;
	s18 =	sld [smem:$0x7E8]  }
0xbb: {  	[tilespmem:s16], [sflag:$0x1] =	stream.linear.gather [hbm4b:s15+s5], $0x200, $0x38;
	[tilespmem:$0x1F088] =	vst v63  }
0xbc: {  	s21 =	simm.s32 $0x5C00;
	s22 =	sld [smem:$0x7EA]  }
0xbd: {  	[tilespmem:s21], [sflag:$0x1] =	stream.linear.gather [hbm4b:s18+s5], $0x200, $0x38;
	[tilespmem:$0x1F088] =	vst v63  }
0xbe: {  	s23 =	simm.s32 $0x1E00;
	s24 =	sld [smem:$0x7EC]  }
0xbf: {  	[tilespmem:s23], [sflag:$0x1] =	stream.linear.gather [hbm4b:s22+s5], $0x200, $0x38;
	[tilespmem:$0x1F088] =	vst v63  }
0xc0: {  	s25 =	simm.s32 $0x3E00;
	s26 =	sld [smem:$0x7ED]  }
0xc1: {  	[tilespmem:s25], [sflag:$0x1] =	stream.linear.gather [hbm4b:s24+s5], $0x200, $0x38;
	[tilespmem:$0x1F088] =	vst v63  }
0xc2: {  	s6 =	simm.s32 $0x40;
	s28 =	simm.s32 $0x5E00;
	s8 =	simm.s32 $0x0  }
0xc3: {  	[tilespmem:s28], [sflag:$0x1] =	stream.linear.gather [hbm4b:s26+s5], $0x200, $0x38;
	[tilespmem:$0x1F088] =	vst v63  }
.LBB2_2:
0xc4: {  	p0 =	sne.s32 s6, $0x3FC0;
	[tilespmem:s8+$0xA000] =	vst v1;
	s8 =	smov.u32 s6;
	s6 =	sadd.s32 $0x40, s6  }
.Ltmp2:
0xc5: {  	(pc) =	sbr.rel @p0 .LBB2_2-.Ltmp2, $2  }
0xc6: {  	_ =	sdelay $0x2  }
0xc7: {  	s8 =	sshra.s32 s8, $0x2  }
0xc8: {  	[tilespmem:s8+$0xA000] =	vst v1  }
0xc9: {  	[spmem:s10] =	stream.linear.scatter [tilespmem:s31], [sflag:$0x4], $0x1000, $0x38;
	[tilespmem:$0x1F088] =	vst v63  }
0xca: {  	_ = 	snop  }
0xcb: {  	[spmem:s17] =	stream.linear.scatter [tilespmem:s31], [sflag:$0x4], $0x1000, $0x38;
	[tilespmem:$0x1F088] =	vst v63  }
0xcc: {  	s6 =	sld [smem:$0x7F1]  }
0xcd: {  	[spmem:s29] =	stream.linear.scatter [tilespmem:s31], [sflag:$0x4], $0x1000, $0x38;
	[tilespmem:$0x1F088] =	vst v63  }
0xce: {  	s13 =	sld [smem:$0x7F2]  }
0xcf: {  	[spmem:s6] =	stream.linear.scatter [tilespmem:s31], [sflag:$0x4], $0x1000, $0x38;
	[tilespmem:$0x1F088] =	vst v63  }
0xd0: {  	s14 =	sld [smem:$0x7F3]  }
0xd1: {  	[spmem:s13] =	stream.linear.scatter [tilespmem:s31], [sflag:$0x4], $0x1000, $0x38;
	[tilespmem:$0x1F088] =	vst v63  }
0xd2: {  	s15 =	sld [smem:$0x7F4]  }
0xd3: {  	[spmem:s14] =	stream.linear.scatter [tilespmem:s31], [sflag:$0x4], $0x1000, $0x38;
	[tilespmem:$0x1F088] =	vst v63  }
0xd4: {  	s16 =	sld [smem:$0x7F5]  }
0xd5: {  	[spmem:s15] =	stream.linear.scatter [tilespmem:s31], [sflag:$0x4], $0x1000, $0x38;
	[tilespmem:$0x1F088] =	vst v63  }
0xd6: {  	s18 =	sld [smem:$0x7F6]  }
0xd7: {  	[spmem:s16] =	stream.linear.scatter [tilespmem:s31], [sflag:$0x4], $0x1000, $0x38;
	[tilespmem:$0x1F088] =	vst v63  }
0xd8: {  	s21 =	sld [smem:$0x7F7]  }
0xd9: {  	[spmem:s18] =	stream.linear.scatter [tilespmem:s31], [sflag:$0x4], $0x1000, $0x38;
	[tilespmem:$0x1F088] =	vst v63  }
0xda: {  	s22 =	sld [smem:$0x7F8]  }
0xdb: {  	[spmem:s21] =	stream.linear.scatter [tilespmem:s31], [sflag:$0x4], $0x1000, $0x38;
	[tilespmem:$0x1F088] =	vst v63  }
0xdc: {  	s23 =	sld [smem:$0x7F9]  }
0xdd: {  	[spmem:s22] =	stream.linear.scatter [tilespmem:s31], [sflag:$0x4], $0x1000, $0x38;
	[tilespmem:$0x1F088] =	vst v63  }
0xde: {  	s24 =	sld [smem:$0x7FA]  }
0xdf: {  	[spmem:s23] =	stream.linear.scatter [tilespmem:s31], [sflag:$0x4], $0x1000, $0x38;
	[tilespmem:$0x1F088] =	vst v63  }
0xe0: {  	s25 =	sld [smem:$0x7FB]  }
0xe1: {  	[spmem:s24] =	stream.linear.scatter [tilespmem:s31], [sflag:$0x4], $0x1000, $0x38;
	[tilespmem:$0x1F088] =	vst v63  }
0xe2: {  	s26 =	sld [smem:$0x7FC]  }
0xe3: {  	[spmem:s25] =	stream.linear.scatter [tilespmem:s31], [sflag:$0x4], $0x1000, $0x38;
	[tilespmem:$0x1F088] =	vst v63  }
0xe4: {  	s28 =	sld [smem:$0x7FD]  }
0xe5: {  	[spmem:s26] =	stream.linear.scatter [tilespmem:s31], [sflag:$0x4], $0x1000, $0x38;
	[tilespmem:$0x1F088] =	vst v63  }
0xe6: {  	_ = 	snop  }
0xe7: {  	[spmem:s28] =	stream.linear.scatter [tilespmem:s31], [sflag:$0x4], $0x1000, $0x38;
	[tilespmem:$0x1F088] =	vst v63  }
0xe8: {  	_ =	swait.ge [sflag:s3], $0x200  }
0xe9: {  	[sflag:s3] =	ssyncset.done $0x0  }
0xea: {  	[sflag:s3] =	ssyncadd.s32 $0xFFFFFE00  }
0xeb: {  	_ =	swait.ge [sflag:s3], $0x200  }
0xec: {  	[sflag:s3] =	ssyncset.done $0x0  }
0xed: {  	[sflag:s3] =	ssyncadd.s32 $0xFFFFFE00  }
0xee: {  	_ =	swait.ge [sflag:s3], $0x200  }
0xef: {  	[sflag:s3] =	ssyncset.done $0x0  }
0xf0: {  	[sflag:s3] =	ssyncadd.s32 $0xFFFFFE00  }
0xf1: {  	_ =	swait.ge [sflag:s3], $0x200  }
0xf2: {  	[sflag:s3] =	ssyncset.done $0x0  }
0xf3: {  	[sflag:s3] =	ssyncadd.s32 $0xFFFFFE00  }
0xf4: {  	_ =	swait.ge [sflag:s3], $0x200  }
0xf5: {  	[sflag:s3] =	ssyncset.done $0x0  }
0xf6: {  	[sflag:s3] =	ssyncadd.s32 $0xFFFFFE00  }
0xf7: {  	_ =	swait.ge [sflag:s3], $0x200  }
0xf8: {  	[sflag:s3] =	ssyncset.done $0x0  }
0xf9: {  	[sflag:s3] =	ssyncadd.s32 $0xFFFFFE00  }
0xfa: {  	_ =	swait.ge [sflag:s3], $0x200  }
0xfb: {  	[sflag:s3] =	ssyncset.done $0x0  }
0xfc: {  	[sflag:s3] =	ssyncadd.s32 $0xFFFFFE00  }
0xfd: {  	_ =	swait.ge [sflag:s3], $0x200  }
0xfe: {  	[sflag:s3] =	ssyncset.done $0x0  }
0xff: {  	[sflag:s3] =	ssyncadd.s32 $0xFFFFFE00  }
0x100: {  	_ =	swait.ge [sflag:s3], $0x200  }
0x101: {  	[sflag:s3] =	ssyncset.done $0x0  }
0x102: {  	[sflag:s3] =	ssyncadd.s32 $0xFFFFFE00  }
0x103: {  	_ =	swait.ge [sflag:s3], $0x200  }
0x104: {  	[sflag:s3] =	ssyncset.done $0x0  }
0x105: {  	[sflag:s3] =	ssyncadd.s32 $0xFFFFFE00  }
0x106: {  	_ =	swait.ge [sflag:s3], $0x200  }
0x107: {  	[sflag:s3] =	ssyncset.done $0x0  }
0x108: {  	[sflag:s3] =	ssyncadd.s32 $0xFFFFFE00  }
0x109: {  	_ =	swait.ge [sflag:s3], $0x200  }
0x10a: {  	[sflag:s3] =	ssyncset.done $0x0  }
0x10b: {  	[sflag:s3] =	ssyncadd.s32 $0xFFFFFE00  }
0x10c: {  	_ =	swait.ge [sflag:s3], $0x200  }
0x10d: {  	[sflag:s3] =	ssyncset.done $0x0  }
0x10e: {  	[sflag:s3] =	ssyncadd.s32 $0xFFFFFE00  }
0x10f: {  	_ =	swait.ge [sflag:s3], $0x200  }
0x110: {  	[sflag:s3] =	ssyncset.done $0x0  }
0x111: {  	[sflag:s3] =	ssyncadd.s32 $0xFFFFFE00  }
0x112: {  	_ =	swait.ge [sflag:s3], $0x200  }
0x113: {  	[sflag:s3] =	ssyncset.done $0x0  }
0x114: {  	[sflag:s3] =	ssyncadd.s32 $0xFFFFFE00  }
0x115: {  	_ =	swait.ge [sflag:s3], $0x200  }
0x116: {  	[sflag:s3] =	ssyncset.done $0x0  }
0x117: {  	[sflag:s3] =	ssyncadd.s32 $0xFFFFFE00  }
0x118: {  	_ =	swait.ge [sflag:s3], $0x200  }
0x119: {  	[sflag:s3] =	ssyncset.done $0x0  }
0x11a: {  	[sflag:s3] =	ssyncadd.s32 $0xFFFFFE00  }
0x11b: {  	_ =	swait.ge [sflag:s3], $0x200  }
0x11c: {  	[sflag:s3] =	ssyncset.done $0x0  }
0x11d: {  	[sflag:s3] =	ssyncadd.s32 $0xFFFFFE00  }
0x11e: {  	_ =	swait.ge [sflag:s3], $0x200  }
0x11f: {  	[sflag:s3] =	ssyncset.done $0x0  }
0x120: {  	[sflag:s3] =	ssyncadd.s32 $0xFFFFFE00  }
0x121: {  	_ =	swait.ge [sflag:s3], $0x200  }
0x122: {  	[sflag:s3] =	ssyncset.done $0x0  }
0x123: {  	[sflag:s3] =	ssyncadd.s32 $0xFFFFFE00  }
0x124: {  	_ =	swait.ge [sflag:s3], $0x200  }
0x125: {  	[sflag:s3] =	ssyncset.done $0x0  }
0x126: {  	[sflag:s3] =	ssyncadd.s32 $0xFFFFFE00  }
0x127: {  	_ =	swait.ge [sflag:s3], $0x200  }
0x128: {  	[sflag:s3] =	ssyncset.done $0x0  }
0x129: {  	[sflag:s3] =	ssyncadd.s32 $0xFFFFFE00  }
0x12a: {  	_ =	swait.ge [sflag:s3], $0x200  }
0x12b: {  	[sflag:s3] =	ssyncset.done $0x0  }
0x12c: {  	[sflag:s3] =	ssyncadd.s32 $0xFFFFFE00  }
0x12d: {  	_ =	swait.ge [sflag:s3], $0x200  }
0x12e: {  	[sflag:s3] =	ssyncset.done $0x0  }
0x12f: {  	[sflag:s3] =	ssyncadd.s32 $0xFFFFFE00  }
0x130: {  	_ =	swait.ge [sflag:s3], $0x200  }
0x131: {  	[sflag:s3] =	ssyncset.done $0x0  }
0x132: {  	[sflag:s3] =	ssyncadd.s32 $0xFFFFFE00  }
0x133: {  	_ =	swait.ge [sflag:s3], $0x200  }
0x134: {  	[sflag:s3] =	ssyncset.done $0x0  }
0x135: {  	[sflag:s3] =	ssyncadd.s32 $0xFFFFFE00  }
0x136: {  	_ =	swait.ge [sflag:s3], $0x200  }
0x137: {  	[sflag:s3] =	ssyncset.done $0x0  }
0x138: {  	[sflag:s3] =	ssyncadd.s32 $0xFFFFFE00  }
0x139: {  	_ =	swait.ge [sflag:s3], $0x200  }
0x13a: {  	[sflag:s3] =	ssyncset.done $0x0  }
0x13b: {  	[sflag:s3] =	ssyncadd.s32 $0xFFFFFE00  }
0x13c: {  	_ =	swait.ge [sflag:s3], $0x200  }
0x13d: {  	[sflag:s3] =	ssyncset.done $0x0  }
0x13e: {  	[sflag:s3] =	ssyncadd.s32 $0xFFFFFE00  }
0x13f: {  	_ =	swait.ge [sflag:s3], $0x200  }
0x140: {  	[sflag:s3] =	ssyncset.done $0x0  }
0x141: {  	[sflag:s3] =	ssyncadd.s32 $0xFFFFFE00  }
0x142: {  	_ =	swait.ge [sflag:s3], $0x200  }
0x143: {  	[sflag:s3] =	ssyncset.done $0x0  }
0x144: {  	[sflag:s3] =	ssyncadd.s32 $0xFFFFFE00  }
0x145: {  	_ =	swait.ge [sflag:s3], $0x200  }
0x146: {  	[sflag:s3] =	ssyncset.done $0x0  }
0x147: {  	[sflag:s3] =	ssyncadd.s32 $0xFFFFFE00  }
0x148: {  	_ =	swait.ge [sflag:s3], $0x200  }
0x149: {  	[sflag:s3] =	ssyncset.done $0x0  }
0x14a: {  	[sflag:s3] =	ssyncadd.s32 $0xFFFFFE00  }
0x14b: {  	_ =	swait.ge [sflag:s3], $0x200  }
0x14c: {  	[sflag:s3] =	ssyncset.done $0x0  }
0x14d: {  	[sflag:s3] =	ssyncadd.s32 $0xFFFFFE00  }
0x14e: {  	_ =	swait.ge [sflag:s3], $0x200  }
0x14f: {  	[sflag:s3] =	ssyncset.done $0x0  }
0x150: {  	[sflag:s3] =	ssyncadd.s32 $0xFFFFFE00  }
0x151: {  	_ =	swait.ge [sflag:s3], $0x200  }
0x152: {  	[sflag:s3] =	ssyncset.done $0x0  }
0x153: {  	[sflag:s3] =	ssyncadd.s32 $0xFFFFFE00  }
0x154: {  	_ =	swait.ge [sflag:s3], $0x200  }
0x155: {  	[sflag:s3] =	ssyncset.done $0x0  }
0x156: {  	[sflag:s3] =	ssyncadd.s32 $0xFFFFFE00  }
0x157: {  	_ =	swait.ge [sflag:s3], $0x200  }
0x158: {  	[sflag:s3] =	ssyncset.done $0x0  }
0x159: {  	[sflag:s3] =	ssyncadd.s32 $0xFFFFFE00  }
0x15a: {  	_ =	swait.ge [sflag:s3], $0x200  }
0x15b: {  	[sflag:s3] =	ssyncset.done $0x0  }
0x15c: {  	[sflag:s3] =	ssyncadd.s32 $0xFFFFFE00  }
0x15d: {  	_ =	swait.ge [sflag:s3], $0x200  }
0x15e: {  	[sflag:s3] =	ssyncset.done $0x0  }
0x15f: {  	[sflag:s3] =	ssyncadd.s32 $0xFFFFFE00  }
0x160: {  	_ =	swait.ge [sflag:s3], $0x200  }
0x161: {  	[sflag:s3] =	ssyncset.done $0x0  }
0x162: {  	[sflag:s3] =	ssyncadd.s32 $0xFFFFFE00  }
0x163: {  	_ =	swait.ge [sflag:s3], $0x200  }
0x164: {  	[sflag:s3] =	ssyncset.done $0x0  }
0x165: {  	[sflag:s3] =	ssyncadd.s32 $0xFFFFFE00  }
0x166: {  	_ =	swait.ge [sflag:s3], $0x200  }
0x167: {  	[sflag:s3] =	ssyncset.done $0x0  }
0x168: {  	[sflag:s3] =	ssyncadd.s32 $0xFFFFFE00  }
0x169: {  	_ =	swait.ge [sflag:s3], $0x200  }
0x16a: {  	[sflag:s3] =	ssyncset.done $0x0  }
0x16b: {  	[sflag:s3] =	ssyncadd.s32 $0xFFFFFE00  }
0x16c: {  	_ =	swait.ge [sflag:s3], $0x200  }
0x16d: {  	[sflag:s3] =	ssyncset.done $0x0  }
0x16e: {  	[sflag:s3] =	ssyncadd.s32 $0xFFFFFE00  }
0x16f: {  	_ =	swait.ge [sflag:s3], $0x200  }
0x170: {  	[sflag:s3] =	ssyncset.done $0x0  }
0x171: {  	[sflag:s3] =	ssyncadd.s32 $0xFFFFFE00  }
0x172: {  	_ =	swait.ge [sflag:s3], $0x200  }
0x173: {  	[sflag:s3] =	ssyncset.done $0x0  }
0x174: {  	[sflag:s3] =	ssyncadd.s32 $0xFFFFFE00  }
0x175: {  	_ =	swait.ge [sflag:s3], $0x200  }
0x176: {  	[sflag:s3] =	ssyncset.done $0x0  }
0x177: {  	[sflag:s3] =	ssyncadd.s32 $0xFFFFFE00  }
0x178: {  	_ =	swait.ge [sflag:s1], $0x1000  }
0x179: {  	[sflag:s1] =	ssyncset.done $0x0  }
0x17a: {  	[sflag:s1] =	ssyncadd.s32 $0xFFFFF000  }
0x17b: {  	_ =	swait.ge [sflag:s1], $0x1000  }
0x17c: {  	[sflag:s1] =	ssyncset.done $0x0  }
0x17d: {  	[sflag:s1] =	ssyncadd.s32 $0xFFFFF000  }
0x17e: {  	_ =	swait.ge [sflag:s1], $0x1000  }
0x17f: {  	[sflag:s1] =	ssyncset.done $0x0  }
0x180: {  	[sflag:s1] =	ssyncadd.s32 $0xFFFFF000  }
0x181: {  	_ =	swait.ge [sflag:s1], $0x1000  }
0x182: {  	[sflag:s1] =	ssyncset.done $0x0  }
0x183: {  	[sflag:s1] =	ssyncadd.s32 $0xFFFFF000  }
0x184: {  	_ =	swait.ge [sflag:s1], $0x1000  }
0x185: {  	[sflag:s1] =	ssyncset.done $0x0  }
0x186: {  	[sflag:s1] =	ssyncadd.s32 $0xFFFFF000  }
0x187: {  	_ =	swait.ge [sflag:s1], $0x1000  }
0x188: {  	[sflag:s1] =	ssyncset.done $0x0  }
0x189: {  	[sflag:s1] =	ssyncadd.s32 $0xFFFFF000  }
0x18a: {  	_ =	swait.ge [sflag:s1], $0x1000  }
0x18b: {  	[sflag:s1] =	ssyncset.done $0x0  }
0x18c: {  	[sflag:s1] =	ssyncadd.s32 $0xFFFFF000  }
0x18d: {  	_ =	swait.ge [sflag:s1], $0x1000  }
0x18e: {  	[sflag:s1] =	ssyncset.done $0x0  }
0x18f: {  	[sflag:s1] =	ssyncadd.s32 $0xFFFFF000  }
0x190: {  	_ =	swait.ge [sflag:s1], $0x1000  }
0x191: {  	[sflag:s1] =	ssyncset.done $0x0  }
0x192: {  	[sflag:s1] =	ssyncadd.s32 $0xFFFFF000  }
0x193: {  	_ =	swait.ge [sflag:s1], $0x1000  }
0x194: {  	[sflag:s1] =	ssyncset.done $0x0  }
0x195: {  	[sflag:s1] =	ssyncadd.s32 $0xFFFFF000  }
0x196: {  	_ =	swait.ge [sflag:s1], $0x1000  }
0x197: {  	[sflag:s1] =	ssyncset.done $0x0  }
0x198: {  	[sflag:s1] =	ssyncadd.s32 $0xFFFFF000  }
0x199: {  	_ =	swait.ge [sflag:s1], $0x1000  }
0x19a: {  	[sflag:s1] =	ssyncset.done $0x0  }
0x19b: {  	[sflag:s1] =	ssyncadd.s32 $0xFFFFF000  }
0x19c: {  	_ =	swait.ge [sflag:s1], $0x1000  }
0x19d: {  	[sflag:s1] =	ssyncset.done $0x0  }
0x19e: {  	[sflag:s1] =	ssyncadd.s32 $0xFFFFF000  }
0x19f: {  	_ =	swait.ge [sflag:s1], $0x1000  }
0x1a0: {  	[sflag:s1] =	ssyncset.done $0x0  }
0x1a1: {  	[sflag:s1] =	ssyncadd.s32 $0xFFFFF000  }
0x1a2: {  	_ =	swait.ge [sflag:s1], $0x1000  }
0x1a3: {  	[sflag:s1] =	ssyncset.done $0x0  }
0x1a4: {  	[sflag:s1] =	ssyncadd.s32 $0xFFFFF000  }
.Ltmp3:
0x1a5: {  	_ =	swait.ge [sflag:s1], $0x1000;
	(pc) =	sbr.rel .LBB2_4-.Ltmp3, $4  }
0x1a6: {  	s8 =	simm.s32 $0x8000;
	[sflag:s1] =	ssyncset.done $0x0  }
0x1a7: {  	s13 =	simm.s32 $0x0;
	s21 =	simm.s32 $0x0;
	[sflag:s1] =	ssyncadd.s32 $0xFFFFF000  }
0x1a8: {  	s22 =	simm.s32 $0x6000;
	s23 =	simm.s32 $0x4000;
	[bflag:$0x0] =	sbarrier.arrive $0xFFFF  }
0x1a9: {  	s24 =	simm.s32 $0x2000;
	s25 =	simm.s32 $0x0;
	s26 =	simm.s32 $0x0  }
.LBB2_8:
0x1aa: {  	s6 =	simm.s32 $0x1;
	s26 =	sadd.s32 $0x1, s26  }
0x1ab: {  	s6 =	simm.s32 @!p0 $0x0;
	p0 =	sne.s32 s26, $0x40  }
.Ltmp4:
0x1ac: {  	_ = 	snop;
	(pc) =	sbr.rel @!p0 .LBB2_9-.Ltmp4, $3  }
0x1ad: {  	_ =	sdelay $0x1  }
0x1ae: {  	s8 =	sadd.s32 $0x80, s8;
	s22 =	sadd.s32 $0x80, s22;
	s23 =	sadd.s32 $0x80, s23  }
0x1af: {  	s24 =	sadd.s32 $0x80, s24;
	s25 =	sadd.s32 $0x80, s25;
	s21 =	sadd.s32 s6, s21  }
.LBB2_4:
0x1b0: {  	s6 =	sshll.u32 s26, $0x7  }
0x1b1: {  	v6 =	vld [tilespmem:s6+$0x2000];
	s14 =	sand.u32 $0x3FFFFF80, s6  }
0x1b2: {  	v7 =	vld [tilespmem:s14+$0x2070];
	_ =	sdelay $0x3  }
0x1b3: {  	(v2sf) =	vpush v6, $0x0  }
0x1b4: {  	(v2sf) =	vpush v7, $0xF;
	_ =	sdelay $0xd  }
0x1b5: {  	s28 =	spop (v2sf)  }
0x1b6: {  	s15 =	spop (v2sf)  }
0x1b7: {  	p1 =	slt.s32 s28, s30;
	p0 =	sge.s32 s15, s11  }
0x1b8: {  	p0 =	por !p1, !p0  }
0x1b9: {  	p0 =	por !p0, !p0  }
.Ltmp5:
0x1ba: {  	_ = 	snop;
	(pc) =	sbr.rel @!p0 .LBB2_8-.Ltmp5, $1  }
0x1bb: {  	_ =	sdelay $0x3  }
0x1bc: {  	s16 =	sshra.s32 s13, $0x2  }
0x1bd: {  	s14 =	sadd.s32 s16, s25  }
0x1be: {  	v6 =	vld [tilespmem:s14+$0x0];
	_ =	sdelay $0x4  }
0x1bf: {  	v7 =	vadd.f32 $2.000000000e+00, v6;
	_ =	sdelay $0x1  }
0x1c0: {  	(erf) = vrcp.f32 v7;
	_ =	sdelay $0x8  }
0x1c1: {  	v7 =	vpop (erf)  }
0x1c2: {  	v6 =	vmul.f32 v7, v6;
	_ =	sdelay $0x1  }
0x1c3: {  	v7 =	vmul.f32 v6, v6;
	_ =	sdelay $0x1  }
0x1c4: {  	v8 =	vmul.f32 $9.090909360e-02, v7;
	_ =	sdelay $0x1  }
0x1c5: {  	v8 =	vadd.f32 $1.111111120e-01, v8;
	_ =	sdelay $0x1  }
0x1c6: {  	v8 =	vmul.f32 v8, v7;
	_ =	sdelay $0x1  }
0x1c7: {  	v8 =	vadd.f32 $1.428571490e-01, v8;
	_ =	sdelay $0x1  }
0x1c8: {  	v8 =	vmul.f32 v8, v7;
	_ =	sdelay $0x1  }
0x1c9: {  	v8 =	vadd.f32 $2.000000030e-01, v8;
	_ =	sdelay $0x1  }
0x1ca: {  	s15 =	sadd.s32 s16, s24;
	v8 =	vmul.f32 v8, v7  }
0x1cb: {  	s18 =	sadd.s32 s16, s23;
	v9 =	vld [tilespmem:s15+$0x0]  }
0x1cc: {  	v10 =	vld [tilespmem:s18+$0x0];
	v8 =	vadd.f32 $3.333333430e-01, v8;
	_ =	sdelay $0x1  }
0x1cd: {  	v7 =	vmul.f32 v8, v7;
	_ =	sdelay $0x1  }
0x1ce: {  	v6 =	vadd.f32 v6, v6;
	v8 =	vsub.s32 v9, v0;
	v7 =	vadd.f32 $1.000000000e+00, v7  }
0x1cf: {  	vm2 =	vlt.u32 v10, $0x200;
	vm1 =	vlt.u32 v8, $0x800;
	v8 =	vshll.u32 v8, $0x9  }
0x1d0: {  	vm1 =	vmand vm1, vm2;
	v6 =	vmul.f32 v7, v6;
	v7 =	vadd.s32 v10, v8  }
0x1d1: {  	s28 =	sadd.s32 s16, s22;
	s15 =	sadd.s32 $0x40, s13;
	v7 =	vnsel vm1, $0x100000, v7  }
0x1d2: {  	s14 =	sshra.s32 s15, $0x2;
	s15 =	sadd.s32 $0x40, s15;
	[tilespmem:s28+$0x0] =	vst v7;
	v6 =	vnsel vm1, $0x0, v6;
	s28 =	sadd.s32 s16, s8  }
.LBB2_6:
0x1d3: {  	p1 =	sne.s32 s15, $0x1C0;
	s16 =	sadd.s32 s14, s25;
	[tilespmem:s28+$0x0] =	vst v6  }
0x1d4: {  	v6 =	vld [tilespmem:s16+$0x0];
	_ =	sdelay $0x4  }
0x1d5: {  	v7 =	vadd.f32 $2.000000000e+00, v6;
	_ =	sdelay $0x1  }
0x1d6: {  	(erf) = vrcp.f32 v7;
	_ =	sdelay $0x8  }
0x1d7: {  	v7 =	vpop (erf)  }
0x1d8: {  	v6 =	vmul.f32 v7, v6;
	_ =	sdelay $0x1  }
0x1d9: {  	v7 =	vmul.f32 v6, v6;
	_ =	sdelay $0x1  }
0x1da: {  	v8 =	vmul.f32 $9.090909360e-02, v7;
	_ =	sdelay $0x1  }
0x1db: {  	v8 =	vadd.f32 $1.111111120e-01, v8;
	_ =	sdelay $0x1  }
0x1dc: {  	v8 =	vmul.f32 v8, v7;
	_ =	sdelay $0x1  }
0x1dd: {  	v8 =	vadd.f32 $1.428571490e-01, v8;
	_ =	sdelay $0x1  }
0x1de: {  	v8 =	vmul.f32 v8, v7;
	_ =	sdelay $0x1  }
0x1df: {  	v8 =	vadd.f32 $2.000000030e-01, v8;
	_ =	sdelay $0x1  }
0x1e0: {  	s16 =	sadd.s32 s14, s24;
	v8 =	vmul.f32 v8, v7  }
0x1e1: {  	v9 =	vld [tilespmem:s16+$0x0];
	s16 =	sadd.s32 s14, s23  }
0x1e2: {  	v8 =	vadd.f32 $3.333333430e-01, v8;
	v10 =	vld [tilespmem:s16+$0x0];
	_ =	sdelay $0x1  }
0x1e3: {  	v7 =	vmul.f32 v8, v7;
	_ =	sdelay $0x1  }
.Ltmp6:
0x1e4: {  	v6 =	vadd.f32 v6, v6;
	v7 =	vadd.f32 $1.000000000e+00, v7;
	v8 =	vsub.s32 v9, v0;
	(pc) =	sbr.rel @p1 .LBB2_6-.Ltmp6, $4  }
0x1e5: {  	vm1 =	vlt.u32 v8, $0x800;
	vm2 =	vlt.u32 v10, $0x200;
	v8 =	vshll.u32 v8, $0x9  }
0x1e6: {  	v6 =	vmul.f32 v7, v6;
	vm1 =	vmand vm1, vm2;
	v7 =	vadd.s32 v10, v8  }
0x1e7: {  	s16 =	sadd.s32 s14, s22;
	v7 =	vnsel vm1, $0x100000, v7  }
0x1e8: {  	s28 =	sadd.s32 s14, s8;
	s14 =	sshra.s32 s15, $0x2;
	s15 =	sadd.s32 $0x40, s15;
	[tilespmem:s16+$0x0] =	vst v7;
	v6 =	vnsel vm1, $0x0, v6  }
0x1e9: {  	s15 =	sadd.s32 s14, s25;
	[tilespmem:s28+$0x0] =	vst v6  }
0x1ea: {  	v6 =	vld [tilespmem:s15+$0x0];
	_ =	sdelay $0x4  }
0x1eb: {  	v7 =	vadd.f32 $2.000000000e+00, v6;
	_ =	sdelay $0x1  }
0x1ec: {  	(erf) = vrcp.f32 v7;
	_ =	sdelay $0x8  }
0x1ed: {  	v7 =	vpop (erf)  }
0x1ee: {  	v6 =	vmul.f32 v7, v6;
	_ =	sdelay $0x1  }
0x1ef: {  	v7 =	vmul.f32 v6, v6;
	_ =	sdelay $0x1  }
0x1f0: {  	v8 =	vmul.f32 $9.090909360e-02, v7;
	_ =	sdelay $0x1  }
0x1f1: {  	v8 =	vadd.f32 $1.111111120e-01, v8;
	_ =	sdelay $0x1  }
0x1f2: {  	v8 =	vmul.f32 v8, v7;
	_ =	sdelay $0x1  }
0x1f3: {  	v8 =	vadd.f32 $1.428571490e-01, v8;
	_ =	sdelay $0x1  }
0x1f4: {  	v8 =	vmul.f32 v8, v7;
	_ =	sdelay $0x1  }
0x1f5: {  	v8 =	vadd.f32 $2.000000030e-01, v8;
	_ =	sdelay $0x1  }
0x1f6: {  	s18 =	sadd.s32 s14, s24;
	v8 =	vmul.f32 v8, v7  }
0x1f7: {  	s28 =	sadd.s32 s14, s23;
	v9 =	vld [tilespmem:s18+$0x0]  }
0x1f8: {  	v10 =	vld [tilespmem:s28+$0x0];
	v8 =	vadd.f32 $3.333333430e-01, v8;
	_ =	sdelay $0x1  }
0x1f9: {  	v7 =	vmul.f32 v8, v7;
	_ =	sdelay $0x1  }
0x1fa: {  	v63 =	vsub.s32 v9, v0;
	v6 =	vadd.f32 v6, v6;
	v7 =	vadd.f32 $1.000000000e+00, v7  }
0x1fb: {  	vm2 =	vlt.u32 v10, $0x200;
	vm1 =	vlt.u32 v63, $0x800;
	v8 =	vshll.u32 v63, $0x9  }
.Ltmp7:
0x1fc: {  	vm1 =	vmand vm1, vm2;
	v6 =	vmul.f32 v7, v6;
	v7 =	vadd.s32 v10, v8;
	(pc) =	sbr.rel .LBB2_8-.Ltmp7, $4  }
0x1fd: {  	s12 =	sadd.s32 s14, s22;
	v7 =	vnsel vm1, $0x100000, v7  }
0x1fe: {  	s16 =	sadd.s32 s14, s8;
	[tilespmem:s12+$0x0] =	vst v7;
	v6 =	vnsel vm1, $0x0, v6  }
0x1ff: {  	s18 =	sadd.s32 $0x8000, s6;
	s28 =	sadd.s32 $0x6000, s6;
	[tilespmem:s16+$0x0] =	vst v6  }
0x200: {  	[spmem:s4] =	stream.indirect.scatter.add.f32 [tilespmem:s18], [sflag:$0x3], $0x1, s28, s7, $0xb8;
	[tilespmem:$0x1F088] =	vst v63  }
.LBB2_9:
0x201: {  	s22 =	simm.s32 $0x0;
	s6 =	rddreg [dreg:$0xe];
	s8 =	simm.s32 $0xB000  }
0x202: {  	[tilespmem:s8], [sflag:$0x5] =	stream.linear.gather [hbm4b:s6+s22], $0x80, $0x38;
	[tilespmem:$0x1F088] =	vst v63  }
0x203: {  	_ =	swait.ge [sflag:s9], $0x80  }
0x204: {  	[sflag:s9] =	ssyncset.done $0x0  }
0x205: {  	[sflag:s9] =	ssyncadd.s32 $0xFFFFFF80  }
0x206: {  	v6 =	vld [tilespmem:$0xB000];
	_ =	sdelay $0x4  }
0x207: {  	v7 =	vshll.u32 v6, $0x1  }
0x208: {  	v6 =	vand.u32 $0x1, v6;
	v7 =	vand.u32 $0xFFFFFFFC, v7  }
0x209: {  	v6 =	vor.u32 v6, v7  }
0x20a: {  	v7 =	vperm.xlane v6, v2;
	_ =	sdelay $0x1  }
0x20b: {  	v6 =	vperm.xlane v6, v4;
	v7 =	vadd.s32 v3, v7;
	_ =	sdelay $0x1  }
0x20c: {  	v6 =	vadd.s32 v3, v6;
	_ =	sdelay $0x1  }
0x20d: {  	s12 =	simm.s32 $0xB080  }
0x20e: {  	[tilespmem:s12], [sflag:$0x2] =	stream.indirect_vreg.gather [hbm4b:s0+s22], $0x80, v7, vm0, $0xb8;
	[tilespmem:$0x1F088] =	vst v63  }
0x20f: {  	s13 =	simm.s32 $0xB880  }
0x210: {  	[tilespmem:s13], [sflag:$0x2] =	stream.indirect_vreg.gather [hbm4b:s0+s22], $0x80, v6, vm0, $0xb8;
	[tilespmem:$0x1F088] =	vst v63  }
0x211: {  	v6 =	vld [tilespmem:$0xB010];
	_ =	sdelay $0x4  }
0x212: {  	v7 =	vshll.u32 v6, $0x1  }
0x213: {  	v6 =	vand.u32 $0x1, v6;
	v7 =	vand.u32 $0xFFFFFFFC, v7  }
0x214: {  	v6 =	vor.u32 v6, v7  }
0x215: {  	v7 =	vperm.xlane v6, v2;
	_ =	sdelay $0x1  }
0x216: {  	v6 =	vperm.xlane v6, v4;
	v7 =	vadd.s32 v3, v7;
	_ =	sdelay $0x1  }
0x217: {  	v6 =	vadd.s32 v3, v6;
	_ =	sdelay $0x1  }
0x218: {  	s14 =	simm.s32 $0xC080  }
0x219: {  	[tilespmem:s14], [sflag:$0x2] =	stream.indirect_vreg.gather [hbm4b:s0+s22], $0x80, v7, vm0, $0xb8;
	[tilespmem:$0x1F088] =	vst v63  }
0x21a: {  	s15 =	simm.s32 $0xC880  }
0x21b: {  	[tilespmem:s15], [sflag:$0x2] =	stream.indirect_vreg.gather [hbm4b:s0+s22], $0x80, v6, vm0, $0xb8;
	[tilespmem:$0x1F088] =	vst v63  }
0x21c: {  	v6 =	vld [tilespmem:$0xB020];
	_ =	sdelay $0x4  }
0x21d: {  	v7 =	vshll.u32 v6, $0x1  }
0x21e: {  	v6 =	vand.u32 $0x1, v6;
	v7 =	vand.u32 $0xFFFFFFFC, v7  }
0x21f: {  	v6 =	vor.u32 v6, v7  }
0x220: {  	v7 =	vperm.xlane v6, v2;
	_ =	sdelay $0x1  }
0x221: {  	v6 =	vperm.xlane v6, v4;
	v7 =	vadd.s32 v3, v7;
	_ =	sdelay $0x1  }
0x222: {  	v6 =	vadd.s32 v3, v6;
	_ =	sdelay $0x1  }
0x223: {  	s16 =	simm.s32 $0xD080  }
0x224: {  	[tilespmem:s16], [sflag:$0x2] =	stream.indirect_vreg.gather [hbm4b:s0+s22], $0x80, v7, vm0, $0xb8;
	[tilespmem:$0x1F088] =	vst v63  }
0x225: {  	s18 =	simm.s32 $0xD880  }
0x226: {  	[tilespmem:s18], [sflag:$0x2] =	stream.indirect_vreg.gather [hbm4b:s0+s22], $0x80, v6, vm0, $0xb8;
	[tilespmem:$0x1F088] =	vst v63  }
0x227: {  	v6 =	vld [tilespmem:$0xB030];
	_ =	sdelay $0x4  }
0x228: {  	v7 =	vshll.u32 v6, $0x1  }
0x229: {  	v6 =	vand.u32 $0x1, v6;
	v7 =	vand.u32 $0xFFFFFFFC, v7  }
0x22a: {  	v6 =	vor.u32 v6, v7  }
0x22b: {  	v7 =	vperm.xlane v6, v2;
	_ =	sdelay $0x1  }
0x22c: {  	v6 =	vperm.xlane v6, v4;
	v7 =	vadd.s32 v3, v7;
	_ =	sdelay $0x1  }
0x22d: {  	v6 =	vadd.s32 v3, v6;
	_ =	sdelay $0x1  }
0x22e: {  	s23 =	simm.s32 $0xE080  }
0x22f: {  	[tilespmem:s23], [sflag:$0x2] =	stream.indirect_vreg.gather [hbm4b:s0+s22], $0x80, v7, vm0, $0xb8;
	[tilespmem:$0x1F088] =	vst v63  }
0x230: {  	s24 =	simm.s32 $0xE880;
	s25 =	simm.s32 $0x2  }
0x231: {  	[tilespmem:s24], [sflag:$0x2] =	stream.indirect_vreg.gather [hbm4b:s0+s22], $0x80, v6, vm0, $0xb8;
	[tilespmem:$0x1F088] =	vst v63  }
0x232: {  	_ =	swait.ge [sflag:s25], $0x4000  }
0x233: {  	[sflag:s25] =	ssyncset.done $0x0  }
0x234: {  	s28 =	rddreg [dreg:$0x10];
	[sflag:s25] =	ssyncadd.s32 $0xFFFFC000  }
0x235: {  	[hbm4b:s28+s22] =	stream.linear.scatter [tilespmem:s12], [sflag:$0x5], $0x4000, $0x38;
	[tilespmem:$0x1F088] =	vst v63  }
0x236: {  	_ =	swait.ge [sflag:s9], $0x4000  }
0x237: {  	[sflag:s9] =	ssyncset.done $0x0  }
0x238: {  	[sflag:s9] =	ssyncadd.s32 $0xFFFFC000  }
0x239: {  	v6 =	vld [tilespmem:$0xB040];
	_ =	sdelay $0x4  }
0x23a: {  	v7 =	vshll.u32 v6, $0x1  }
0x23b: {  	v6 =	vand.u32 $0x1, v6;
	v7 =	vand.u32 $0xFFFFFFFC, v7  }
0x23c: {  	v6 =	vor.u32 v6, v7  }
0x23d: {  	v7 =	vperm.xlane v6, v2;
	_ =	sdelay $0x1  }
0x23e: {  	v6 =	vperm.xlane v6, v4;
	v7 =	vadd.s32 v3, v7;
	_ =	sdelay $0x1  }
0x23f: {  	v6 =	vadd.s32 v3, v6;
	_ =	sdelay $0x2  }
0x240: {  	[tilespmem:s12], [sflag:$0x2] =	stream.indirect_vreg.gather [hbm4b:s0+s22], $0x80, v7, vm0, $0xb8;
	[tilespmem:$0x1F088] =	vst v63  }
0x241: {  	_ = 	snop  }
0x242: {  	[tilespmem:s13], [sflag:$0x2] =	stream.indirect_vreg.gather [hbm4b:s0+s22], $0x80, v6, vm0, $0xb8;
	[tilespmem:$0x1F088] =	vst v63  }
0x243: {  	v6 =	vld [tilespmem:$0xB050];
	_ =	sdelay $0x4  }
0x244: {  	v7 =	vshll.u32 v6, $0x1  }
0x245: {  	v6 =	vand.u32 $0x1, v6;
	v7 =	vand.u32 $0xFFFFFFFC, v7  }
0x246: {  	v6 =	vor.u32 v6, v7  }
0x247: {  	v7 =	vperm.xlane v6, v2;
	_ =	sdelay $0x1  }
0x248: {  	v6 =	vperm.xlane v6, v4;
	v7 =	vadd.s32 v3, v7;
	_ =	sdelay $0x1  }
0x249: {  	v6 =	vadd.s32 v3, v6;
	_ =	sdelay $0x2  }
0x24a: {  	[tilespmem:s14], [sflag:$0x2] =	stream.indirect_vreg.gather [hbm4b:s0+s22], $0x80, v7, vm0, $0xb8;
	[tilespmem:$0x1F088] =	vst v63  }
0x24b: {  	_ = 	snop  }
0x24c: {  	[tilespmem:s15], [sflag:$0x2] =	stream.indirect_vreg.gather [hbm4b:s0+s22], $0x80, v6, vm0, $0xb8;
	[tilespmem:$0x1F088] =	vst v63  }
0x24d: {  	v6 =	vld [tilespmem:$0xB060];
	_ =	sdelay $0x4  }
0x24e: {  	v7 =	vshll.u32 v6, $0x1  }
0x24f: {  	v6 =	vand.u32 $0x1, v6;
	v7 =	vand.u32 $0xFFFFFFFC, v7  }
0x250: {  	v6 =	vor.u32 v6, v7  }
0x251: {  	v7 =	vperm.xlane v6, v2;
	_ =	sdelay $0x1  }
0x252: {  	v6 =	vperm.xlane v6, v4;
	v7 =	vadd.s32 v3, v7;
	_ =	sdelay $0x1  }
0x253: {  	v6 =	vadd.s32 v3, v6;
	_ =	sdelay $0x2  }
0x254: {  	[tilespmem:s16], [sflag:$0x2] =	stream.indirect_vreg.gather [hbm4b:s0+s22], $0x80, v7, vm0, $0xb8;
	[tilespmem:$0x1F088] =	vst v63  }
0x255: {  	_ = 	snop  }
0x256: {  	[tilespmem:s18], [sflag:$0x2] =	stream.indirect_vreg.gather [hbm4b:s0+s22], $0x80, v6, vm0, $0xb8;
	[tilespmem:$0x1F088] =	vst v63  }
0x257: {  	v6 =	vld [tilespmem:$0xB070];
	_ =	sdelay $0x4  }
0x258: {  	v7 =	vshll.u32 v6, $0x1  }
0x259: {  	v6 =	vand.u32 $0x1, v6;
	v7 =	vand.u32 $0xFFFFFFFC, v7  }
0x25a: {  	v6 =	vor.u32 v6, v7  }
0x25b: {  	v7 =	vperm.xlane v6, v2;
	_ =	sdelay $0x1  }
0x25c: {  	v6 =	vperm.xlane v6, v4;
	v7 =	vadd.s32 v3, v7;
	_ =	sdelay $0x1  }
0x25d: {  	v6 =	vadd.s32 v3, v6;
	_ =	sdelay $0x2  }
0x25e: {  	[tilespmem:s23], [sflag:$0x2] =	stream.indirect_vreg.gather [hbm4b:s0+s22], $0x80, v7, vm0, $0xb8;
	[tilespmem:$0x1F088] =	vst v63  }
0x25f: {  	_ = 	snop  }
0x260: {  	[tilespmem:s24], [sflag:$0x2] =	stream.indirect_vreg.gather [hbm4b:s0+s22], $0x80, v6, vm0, $0xb8;
	[tilespmem:$0x1F088] =	vst v63  }
0x261: {  	_ =	swait.ge [sflag:s25], $0x4000  }
0x262: {  	[sflag:s25] =	ssyncset.done $0x0  }
0x263: {  	s26 =	rddreg [dreg:$0x11];
	[sflag:s25] =	ssyncadd.s32 $0xFFFFC000  }
0x264: {  	[hbm4b:s26+s22] =	stream.linear.scatter [tilespmem:s12], [sflag:$0x5], $0x4000, $0x38;
	[tilespmem:$0x1F088] =	vst v63  }
0x265: {  	_ =	swait.ge [sflag:s9], $0x4000  }
0x266: {  	[sflag:s9] =	ssyncset.done $0x0  }
0x267: {  	s28 =	rddreg [dreg:$0xf];
	[sflag:s9] =	ssyncadd.s32 $0xFFFFC000  }
0x268: {  	[tilespmem:s8], [sflag:$0x5] =	stream.linear.gather [hbm4b:s28+s22], $0x80, $0x38;
	[tilespmem:$0x1F088] =	vst v63  }
0x269: {  	_ =	swait.ge [sflag:s9], $0x80  }
0x26a: {  	[sflag:s9] =	ssyncset.done $0x0  }
0x26b: {  	[sflag:s9] =	ssyncadd.s32 $0xFFFFFF80  }
0x26c: {  	v6 =	vld [tilespmem:$0xB000];
	_ =	sdelay $0x4  }
0x26d: {  	v7 =	vshll.u32 v6, $0x1  }
0x26e: {  	v6 =	vand.u32 $0x7, v6;
	v7 =	vand.u32 $0xFFFFFFF0, v7  }
0x26f: {  	v6 =	vor.u32 v6, v7  }
0x270: {  	v7 =	vperm.xlane v6, v2;
	_ =	sdelay $0x1  }
0x271: {  	v6 =	vperm.xlane v6, v4;
	v7 =	vadd.s32 v5, v7;
	_ =	sdelay $0x1  }
0x272: {  	v6 =	vadd.s32 v5, v6;
	_ =	sdelay $0x2  }
0x273: {  	[tilespmem:s12], [sflag:$0x2] =	stream.indirect_vreg.gather [hbm4b:s2+s22], $0x80, v7, vm0, $0xb8;
	[tilespmem:$0x1F088] =	vst v63  }
0x274: {  	_ = 	snop  }
0x275: {  	[tilespmem:s13], [sflag:$0x2] =	stream.indirect_vreg.gather [hbm4b:s2+s22], $0x80, v6, vm0, $0xb8;
	[tilespmem:$0x1F088] =	vst v63  }
0x276: {  	v6 =	vld [tilespmem:$0xB010];
	_ =	sdelay $0x4  }
0x277: {  	v7 =	vshll.u32 v6, $0x1  }
0x278: {  	v6 =	vand.u32 $0x7, v6;
	v7 =	vand.u32 $0xFFFFFFF0, v7  }
0x279: {  	v6 =	vor.u32 v6, v7  }
0x27a: {  	v7 =	vperm.xlane v6, v2;
	_ =	sdelay $0x1  }
0x27b: {  	v6 =	vperm.xlane v6, v4;
	v7 =	vadd.s32 v5, v7;
	_ =	sdelay $0x1  }
0x27c: {  	v6 =	vadd.s32 v5, v6;
	_ =	sdelay $0x2  }
0x27d: {  	[tilespmem:s14], [sflag:$0x2] =	stream.indirect_vreg.gather [hbm4b:s2+s22], $0x80, v7, vm0, $0xb8;
	[tilespmem:$0x1F088] =	vst v63  }
0x27e: {  	_ = 	snop  }
0x27f: {  	[tilespmem:s15], [sflag:$0x2] =	stream.indirect_vreg.gather [hbm4b:s2+s22], $0x80, v6, vm0, $0xb8;
	[tilespmem:$0x1F088] =	vst v63  }
0x280: {  	v6 =	vld [tilespmem:$0xB020];
	_ =	sdelay $0x4  }
0x281: {  	v7 =	vshll.u32 v6, $0x1  }
0x282: {  	v6 =	vand.u32 $0x7, v6;
	v7 =	vand.u32 $0xFFFFFFF0, v7  }
0x283: {  	v6 =	vor.u32 v6, v7  }
0x284: {  	v7 =	vperm.xlane v6, v2;
	_ =	sdelay $0x1  }
0x285: {  	v6 =	vperm.xlane v6, v4;
	v7 =	vadd.s32 v5, v7;
	_ =	sdelay $0x1  }
0x286: {  	v6 =	vadd.s32 v5, v6;
	_ =	sdelay $0x2  }
0x287: {  	[tilespmem:s16], [sflag:$0x2] =	stream.indirect_vreg.gather [hbm4b:s2+s22], $0x80, v7, vm0, $0xb8;
	[tilespmem:$0x1F088] =	vst v63  }
0x288: {  	_ = 	snop  }
0x289: {  	[tilespmem:s18], [sflag:$0x2] =	stream.indirect_vreg.gather [hbm4b:s2+s22], $0x80, v6, vm0, $0xb8;
	[tilespmem:$0x1F088] =	vst v63  }
0x28a: {  	v6 =	vld [tilespmem:$0xB030];
	_ =	sdelay $0x4  }
0x28b: {  	v7 =	vshll.u32 v6, $0x1  }
0x28c: {  	v6 =	vand.u32 $0x7, v6;
	v7 =	vand.u32 $0xFFFFFFF0, v7  }
0x28d: {  	v6 =	vor.u32 v6, v7  }
0x28e: {  	v7 =	vperm.xlane v6, v2;
	_ =	sdelay $0x1  }
0x28f: {  	v6 =	vperm.xlane v6, v4;
	v7 =	vadd.s32 v5, v7;
	_ =	sdelay $0x1  }
0x290: {  	v6 =	vadd.s32 v5, v6;
	_ =	sdelay $0x2  }
0x291: {  	[tilespmem:s23], [sflag:$0x2] =	stream.indirect_vreg.gather [hbm4b:s2+s22], $0x80, v7, vm0, $0xb8;
	[tilespmem:$0x1F088] =	vst v63  }
0x292: {  	_ = 	snop  }
0x293: {  	[tilespmem:s24], [sflag:$0x2] =	stream.indirect_vreg.gather [hbm4b:s2+s22], $0x80, v6, vm0, $0xb8;
	[tilespmem:$0x1F088] =	vst v63  }
0x294: {  	_ =	swait.ge [sflag:s25], $0x4000  }
0x295: {  	[sflag:s25] =	ssyncset.done $0x0  }
0x296: {  	s26 =	rddreg [dreg:$0x12];
	[sflag:s25] =	ssyncadd.s32 $0xFFFFC000  }
0x297: {  	[hbm4b:s26+s22] =	stream.linear.scatter [tilespmem:s12], [sflag:$0x5], $0x4000, $0x38;
	[tilespmem:$0x1F088] =	vst v63  }
0x298: {  	_ =	swait.ge [sflag:s9], $0x4000  }
0x299: {  	[sflag:s9] =	ssyncset.done $0x0  }
0x29a: {  	[sflag:s9] =	ssyncadd.s32 $0xFFFFC000  }
0x29b: {  	v6 =	vld [tilespmem:$0xB040];
	_ =	sdelay $0x4  }
0x29c: {  	v7 =	vshll.u32 v6, $0x1  }
0x29d: {  	v6 =	vand.u32 $0x7, v6;
	v7 =	vand.u32 $0xFFFFFFF0, v7  }
0x29e: {  	v6 =	vor.u32 v6, v7  }
0x29f: {  	v7 =	vperm.xlane v6, v2;
	_ =	sdelay $0x1  }
0x2a0: {  	v6 =	vperm.xlane v6, v4;
	v7 =	vadd.s32 v5, v7;
	_ =	sdelay $0x1  }
0x2a1: {  	v6 =	vadd.s32 v5, v6;
	_ =	sdelay $0x2  }
0x2a2: {  	[tilespmem:s12], [sflag:$0x2] =	stream.indirect_vreg.gather [hbm4b:s2+s22], $0x80, v7, vm0, $0xb8;
	[tilespmem:$0x1F088] =	vst v63  }
0x2a3: {  	_ = 	snop  }
0x2a4: {  	[tilespmem:s13], [sflag:$0x2] =	stream.indirect_vreg.gather [hbm4b:s2+s22], $0x80, v6, vm0, $0xb8;
	[tilespmem:$0x1F088] =	vst v63  }
0x2a5: {  	v6 =	vld [tilespmem:$0xB050];
	_ =	sdelay $0x4  }
0x2a6: {  	v7 =	vshll.u32 v6, $0x1  }
0x2a7: {  	v6 =	vand.u32 $0x7, v6;
	v7 =	vand.u32 $0xFFFFFFF0, v7  }
0x2a8: {  	v6 =	vor.u32 v6, v7  }
0x2a9: {  	v7 =	vperm.xlane v6, v2;
	_ =	sdelay $0x1  }
0x2aa: {  	v6 =	vperm.xlane v6, v4;
	v7 =	vadd.s32 v5, v7;
	_ =	sdelay $0x1  }
0x2ab: {  	v6 =	vadd.s32 v5, v6;
	_ =	sdelay $0x2  }
0x2ac: {  	[tilespmem:s14], [sflag:$0x2] =	stream.indirect_vreg.gather [hbm4b:s2+s22], $0x80, v7, vm0, $0xb8;
	[tilespmem:$0x1F088] =	vst v63  }
0x2ad: {  	_ = 	snop  }
0x2ae: {  	[tilespmem:s15], [sflag:$0x2] =	stream.indirect_vreg.gather [hbm4b:s2+s22], $0x80, v6, vm0, $0xb8;
	[tilespmem:$0x1F088] =	vst v63  }
0x2af: {  	v6 =	vld [tilespmem:$0xB060];
	_ =	sdelay $0x4  }
0x2b0: {  	v7 =	vshll.u32 v6, $0x1  }
0x2b1: {  	v6 =	vand.u32 $0x7, v6;
	v7 =	vand.u32 $0xFFFFFFF0, v7  }
0x2b2: {  	v6 =	vor.u32 v6, v7  }
0x2b3: {  	v7 =	vperm.xlane v6, v2;
	_ =	sdelay $0x1  }
0x2b4: {  	v6 =	vperm.xlane v6, v4;
	v7 =	vadd.s32 v5, v7;
	_ =	sdelay $0x1  }
0x2b5: {  	v6 =	vadd.s32 v5, v6;
	_ =	sdelay $0x2  }
0x2b6: {  	[tilespmem:s16], [sflag:$0x2] =	stream.indirect_vreg.gather [hbm4b:s2+s22], $0x80, v7, vm0, $0xb8;
	[tilespmem:$0x1F088] =	vst v63  }
0x2b7: {  	_ = 	snop  }
0x2b8: {  	[tilespmem:s18], [sflag:$0x2] =	stream.indirect_vreg.gather [hbm4b:s2+s22], $0x80, v6, vm0, $0xb8;
	[tilespmem:$0x1F088] =	vst v63  }
0x2b9: {  	v6 =	vld [tilespmem:$0xB070];
	_ =	sdelay $0x4  }
0x2ba: {  	v7 =	vshll.u32 v6, $0x1  }
0x2bb: {  	v6 =	vand.u32 $0x7, v6;
	v7 =	vand.u32 $0xFFFFFFF0, v7  }
0x2bc: {  	v6 =	vor.u32 v6, v7  }
0x2bd: {  	v7 =	vperm.xlane v6, v2;
	_ =	sdelay $0x1  }
0x2be: {  	v6 =	vperm.xlane v6, v4;
	v7 =	vadd.s32 v5, v7;
	_ =	sdelay $0x1  }
0x2bf: {  	v6 =	vadd.s32 v5, v6;
	_ =	sdelay $0x2  }
0x2c0: {  	[tilespmem:s23], [sflag:$0x2] =	stream.indirect_vreg.gather [hbm4b:s2+s22], $0x80, v7, vm0, $0xb8;
	[tilespmem:$0x1F088] =	vst v63  }
0x2c1: {  	_ = 	snop  }
0x2c2: {  	[tilespmem:s24], [sflag:$0x2] =	stream.indirect_vreg.gather [hbm4b:s2+s22], $0x80, v6, vm0, $0xb8;
	[tilespmem:$0x1F088] =	vst v63  }
0x2c3: {  	_ =	swait.ge [sflag:s25], $0x4000  }
0x2c4: {  	p0 =	slt.s32 s21, $0x1;
	[sflag:s25] =	ssyncset.done $0x0  }
.Ltmp8:
0x2c5: {  	s28 =	rddreg [dreg:$0x13];
	[sflag:s25] =	ssyncadd.s32 $0xFFFFC000;
	(pc) =	sbr.rel @p0 .LBB2_13-.Ltmp8, $4  }
0x2c6: {  	[hbm4b:s28+s22] =	stream.linear.scatter [tilespmem:s12], [sflag:$0x5], $0x4000, $0x38;
	[tilespmem:$0x1F088] =	vst v63  }
0x2c7: {  	_ =	swait.ge [sflag:s9], $0x4000  }
0x2c8: {  	[sflag:s9] =	ssyncset.done $0x0  }
0x2c9: {  	[sflag:s9] =	ssyncadd.s32 $0xFFFFC000  }
0x2ca: {  	s6 =	sadd.s32 $0x1, s22  }
0x2cb: {  	p0 =	slt.s32 s6, s21  }
.Ltmp9:
0x2cc: {  	_ = 	snop;
	(pc) =	sbr.rel @!p0 .LBB2_12-.Ltmp9, $3  }
0x2cd: {  	_ =	sdelay $0x1  }
0x2ce: {  	_ =	swait.ge [sflag:s19], $0x80  }
0x2cf: {  	[sflag:s19] =	ssyncset.done $0x0  }
.LBB2_11:
0x2d0: {  	s6 =	sadd.s32 $0x1, s6  }
0x2d1: {  	[sflag:s19] =	ssyncadd.s32 $0xFFFFFF80;
	p0 =	slt.s32 s6, s21  }
.Ltmp10:
0x2d2: {  	(pc) =	sbr.rel @p0 .LBB2_11-.Ltmp10, $3  }
0x2d3: {  	_ =	sdelay $0x1  }
0x2d4: {  	_ =	swait.ge [sflag:s19], $0x80  }
0x2d5: {  	[sflag:s19] =	ssyncset.done $0x0  }
.LBB2_12:
0x2d6: {  	[sflag:s19] =	ssyncadd.s32 $0xFFFFFF80  }
.LBB2_13:
0x2d7: {  	[bflag:$0x0] =	sbarrier.arrive $0xFFFF  }
0x2d8: {  	s6 =	rddreg [dreg:$0xb]  }
0x2d9: {  	s22 =	sshrl.u32 s10, $0x3;
	s23 =	rddreg [dreg:$0x15];
	s21 =	sor.u32 $0x1C05, s6  }
0x2da: {  	[hbm:s23], [sflag:s21] =	dma.local [spmem:s22], $0x2000  }
0x2db: {  	_ =	swait.ge [sflag:s9], $0x2000  }
0x2dc: {  	[sflag:s9] =	ssyncset.done $0x0  }
0x2dd: {  	[sflag:s9] =	ssyncadd.s32 $0xFFFFE000  }
0x2de: {  	[spmem:s10] =	stream.linear.scatter [tilespmem:s31], [sflag:$0x4], $0x1000, $0x38;
	[tilespmem:$0x1F088] =	vst v63  }
0x2df: {  	_ = 	snop  }
0x2e0: {  	[spmem:s17] =	stream.linear.scatter [tilespmem:s31], [sflag:$0x4], $0x1000, $0x38;
	[tilespmem:$0x1F088] =	vst v63  }
0x2e1: {  	s24 =	sld [smem:$0x7F1]  }
0x2e2: {  	[spmem:s29] =	stream.linear.scatter [tilespmem:s31], [sflag:$0x4], $0x1000, $0x38;
	[tilespmem:$0x1F088] =	vst v63  }
0x2e3: {  	s25 =	sld [smem:$0x7F2]  }
0x2e4: {  	[spmem:s24] =	stream.linear.scatter [tilespmem:s31], [sflag:$0x4], $0x1000, $0x38;
	[tilespmem:$0x1F088] =	vst v63  }
0x2e5: {  	s26 =	sld [smem:$0x7F3]  }
0x2e6: {  	[spmem:s25] =	stream.linear.scatter [tilespmem:s31], [sflag:$0x4], $0x1000, $0x38;
	[tilespmem:$0x1F088] =	vst v63  }
0x2e7: {  	s8 =	sld [smem:$0x7F4]  }
0x2e8: {  	[spmem:s26] =	stream.linear.scatter [tilespmem:s31], [sflag:$0x4], $0x1000, $0x38;
	[tilespmem:$0x1F088] =	vst v63  }
0x2e9: {  	s13 =	sld [smem:$0x7F5]  }
0x2ea: {  	[spmem:s8] =	stream.linear.scatter [tilespmem:s31], [sflag:$0x4], $0x1000, $0x38;
	[tilespmem:$0x1F088] =	vst v63  }
0x2eb: {  	s14 =	sld [smem:$0x7F6]  }
0x2ec: {  	[spmem:s13] =	stream.linear.scatter [tilespmem:s31], [sflag:$0x4], $0x1000, $0x38;
	[tilespmem:$0x1F088] =	vst v63  }
0x2ed: {  	s15 =	sld [smem:$0x7F7]  }
0x2ee: {  	[spmem:s14] =	stream.linear.scatter [tilespmem:s31], [sflag:$0x4], $0x1000, $0x38;
	[tilespmem:$0x1F088] =	vst v63  }
0x2ef: {  	s16 =	sld [smem:$0x7F8]  }
0x2f0: {  	[spmem:s15] =	stream.linear.scatter [tilespmem:s31], [sflag:$0x4], $0x1000, $0x38;
	[tilespmem:$0x1F088] =	vst v63  }
0x2f1: {  	s12 =	smov.u32 s10;
	s10 =	smov.u32 s17;
	s17 =	sld [smem:$0x7F9]  }
0x2f2: {  	[spmem:s16] =	stream.linear.scatter [tilespmem:s31], [sflag:$0x4], $0x1000, $0x38;
	[tilespmem:$0x1F088] =	vst v63  }
0x2f3: {  	s23 =	sld [smem:$0x7FA]  }
0x2f4: {  	[spmem:s17] =	stream.linear.scatter [tilespmem:s31], [sflag:$0x4], $0x1000, $0x38;
	[tilespmem:$0x1F088] =	vst v63  }
0x2f5: {  	s24 =	sld [smem:$0x7FB]  }
0x2f6: {  	[spmem:s23] =	stream.linear.scatter [tilespmem:s31], [sflag:$0x4], $0x1000, $0x38;
	[tilespmem:$0x1F088] =	vst v63  }
0x2f7: {  	s25 =	sld [smem:$0x7FC]  }
0x2f8: {  	[spmem:s24] =	stream.linear.scatter [tilespmem:s31], [sflag:$0x4], $0x1000, $0x38;
	[tilespmem:$0x1F088] =	vst v63  }
0x2f9: {  	s26 =	sld [smem:$0x7FD]  }
0x2fa: {  	[spmem:s25] =	stream.linear.scatter [tilespmem:s31], [sflag:$0x4], $0x1000, $0x38;
	[tilespmem:$0x1F088] =	vst v63  }
0x2fb: {  	_ = 	snop  }
0x2fc: {  	[spmem:s26] =	stream.linear.scatter [tilespmem:s31], [sflag:$0x4], $0x1000, $0x38;
	[tilespmem:$0x1F088] =	vst v63  }
0x2fd: {  	_ =	swait.ge [sflag:s1], $0x1000  }
0x2fe: {  	[sflag:s1] =	ssyncset.done $0x0  }
0x2ff: {  	[sflag:s1] =	ssyncadd.s32 $0xFFFFF000  }
0x300: {  	_ =	swait.ge [sflag:s1], $0x1000  }
0x301: {  	[sflag:s1] =	ssyncset.done $0x0  }
0x302: {  	[sflag:s1] =	ssyncadd.s32 $0xFFFFF000  }
0x303: {  	_ =	swait.ge [sflag:s1], $0x1000  }
0x304: {  	[sflag:s1] =	ssyncset.done $0x0  }
0x305: {  	[sflag:s1] =	ssyncadd.s32 $0xFFFFF000  }
0x306: {  	_ =	swait.ge [sflag:s1], $0x1000  }
0x307: {  	[sflag:s1] =	ssyncset.done $0x0  }
0x308: {  	[sflag:s1] =	ssyncadd.s32 $0xFFFFF000  }
0x309: {  	_ =	swait.ge [sflag:s1], $0x1000  }
0x30a: {  	[sflag:s1] =	ssyncset.done $0x0  }
0x30b: {  	[sflag:s1] =	ssyncadd.s32 $0xFFFFF000  }
0x30c: {  	_ =	swait.ge [sflag:s1], $0x1000  }
0x30d: {  	[sflag:s1] =	ssyncset.done $0x0  }
0x30e: {  	[sflag:s1] =	ssyncadd.s32 $0xFFFFF000  }
0x30f: {  	_ =	swait.ge [sflag:s1], $0x1000  }
0x310: {  	[sflag:s1] =	ssyncset.done $0x0  }
0x311: {  	[sflag:s1] =	ssyncadd.s32 $0xFFFFF000  }
0x312: {  	_ =	swait.ge [sflag:s1], $0x1000  }
0x313: {  	[sflag:s1] =	ssyncset.done $0x0  }
0x314: {  	[sflag:s1] =	ssyncadd.s32 $0xFFFFF000  }
0x315: {  	_ =	swait.ge [sflag:s1], $0x1000  }
0x316: {  	[sflag:s1] =	ssyncset.done $0x0  }
0x317: {  	[sflag:s1] =	ssyncadd.s32 $0xFFFFF000  }
0x318: {  	_ =	swait.ge [sflag:s1], $0x1000  }
0x319: {  	[sflag:s1] =	ssyncset.done $0x0  }
0x31a: {  	[sflag:s1] =	ssyncadd.s32 $0xFFFFF000  }
0x31b: {  	_ =	swait.ge [sflag:s1], $0x1000  }
0x31c: {  	[sflag:s1] =	ssyncset.done $0x0  }
0x31d: {  	[sflag:s1] =	ssyncadd.s32 $0xFFFFF000  }
0x31e: {  	_ =	swait.ge [sflag:s1], $0x1000  }
0x31f: {  	[sflag:s1] =	ssyncset.done $0x0  }
0x320: {  	[sflag:s1] =	ssyncadd.s32 $0xFFFFF000  }
0x321: {  	_ =	swait.ge [sflag:s1], $0x1000  }
0x322: {  	[sflag:s1] =	ssyncset.done $0x0  }
0x323: {  	[sflag:s1] =	ssyncadd.s32 $0xFFFFF000  }
0x324: {  	_ =	swait.ge [sflag:s1], $0x1000  }
0x325: {  	[sflag:s1] =	ssyncset.done $0x0  }
0x326: {  	[sflag:s1] =	ssyncadd.s32 $0xFFFFF000  }
0x327: {  	_ =	swait.ge [sflag:s1], $0x1000  }
0x328: {  	[sflag:s1] =	ssyncset.done $0x0  }
0x329: {  	[sflag:s1] =	ssyncadd.s32 $0xFFFFF000  }
.Ltmp11:
0x32a: {  	_ =	swait.ge [sflag:s1], $0x1000;
	(pc) =	sbr.rel .LBB2_14-.Ltmp11, $4  }
0x32b: {  	s18 =	smov.u32 s29;
	s28 =	simm.s32 $0x4000;
	[sflag:s1] =	ssyncset.done $0x0  }
0x32c: {  	s29 =	simm.s32 $0x2000;
	s8 =	simm.s32 $0x0;
	[sflag:s1] =	ssyncadd.s32 $0xFFFFF000  }
0x32d: {  	s13 =	simm.s32 $0x0;
	s23 =	simm.s32 $0x0;
	[bflag:$0x0] =	sbarrier.arrive $0xFFFF  }
0x32e: {  	s24 =	simm.s32 $0x0;
	s25 =	simm.s32 $0x8000;
	s26 =	simm.s32 $0x6000  }
.LBB2_18:
0x32f: {  	s6 =	simm.s32 $0x1;
	s8 =	sadd.s32 $0x1, s8  }
0x330: {  	s6 =	simm.s32 @!p0 $0x0;
	p0 =	seq.s32 s8, $0x40  }
.Ltmp12:
0x331: {  	_ = 	snop;
	(pc) =	sbr.rel @p0 .LBB2_19-.Ltmp12, $3  }
0x332: {  	_ =	sdelay $0x1  }
0x333: {  	s25 =	sadd.s32 $0x80, s25;
	s26 =	sadd.s32 $0x80, s26;
	s28 =	sadd.s32 $0x80, s28  }
0x334: {  	s29 =	sadd.s32 $0x80, s29;
	s13 =	sadd.s32 $0x80, s13;
	s23 =	sadd.s32 s6, s23  }
.LBB2_14:
0x335: {  	s6 =	sshll.u32 s8, $0x7  }
0x336: {  	v6 =	vld [tilespmem:s6+$0x2000];
	s14 =	sand.u32 $0x3FFFFF80, s6  }
0x337: {  	v7 =	vld [tilespmem:s14+$0x2070];
	_ =	sdelay $0x3  }
0x338: {  	(v2sf) =	vpush v6, $0x0  }
0x339: {  	(v2sf) =	vpush v7, $0xF;
	_ =	sdelay $0xd  }
0x33a: {  	s17 =	spop (v2sf)  }
0x33b: {  	s15 =	spop (v2sf)  }
0x33c: {  	p1 =	slt.s32 s17, s30;
	p0 =	sge.s32 s15, s11  }
0x33d: {  	p0 =	por !p1, !p0  }
0x33e: {  	p0 =	por !p0, !p0  }
.Ltmp13:
0x33f: {  	_ = 	snop;
	(pc) =	sbr.rel @!p0 .LBB2_18-.Ltmp13, $1  }
0x340: {  	_ =	sdelay $0x3  }
0x341: {  	s16 =	sshra.s32 s24, $0x2  }
0x342: {  	s14 =	sadd.s32 s16, s13  }
0x343: {  	v6 =	vld [tilespmem:s14+$0x0];
	_ =	sdelay $0x4  }
0x344: {  	v7 =	vadd.f32 $2.000000000e+00, v6;
	_ =	sdelay $0x1  }
0x345: {  	(erf) = vrcp.f32 v7;
	_ =	sdelay $0x8  }
0x346: {  	v7 =	vpop (erf)  }
0x347: {  	v6 =	vmul.f32 v7, v6;
	_ =	sdelay $0x1  }
0x348: {  	v7 =	vmul.f32 v6, v6;
	_ =	sdelay $0x1  }
0x349: {  	v8 =	vmul.f32 $9.090909360e-02, v7;
	_ =	sdelay $0x1  }
0x34a: {  	v8 =	vadd.f32 $1.111111120e-01, v8;
	_ =	sdelay $0x1  }
0x34b: {  	v8 =	vmul.f32 v8, v7;
	_ =	sdelay $0x1  }
0x34c: {  	v8 =	vadd.f32 $1.428571490e-01, v8;
	_ =	sdelay $0x1  }
0x34d: {  	v8 =	vmul.f32 v8, v7;
	_ =	sdelay $0x1  }
0x34e: {  	s17 =	sadd.s32 s16, s28;
	v8 =	vadd.f32 $2.000000030e-01, v8  }
0x34f: {  	s15 =	sadd.s32 s16, s29;
	v9 =	vld [tilespmem:s17+$0x0]  }
0x350: {  	v10 =	vld [tilespmem:s15+$0x0];
	v8 =	vmul.f32 v8, v7;
	_ =	sdelay $0x1  }
0x351: {  	v8 =	vadd.f32 $3.333333430e-01, v8;
	_ =	sdelay $0x1  }
0x352: {  	v7 =	vmul.f32 v8, v7  }
0x353: {  	v63 =	vand.u32 $0xFFFFFE00, v9;
	v8 =	vsub.s32 v10, v0  }
0x354: {  	v6 =	vadd.f32 v6, v6;
	v11 =	vshll.u32 v8, $0x9;
	v7 =	vadd.f32 $1.000000000e+00, v7  }
0x355: {  	vm2 =	veq.s32 v63, $0x200;
	vm1 =	vlt.u32 v8, $0x800;
	v9 =	vadd.s32 v11, v9  }
0x356: {  	vm1 =	vmand vm1, vm2;
	v6 =	vmul.f32 v7, v6;
	v7 =	vadd.s32 $0xFFFFFE00, v9  }
0x357: {  	s15 =	sadd.s32 $0x40, s24;
	s17 =	sadd.s32 s16, s26;
	v7 =	vnsel vm1, $0x100000, v7  }
0x358: {  	s16 =	sadd.s32 s16, s25;
	s14 =	sshra.s32 s15, $0x2;
	s15 =	sadd.s32 $0x40, s15;
	[tilespmem:s17+$0x0] =	vst v7;
	v6 =	vnsel vm1, $0x0, v6  }
.LBB2_16:
0x359: {  	p1 =	sne.s32 s15, $0x1C0;
	s17 =	sadd.s32 s14, s13;
	[tilespmem:s16+$0x0] =	vst v6  }
0x35a: {  	v6 =	vld [tilespmem:s17+$0x0];
	_ =	sdelay $0x4  }
0x35b: {  	v7 =	vadd.f32 $2.000000000e+00, v6;
	_ =	sdelay $0x1  }
0x35c: {  	(erf) = vrcp.f32 v7;
	_ =	sdelay $0x8  }
0x35d: {  	v7 =	vpop (erf)  }
0x35e: {  	v6 =	vmul.f32 v7, v6;
	_ =	sdelay $0x1  }
0x35f: {  	v7 =	vmul.f32 v6, v6;
	_ =	sdelay $0x1  }
0x360: {  	v8 =	vmul.f32 $9.090909360e-02, v7;
	_ =	sdelay $0x1  }
0x361: {  	v8 =	vadd.f32 $1.111111120e-01, v8;
	_ =	sdelay $0x1  }
0x362: {  	v8 =	vmul.f32 v8, v7;
	_ =	sdelay $0x1  }
0x363: {  	v8 =	vadd.f32 $1.428571490e-01, v8;
	_ =	sdelay $0x1  }
0x364: {  	v8 =	vmul.f32 v8, v7;
	_ =	sdelay $0x1  }
0x365: {  	s16 =	sadd.s32 s14, s28;
	v8 =	vadd.f32 $2.000000030e-01, v8  }
0x366: {  	s17 =	sadd.s32 s14, s29;
	v9 =	vld [tilespmem:s16+$0x0]  }
0x367: {  	v8 =	vmul.f32 v8, v7;
	v10 =	vld [tilespmem:s17+$0x0];
	_ =	sdelay $0x1  }
0x368: {  	v8 =	vadd.f32 $3.333333430e-01, v8;
	_ =	sdelay $0x1  }
0x369: {  	v7 =	vmul.f32 v8, v7  }
0x36a: {  	v8 =	vsub.s32 v10, v0;
	v10 =	vand.u32 $0xFFFFFE00, v9  }
.Ltmp14:
0x36b: {  	v6 =	vadd.f32 v6, v6;
	v7 =	vadd.f32 $1.000000000e+00, v7;
	v11 =	vshll.u32 v8, $0x9;
	(pc) =	sbr.rel @p1 .LBB2_16-.Ltmp14, $4  }
0x36c: {  	vm1 =	vlt.u32 v8, $0x800;
	vm2 =	veq.s32 v10, $0x200;
	v9 =	vadd.s32 v11, v9  }
0x36d: {  	vm1 =	vmand vm1, vm2;
	v6 =	vmul.f32 v7, v6;
	v7 =	vadd.s32 $0xFFFFFE00, v9  }
0x36e: {  	s16 =	sadd.s32 s14, s26;
	v7 =	vnsel vm1, $0x100000, v7  }
0x36f: {  	[tilespmem:s16+$0x0] =	vst v7;
	v6 =	vnsel vm1, $0x0, v6;
	s16 =	sadd.s32 s14, s25;
	s14 =	sshra.s32 s15, $0x2;
	s15 =	sadd.s32 $0x40, s15  }
0x370: {  	s15 =	sadd.s32 s14, s13;
	[tilespmem:s16+$0x0] =	vst v6  }
0x371: {  	v6 =	vld [tilespmem:s15+$0x0];
	_ =	sdelay $0x4  }
0x372: {  	v7 =	vadd.f32 $2.000000000e+00, v6;
	_ =	sdelay $0x1  }
0x373: {  	(erf) = vrcp.f32 v7;
	_ =	sdelay $0x8  }
0x374: {  	v7 =	vpop (erf)  }
0x375: {  	v6 =	vmul.f32 v7, v6;
	_ =	sdelay $0x1  }
0x376: {  	v7 =	vmul.f32 v6, v6;
	_ =	sdelay $0x1  }
0x377: {  	v8 =	vmul.f32 $9.090909360e-02, v7;
	_ =	sdelay $0x1  }
0x378: {  	v8 =	vadd.f32 $1.111111120e-01, v8;
	_ =	sdelay $0x1  }
0x379: {  	v8 =	vmul.f32 v8, v7;
	_ =	sdelay $0x1  }
0x37a: {  	v8 =	vadd.f32 $1.428571490e-01, v8;
	_ =	sdelay $0x1  }
0x37b: {  	v8 =	vmul.f32 v8, v7;
	_ =	sdelay $0x1  }
0x37c: {  	s16 =	sadd.s32 s14, s28;
	v8 =	vadd.f32 $2.000000030e-01, v8  }
0x37d: {  	s17 =	sadd.s32 s14, s29;
	v9 =	vld [tilespmem:s16+$0x0]  }
0x37e: {  	v10 =	vld [tilespmem:s17+$0x0];
	v8 =	vmul.f32 v8, v7;
	_ =	sdelay $0x1  }
0x37f: {  	v8 =	vadd.f32 $3.333333430e-01, v8;
	_ =	sdelay $0x1  }
0x380: {  	v7 =	vmul.f32 v8, v7  }
0x381: {  	v62 =	vsub.s32 v10, v0;
	v63 =	vand.u32 $0xFFFFFE00, v9  }
0x382: {  	v11 =	vshll.u32 v62, $0x9;
	v6 =	vadd.f32 v6, v6;
	v7 =	vadd.f32 $1.000000000e+00, v7  }
0x383: {  	vm1 =	vlt.u32 v62, $0x800;
	vm2 =	veq.s32 v63, $0x200;
	v9 =	vadd.s32 v11, v9  }
.Ltmp15:
0x384: {  	vm1 =	vmand vm1, vm2;
	v6 =	vmul.f32 v7, v6;
	v7 =	vadd.s32 $0xFFFFFE00, v9;
	(pc) =	sbr.rel .LBB2_18-.Ltmp15, $4  }
0x385: {  	s17 =	sadd.s32 s14, s26;
	v7 =	vnsel vm1, $0x100000, v7  }
0x386: {  	s15 =	sadd.s32 s14, s25;
	[tilespmem:s17+$0x0] =	vst v7;
	v6 =	vnsel vm1, $0x0, v6  }
0x387: {  	s16 =	sadd.s32 $0x8000, s6;
	s17 =	sadd.s32 $0x6000, s6;
	[tilespmem:s15+$0x0] =	vst v6  }
0x388: {  	[spmem:s4] =	stream.indirect.scatter.add.f32 [tilespmem:s16], [sflag:$0x3], $0x1, s17, s7, $0xb8;
	[tilespmem:$0x1F088] =	vst v63  }
.LBB2_19:
0x389: {  	p0 =	sgt.s32 s23, $0x0  }
.Ltmp16:
0x38a: {  	_ = 	snop;
	(pc) =	sbr.rel @!p0 .LBB2_23-.Ltmp16, $3  }
0x38b: {  	_ =	sdelay $0x1  }
0x38c: {  	s6 =	simm.s32 $0x0  }
0x38d: {  	s17 =	smov.u32 s10;
	s10 =	smov.u32 s12;
	s29 =	smov.u32 s18  }
0x38e: {  	s6 =	sadd.s32 $0x1, s6  }
0x38f: {  	p0 =	slt.s32 s6, s23  }
.Ltmp17:
0x390: {  	_ = 	snop;
	(pc) =	sbr.rel @!p0 .LBB2_22-.Ltmp17, $3  }
0x391: {  	_ =	sdelay $0x1  }
0x392: {  	_ =	swait.ge [sflag:s19], $0x80  }
0x393: {  	[sflag:s19] =	ssyncset.done $0x0  }
.LBB2_21:
0x394: {  	s6 =	sadd.s32 $0x1, s6  }
0x395: {  	[sflag:s19] =	ssyncadd.s32 $0xFFFFFF80;
	p0 =	slt.s32 s6, s23  }
.Ltmp18:
0x396: {  	(pc) =	sbr.rel @p0 .LBB2_21-.Ltmp18, $3  }
0x397: {  	_ =	sdelay $0x1  }
0x398: {  	_ =	swait.ge [sflag:s19], $0x80  }
0x399: {  	[sflag:s19] =	ssyncset.done $0x0  }
.Ltmp19:
0x39a: {  	_ = 	snop;
	(pc) =	sbr.rel .LBB2_22-.Ltmp19, $1  }
0x39b: {  	_ =	sdelay $0x3  }
.LBB2_24:
0x39c: {  	_ =	sfence.sel $0x180000  }
0x39d: {  	[bflag:$0x0] =	sbarrier.arrive $0xFFFF  }
0x39e: {  	_ =	strace $0x90000047  }
0x39f: {  	s0 =	stileid.u32;
	[bflag:$0x2] =	sbarrier.arrive $0xFFFF  }
0x3a0: {  	p0 =	sne.s32 s0, $0x0;
	s0 =	rddreg [dreg:$0xa]  }
0x3a1: {  	s0 =	sadd.s32 @!p0 $0x100000, s0  }
0x3a2: {  	[sflag:s0] =	ssyncadd.tile.s32 @!p0 $0x1;
	_ =	shalt  }
.Lfunc_end2:
_tile_overlayer_lowered:
.L_overlay_start_2:
0x3a3: {  	(tag) =	ssettag $0x2  }
0x3a4: {  	s0 =	rddreg [dreg:$0x0];
	s2 =	stileid.u32  }
0x3a5: {  	s1 =	rddreg [dreg:$0x1];
	p0 =	sne.s32 s2, $0x0  }
0x3a6: {  	s3 =	rddreg [dreg:$0x2];
	[bflag:$0x3] =	sbarrier.arrive $0xFFFF;
	s2 =	simm.s32 @!p0 $0x1C05  }
0x3a7: {  	[timem:s3], [sflag:s2] =	dma.local @!p0 [hbm:s0], s1  }
0x3a8: {  	s0 =	simm.s32 @!p0 $0x5  }
0x3a9: {  	_ =	swait.ge @!p0 [sflag:s0], s1  }
0x3aa: {  	s1 =	ssub.s32 @!p0 $0x0, s1;
	[sflag:s0] =	ssyncset.done @!p0 $0x0  }
0x3ab: {  	[sflag:s0] =	ssyncadd.s32 @!p0 s1  }
0x3ac: {  	[bflag:$0x3] =	sbarrier.arrive $0xFFFF  }
0x3ad: {  	_ =	shalt  }

</sc_bundles>
